<compile_context>
chip_gen: v7x
topology: tpu7x:2x2x1
jax: 0.10.2.dev20260603
libtpu: 0.0.44.dev20260713+nightly
codegen_flags: <defaults>
</compile_context>

<pallas_src>
import functools

import jax
import jax.numpy as jnp
from jax import lax
from jax.experimental import pallas as pl
from jax.experimental.pallas import tpu as pltpu
from jax.experimental.pallas import tpu_sc as plsc

TOK = 32000
B_TOTAL = 8192
D = 1024
NC = 2
NS = 16
NW = NC * NS
BPW = B_TOTAL // NW
CHUNK = 32
NCHUNK = BPW // CHUNK
NBUF = 3

_mesh = plsc.VectorSubcoreMesh(core_axis_name="c", subcore_axis_name="s")


@functools.partial(
    pl.kernel,
    mesh=_mesh,
    out_type=jax.ShapeDtypeStruct((B_TOTAL, D), jnp.float32),
    scratch_types=[
        pltpu.VMEM((BPW + 16,), jnp.int32),
        pltpu.VMEM((BPW,), jnp.int32),
        pltpu.VMEM((NBUF, CHUNK, D), jnp.float32),
        pltpu.SemaphoreType.DMA,
        pltpu.SemaphoreType.DMA,
        pltpu.SemaphoreType.DMA,
        pltpu.SemaphoreType.DMA,
        pltpu.SemaphoreType.DMA,
        pltpu.SemaphoreType.DMA,
    ],
)
def _emb_lookup(idx_hbm, main_hbm, prompt_hbm, out_hbm, idx_v, safe_v, rows_v,
                g0, g1, g2, w0, w1, w2):
    gsem = (g0, g1, g2)
    wsem = (w0, w1, w2)
    wid = lax.axis_index("c") * NS + lax.axis_index("s")
    base = wid * BPW
    pltpu.sync_copy(idx_hbm.at[pl.ds(base, BPW)], idx_v.at[pl.ds(0, BPW)])

    for g in range(BPW // 16):
        v = idx_v[pl.ds(g * 16, 16)]
        safe_v[pl.ds(g * 16, 16)] = jnp.where(v >= TOK, 0, v)

    def gather(c):
        b = c % NBUF
        return pltpu.async_copy(
            main_hbm.at[safe_v.at[pl.ds(c * CHUNK, CHUNK)]], rows_v.at[b], gsem[b]
        )

    gh = {}
    wh = {}
    for c in range(min(NBUF, NCHUNK)):
        gh[c] = gather(c)

    for c in range(NCHUNK):
        b = c % NBUF
        gh[c].wait()

        def body(i, carry, c=c, b=b):
            s = idx_v[pl.ds(c * CHUNK + i, 16)][0]

            @pl.when(s >= TOK)
            def _():
                pltpu.sync_copy(
                    prompt_hbm.at[pl.ds(s - TOK, 1)],
                    rows_v.at[b].at[pl.ds(i, 1)],
                )

            return carry

        lax.fori_loop(0, CHUNK, body, 0)

        wh[c] = pltpu.async_copy(
            rows_v.at[b], out_hbm.at[pl.ds(base + c * CHUNK, CHUNK)], wsem[b]
        )
        nxt = c + NBUF
        if nxt < NCHUNK:
            wh[nxt - NBUF].wait()
            gh[nxt] = gather(nxt)

    for c in range(max(0, NCHUNK - NBUF), NCHUNK):
        wh[c].wait()


def kernel(input, main_embeddings, prompt_embeddings):
    idx = input.reshape(-1).astype(jnp.int32)
    out = _emb_lookup(idx, main_embeddings, prompt_embeddings)
    return out.reshape(input.shape + (D,))

# --- scband reference (transcript-rebuilt; emitter-appended) ---
"""Pipeline reference for scband-embedding-wprompts-55078660604541 (READ-ONLY COPY).

The authoritative reference and input builder live on the scoring server;
editing this copy changes nothing except your own understanding.
"""

import jax, jax.numpy as jnp
import numpy as np

TOKENIZER_LEN = 32000
N_PROMPT_TOKENS = 100
NUM_TASKS = 8
EMBED_DIM = 1024
NUM_EMBEDDINGS = TOKENIZER_LEN + N_PROMPT_TOKENS * NUM_TASKS  # 32800
BATCH = 4
SEQ_LEN = 2048


def setup_inputs(seed: int = 0) -> dict:
    key = jax.random.key(seed)
    k1, k2, k3 = jax.random.split(key, 3)
    # learned parameters
    main_embeddings = jax.random.normal(k1, (TOKENIZER_LEN, EMBED_DIM), dtype=jnp.float32) * 0.02
    # prompt embeddings initialized with std of main embeddings (as in reset_prompt_embeddings)
    main_std = jnp.std(main_embeddings)
    prompt_embeddings = jax.random.normal(k2, (N_PROMPT_TOKENS * NUM_TASKS, EMBED_DIM), dtype=jnp.float32) * main_std
    # forward input: token ids over full (tokenizer + prompt) vocab
    inp = jax.random.randint(k3, (BATCH, SEQ_LEN), 0, NUM_EMBEDDINGS, dtype=jnp.int64 if jax.config.jax_enable_x64 else jnp.int32)
    return {"input": inp, "main_embeddings": main_embeddings, "prompt_embeddings": prompt_embeddings}


def reference(input, main_embeddings, prompt_embeddings):
    # forward: weight = cat([main_embeddings, prompt_embeddings]); F.embedding(input, weight)
    # padding_idx=None, max_norm=None, scale_grad_by_freq=False, sparse=False -> plain gather
    weight = jnp.concatenate([main_embeddings, prompt_embeddings], axis=0)
    return jnp.take(weight, input, axis=0)

if __name__ == "__main__":
    import jax
    _d = setup_inputs()
    print(jax.jit(kernel)(*tuple(_d.values())))

</pallas_src>

<mosaic_0001>
#map = affine_map<(d0, d1) -> (0)>
#map1 = affine_map<(d0, d1) -> (0, 0)>
module attributes {stable_mosaic.version = 14 : i64} {
  func.func @_emb_lookup(%arg0: i32, %arg1: i32, %arg2: memref<8192xi32, #tpu.memory_space<hbm>>, %arg3: memref<32000x1024xf32, #tpu.memory_space<hbm>>, %arg4: memref<800x1024xf32, #tpu.memory_space<hbm>>, %arg5: memref<8192x1024xf32, #tpu.memory_space<hbm>>, %arg6: memref<272xi32, #tpu.memory_space<vmem>>, %arg7: memref<256xi32, #tpu.memory_space<vmem>>, %arg8: memref<3x32x1024xf32, #tpu.memory_space<vmem>>, %arg9: memref<!tpu.dma_semaphore, #tpu.memory_space<semaphore_mem>>, %arg10: memref<!tpu.dma_semaphore, #tpu.memory_space<semaphore_mem>>, %arg11: memref<!tpu.dma_semaphore, #tpu.memory_space<semaphore_mem>>, %arg12: memref<!tpu.dma_semaphore, #tpu.memory_space<semaphore_mem>>, %arg13: memref<!tpu.dma_semaphore, #tpu.memory_space<semaphore_mem>>, %arg14: memref<!tpu.dma_semaphore, #tpu.memory_space<semaphore_mem>>) attributes {dimension_semantics = [#tpu.dimension_semantics<core_parallel>, #tpu.dimension_semantics<subcore_parallel>], iteration_bounds = array<i64: 2, 16>, scalar_prefetch = 0 : i64, scratch_operands = 9 : i64, tpu.core_type = #tpu.core_type<sc_vector_subcore>, window_params = [{transform_indices = #map}, {transform_indices = #map1}, {transform_indices = #map1}, {transform_indices = #map1}]} {
    %mul3A = arith.constant 16 : i32
    %mul3A_0 = arith.muli %arg0, %mul3A : i32
    %add3A = arith.addi %mul3A_0, %arg1 : i32
    %mul3A_1 = arith.constant 256 : i32
    %mul3A_2 = arith.muli %add3A, %mul3A_1 : i32
    "tpu.region"() ({
      %run_scoped3A = tpu.sem_alloc : memref<!tpu.dma_semaphore, #tpu.memory_space<semaphore_mem>>
      %dma_start3A_634 = arith.constant 0 : i32
      %dma_start3A_635 = tpu.memref_slice %arg6[%dma_start3A_634] : memref<272xi32, #tpu.memory_space<vmem>> -> memref<256xi32, #tpu.memory_space<vmem>>
      %dma_start3A_636 = tpu.memref_slice %arg2[%mul3A_2] : memref<8192xi32, #tpu.memory_space<hbm>> -> memref<256xi32, #tpu.memory_space<hbm>>
      %dma_start3A_637 = arith.constant 0 : i32
      %dma_start3A_638 = tpu.memref_slice %arg6[%dma_start3A_637] : memref<272xi32, #tpu.memory_space<vmem>> -> memref<256xi32, #tpu.memory_space<vmem>>
      %dma_start3A_639 = tpu.memref_slice %arg2[%mul3A_2] : memref<8192xi32, #tpu.memory_space<hbm>> -> memref<256xi32, #tpu.memory_space<hbm>>
      tpu.enqueue_dma source(%dma_start3A_639 : memref<256xi32, #tpu.memory_space<hbm>>) target(%dma_start3A_638 : memref<256xi32, #tpu.memory_space<vmem>>) target_semaphore(%run_scoped3A : memref<!tpu.dma_semaphore, #tpu.memory_space<semaphore_mem>>)
      %dma_wait3A_640 = arith.constant 0 : i32
      %dma_wait3A_641 = tpu.memref_slice %arg6[%dma_wait3A_640] : memref<272xi32, #tpu.memory_space<vmem>> -> memref<256xi32, #tpu.memory_space<vmem>>
      %dma_wait3A_642 = tpu.memref_slice %arg2[%mul3A_2] : memref<8192xi32, #tpu.memory_space<hbm>> -> memref<256xi32, #tpu.memory_space<hbm>>
      %dma_wait3A_643 = arith.constant 0 : i32
      %dma_wait3A_644 = tpu.memref_slice %arg6[%dma_wait3A_643] : memref<272xi32, #tpu.memory_space<vmem>> -> memref<256xi32, #tpu.memory_space<vmem>>
      %dma_wait3A_645 = tpu.memref_slice %arg2[%mul3A_2] : memref<8192xi32, #tpu.memory_space<hbm>> -> memref<256xi32, #tpu.memory_space<hbm>>
      tpu.wait_dma2 semaphore(%run_scoped3A : memref<!tpu.dma_semaphore, #tpu.memory_space<semaphore_mem>>) src(%dma_wait3A_645 : memref<256xi32, #tpu.memory_space<hbm>>) dst(%dma_wait3A_644 : memref<256xi32, #tpu.memory_space<vmem>>)
      tpu.yield
    }) : () -> ()
    %get3A = arith.constant 0 : index
    %get3A_3 = tpu.vector_load %arg6[%get3A] {strides = array<i32>} : memref<272xi32, #tpu.memory_space<vmem>>, vector<16xi32>,
    %get3A_4 = vector.shape_cast %get3A_3 : vector<16xi32> to vector<16xi32>
    %ge3A = arith.constant 32000 : i32
    %ge3A_5 = vector.broadcast %ge3A : i32 to vector<16xi32>
    %ge3A_6 = arith.cmpi sge, %get3A_4, %ge3A_5 : vector<16xi32>
    %jit3A = arith.constant 0 : i32
    %broadcast_in_dim3A = vector.broadcast %jit3A : i32 to vector<16xi32>
    %select_n3A = arith.select %ge3A_6, %broadcast_in_dim3A, %get3A_4 : vector<16xi1>, vector<16xi32>
    %swap3A = arith.constant 0 : index
    %swap3A_7 = tpu.vector_load %arg7[%swap3A] {strides = array<i32>} : memref<256xi32, #tpu.memory_space<vmem>>, vector<16xi32>,
    %swap3A_8 = vector.shape_cast %swap3A_7 : vector<16xi32> to vector<16xi32>
    %swap3A_9 = vector.shape_cast %select_n3A : vector<16xi32> to vector<16xi32>
    tpu.vector_store %arg7[%swap3A], %swap3A_9 {strides = array<i32>} : memref<256xi32, #tpu.memory_space<vmem>>, vector<16xi32>,
    %get3A_10 = arith.constant 16 : index
    %get3A_11 = tpu.vector_load %arg6[%get3A_10] {strides = array<i32>} : memref<272xi32, #tpu.memory_space<vmem>>, vector<16xi32>,
    %get3A_12 = vector.shape_cast %get3A_11 : vector<16xi32> to vector<16xi32>
    %ge3A_13 = arith.constant 32000 : i32
    %ge3A_14 = vector.broadcast %ge3A_13 : i32 to vector<16xi32>
    %ge3A_15 = arith.cmpi sge, %get3A_12, %ge3A_14 : vector<16xi32>
    %jit3A_16 = arith.constant 0 : i32
    %broadcast_in_dim3A_17 = vector.broadcast %jit3A_16 : i32 to vector<16xi32>
    %select_n3A_18 = arith.select %ge3A_15, %broadcast_in_dim3A_17, %get3A_12 : vector<16xi1>, vector<16xi32>
    %swap3A_19 = arith.constant 16 : index
    %swap3A_20 = tpu.vector_load %arg7[%swap3A_19] {strides = array<i32>} : memref<256xi32, #tpu.memory_space<vmem>>, vector<16xi32>,
    %swap3A_21 = vector.shape_cast %swap3A_20 : vector<16xi32> to vector<16xi32>
    %swap3A_22 = vector.shape_cast %select_n3A_18 : vector<16xi32> to vector<16xi32>
    tpu.vector_store %arg7[%swap3A_19], %swap3A_22 {strides = array<i32>} : memref<256xi32, #tpu.memory_space<vmem>>, vector<16xi32>,
    %get3A_23 = arith.constant 32 : index
    %get3A_24 = tpu.vector_load %arg6[%get3A_23] {strides = array<i32>} : memref<272xi32, #tpu.memory_space<vmem>>, vector<16xi32>,
    %get3A_25 = vector.shape_cast %get3A_24 : vector<16xi32> to vector<16xi32>
    %ge3A_26 = arith.constant 32000 : i32
    %ge3A_27 = vector.broadcast %ge3A_26 : i32 to vector<16xi32>
    %ge3A_28 = arith.cmpi sge, %get3A_25, %ge3A_27 : vector<16xi32>
    %jit3A_29 = arith.constant 0 : i32
    %broadcast_in_dim3A_30 = vector.broadcast %jit3A_29 : i32 to vector<16xi32>
    %select_n3A_31 = arith.select %ge3A_28, %broadcast_in_dim3A_30, %get3A_25 : vector<16xi1>, vector<16xi32>
    %swap3A_32 = arith.constant 32 : index
    %swap3A_33 = tpu.vector_load %arg7[%swap3A_32] {strides = array<i32>} : memref<256xi32, #tpu.memory_space<vmem>>, vector<16xi32>,
    %swap3A_34 = vector.shape_cast %swap3A_33 : vector<16xi32> to vector<16xi32>
    %swap3A_35 = vector.shape_cast %select_n3A_31 : vector<16xi32> to vector<16xi32>
    tpu.vector_store %arg7[%swap3A_32], %swap3A_35 {strides = array<i32>} : memref<256xi32, #tpu.memory_space<vmem>>, vector<16xi32>,
    %get3A_36 = arith.constant 48 : index
    %get3A_37 = tpu.vector_load %arg6[%get3A_36] {strides = array<i32>} : memref<272xi32, #tpu.memory_space<vmem>>, vector<16xi32>,
    %get3A_38 = vector.shape_cast %get3A_37 : vector<16xi32> to vector<16xi32>
    %ge3A_39 = arith.constant 32000 : i32
    %ge3A_40 = vector.broadcast %ge3A_39 : i32 to vector<16xi32>
    %ge3A_41 = arith.cmpi sge, %get3A_38, %ge3A_40 : vector<16xi32>
    %jit3A_42 = arith.constant 0 : i32
    %broadcast_in_dim3A_43 = vector.broadcast %jit3A_42 : i32 to vector<16xi32>
    %select_n3A_44 = arith.select %ge3A_41, %broadcast_in_dim3A_43, %get3A_38 : vector<16xi1>, vector<16xi32>
    %swap3A_45 = arith.constant 48 : index
    %swap3A_46 = tpu.vector_load %arg7[%swap3A_45] {strides = array<i32>} : memref<256xi32, #tpu.memory_space<vmem>>, vector<16xi32>,
    %swap3A_47 = vector.shape_cast %swap3A_46 : vector<16xi32> to vector<16xi32>
    %swap3A_48 = vector.shape_cast %select_n3A_44 : vector<16xi32> to vector<16xi32>
    tpu.vector_store %arg7[%swap3A_45], %swap3A_48 {strides = array<i32>} : memref<256xi32, #tpu.memory_space<vmem>>, vector<16xi32>,
    %get3A_49 = arith.constant 64 : index
    %get3A_50 = tpu.vector_load %arg6[%get3A_49] {strides = array<i32>} : memref<272xi32, #tpu.memory_space<vmem>>, vector<16xi32>,
    %get3A_51 = vector.shape_cast %get3A_50 : vector<16xi32> to vector<16xi32>
    %ge3A_52 = arith.constant 32000 : i32
    %ge3A_53 = vector.broadcast %ge3A_52 : i32 to vector<16xi32>
    %ge3A_54 = arith.cmpi sge, %get3A_51, %ge3A_53 : vector<16xi32>
    %jit3A_55 = arith.constant 0 : i32
    %broadcast_in_dim3A_56 = vector.broadcast %jit3A_55 : i32 to vector<16xi32>
    %select_n3A_57 = arith.select %ge3A_54, %broadcast_in_dim3A_56, %get3A_51 : vector<16xi1>, vector<16xi32>
    %swap3A_58 = arith.constant 64 : index
    %swap3A_59 = tpu.vector_load %arg7[%swap3A_58] {strides = array<i32>} : memref<256xi32, #tpu.memory_space<vmem>>, vector<16xi32>,
    %swap3A_60 = vector.shape_cast %swap3A_59 : vector<16xi32> to vector<16xi32>
    %swap3A_61 = vector.shape_cast %select_n3A_57 : vector<16xi32> to vector<16xi32>
    tpu.vector_store %arg7[%swap3A_58], %swap3A_61 {strides = array<i32>} : memref<256xi32, #tpu.memory_space<vmem>>, vector<16xi32>,
    %get3A_62 = arith.constant 80 : index
    %get3A_63 = tpu.vector_load %arg6[%get3A_62] {strides = array<i32>} : memref<272xi32, #tpu.memory_space<vmem>>, vector<16xi32>,
    %get3A_64 = vector.shape_cast %get3A_63 : vector<16xi32> to vector<16xi32>
    %ge3A_65 = arith.constant 32000 : i32
    %ge3A_66 = vector.broadcast %ge3A_65 : i32 to vector<16xi32>
    %ge3A_67 = arith.cmpi sge, %get3A_64, %ge3A_66 : vector<16xi32>
    %jit3A_68 = arith.constant 0 : i32
    %broadcast_in_dim3A_69 = vector.broadcast %jit3A_68 : i32 to vector<16xi32>
    %select_n3A_70 = arith.select %ge3A_67, %broadcast_in_dim3A_69, %get3A_64 : vector<16xi1>, vector<16xi32>
    %swap3A_71 = arith.constant 80 : index
    %swap3A_72 = tpu.vector_load %arg7[%swap3A_71] {strides = array<i32>} : memref<256xi32, #tpu.memory_space<vmem>>, vector<16xi32>,
    %swap3A_73 = vector.shape_cast %swap3A_72 : vector<16xi32> to vector<16xi32>
    %swap3A_74 = vector.shape_cast %select_n3A_70 : vector<16xi32> to vector<16xi32>
    tpu.vector_store %arg7[%swap3A_71], %swap3A_74 {strides = array<i32>} : memref<256xi32, #tpu.memory_space<vmem>>, vector<16xi32>,
    %get3A_75 = arith.constant 96 : index
    %get3A_76 = tpu.vector_load %arg6[%get3A_75] {strides = array<i32>} : memref<272xi32, #tpu.memory_space<vmem>>, vector<16xi32>,
    %get3A_77 = vector.shape_cast %get3A_76 : vector<16xi32> to vector<16xi32>
    %ge3A_78 = arith.constant 32000 : i32
    %ge3A_79 = vector.broadcast %ge3A_78 : i32 to vector<16xi32>
    %ge3A_80 = arith.cmpi sge, %get3A_77, %ge3A_79 : vector<16xi32>
    %jit3A_81 = arith.constant 0 : i32
    %broadcast_in_dim3A_82 = vector.broadcast %jit3A_81 : i32 to vector<16xi32>
    %select_n3A_83 = arith.select %ge3A_80, %broadcast_in_dim3A_82, %get3A_77 : vector<16xi1>, vector<16xi32>
    %swap3A_84 = arith.constant 96 : index
    %swap3A_85 = tpu.vector_load %arg7[%swap3A_84] {strides = array<i32>} : memref<256xi32, #tpu.memory_space<vmem>>, vector<16xi32>,
    %swap3A_86 = vector.shape_cast %swap3A_85 : vector<16xi32> to vector<16xi32>
    %swap3A_87 = vector.shape_cast %select_n3A_83 : vector<16xi32> to vector<16xi32>
    tpu.vector_store %arg7[%swap3A_84], %swap3A_87 {strides = array<i32>} : memref<256xi32, #tpu.memory_space<vmem>>, vector<16xi32>,
    %get3A_88 = arith.constant 112 : index
    %get3A_89 = tpu.vector_load %arg6[%get3A_88] {strides = array<i32>} : memref<272xi32, #tpu.memory_space<vmem>>, vector<16xi32>,
    %get3A_90 = vector.shape_cast %get3A_89 : vector<16xi32> to vector<16xi32>
    %ge3A_91 = arith.constant 32000 : i32
    %ge3A_92 = vector.broadcast %ge3A_91 : i32 to vector<16xi32>
    %ge3A_93 = arith.cmpi sge, %get3A_90, %ge3A_92 : vector<16xi32>
    %jit3A_94 = arith.constant 0 : i32
    %broadcast_in_dim3A_95 = vector.broadcast %jit3A_94 : i32 to vector<16xi32>
    %select_n3A_96 = arith.select %ge3A_93, %broadcast_in_dim3A_95, %get3A_90 : vector<16xi1>, vector<16xi32>
    %swap3A_97 = arith.constant 112 : index
    %swap3A_98 = tpu.vector_load %arg7[%swap3A_97] {strides = array<i32>} : memref<256xi32, #tpu.memory_space<vmem>>, vector<16xi32>,
    %swap3A_99 = vector.shape_cast %swap3A_98 : vector<16xi32> to vector<16xi32>
    %swap3A_100 = vector.shape_cast %select_n3A_96 : vector<16xi32> to vector<16xi32>
    tpu.vector_store %arg7[%swap3A_97], %swap3A_100 {strides = array<i32>} : memref<256xi32, #tpu.memory_space<vmem>>, vector<16xi32>,
    %get3A_101 = arith.constant 128 : index
    %get3A_102 = tpu.vector_load %arg6[%get3A_101] {strides = array<i32>} : memref<272xi32, #tpu.memory_space<vmem>>, vector<16xi32>,
    %get3A_103 = vector.shape_cast %get3A_102 : vector<16xi32> to vector<16xi32>
    %ge3A_104 = arith.constant 32000 : i32
    %ge3A_105 = vector.broadcast %ge3A_104 : i32 to vector<16xi32>
    %ge3A_106 = arith.cmpi sge, %get3A_103, %ge3A_105 : vector<16xi32>
    %jit3A_107 = arith.constant 0 : i32
    %broadcast_in_dim3A_108 = vector.broadcast %jit3A_107 : i32 to vector<16xi32>
    %select_n3A_109 = arith.select %ge3A_106, %broadcast_in_dim3A_108, %get3A_103 : vector<16xi1>, vector<16xi32>
    %swap3A_110 = arith.constant 128 : index
    %swap3A_111 = tpu.vector_load %arg7[%swap3A_110] {strides = array<i32>} : memref<256xi32, #tpu.memory_space<vmem>>, vector<16xi32>,
    %swap3A_112 = vector.shape_cast %swap3A_111 : vector<16xi32> to vector<16xi32>
    %swap3A_113 = vector.shape_cast %select_n3A_109 : vector<16xi32> to vector<16xi32>
    tpu.vector_store %arg7[%swap3A_110], %swap3A_113 {strides = array<i32>} : memref<256xi32, #tpu.memory_space<vmem>>, vector<16xi32>,
    %get3A_114 = arith.constant 144 : index
    %get3A_115 = tpu.vector_load %arg6[%get3A_114] {strides = array<i32>} : memref<272xi32, #tpu.memory_space<vmem>>, vector<16xi32>,
    %get3A_116 = vector.shape_cast %get3A_115 : vector<16xi32> to vector<16xi32>
    %ge3A_117 = arith.constant 32000 : i32
    %ge3A_118 = vector.broadcast %ge3A_117 : i32 to vector<16xi32>
    %ge3A_119 = arith.cmpi sge, %get3A_116, %ge3A_118 : vector<16xi32>
    %jit3A_120 = arith.constant 0 : i32
    %broadcast_in_dim3A_121 = vector.broadcast %jit3A_120 : i32 to vector<16xi32>
    %select_n3A_122 = arith.select %ge3A_119, %broadcast_in_dim3A_121, %get3A_116 : vector<16xi1>, vector<16xi32>
    %swap3A_123 = arith.constant 144 : index
    %swap3A_124 = tpu.vector_load %arg7[%swap3A_123] {strides = array<i32>} : memref<256xi32, #tpu.memory_space<vmem>>, vector<16xi32>,
    %swap3A_125 = vector.shape_cast %swap3A_124 : vector<16xi32> to vector<16xi32>
    %swap3A_126 = vector.shape_cast %select_n3A_122 : vector<16xi32> to vector<16xi32>
    tpu.vector_store %arg7[%swap3A_123], %swap3A_126 {strides = array<i32>} : memref<256xi32, #tpu.memory_space<vmem>>, vector<16xi32>,
    %get3A_127 = arith.constant 160 : index
    %get3A_128 = tpu.vector_load %arg6[%get3A_127] {strides = array<i32>} : memref<272xi32, #tpu.memory_space<vmem>>, vector<16xi32>,
    %get3A_129 = vector.shape_cast %get3A_128 : vector<16xi32> to vector<16xi32>
    %ge3A_130 = arith.constant 32000 : i32
    %ge3A_131 = vector.broadcast %ge3A_130 : i32 to vector<16xi32>
    %ge3A_132 = arith.cmpi sge, %get3A_129, %ge3A_131 : vector<16xi32>
    %jit3A_133 = arith.constant 0 : i32
    %broadcast_in_dim3A_134 = vector.broadcast %jit3A_133 : i32 to vector<16xi32>
    %select_n3A_135 = arith.select %ge3A_132, %broadcast_in_dim3A_134, %get3A_129 : vector<16xi1>, vector<16xi32>
    %swap3A_136 = arith.constant 160 : index
    %swap3A_137 = tpu.vector_load %arg7[%swap3A_136] {strides = array<i32>} : memref<256xi32, #tpu.memory_space<vmem>>, vector<16xi32>,
    %swap3A_138 = vector.shape_cast %swap3A_137 : vector<16xi32> to vector<16xi32>
    %swap3A_139 = vector.shape_cast %select_n3A_135 : vector<16xi32> to vector<16xi32>
    tpu.vector_store %arg7[%swap3A_136], %swap3A_139 {strides = array<i32>} : memref<256xi32, #tpu.memory_space<vmem>>, vector<16xi32>,
    %get3A_140 = arith.constant 176 : index
    %get3A_141 = tpu.vector_load %arg6[%get3A_140] {strides = array<i32>} : memref<272xi32, #tpu.memory_space<vmem>>, vector<16xi32>,
    %get3A_142 = vector.shape_cast %get3A_141 : vector<16xi32> to vector<16xi32>
    %ge3A_143 = arith.constant 32000 : i32
    %ge3A_144 = vector.broadcast %ge3A_143 : i32 to vector<16xi32>
    %ge3A_145 = arith.cmpi sge, %get3A_142, %ge3A_144 : vector<16xi32>
    %jit3A_146 = arith.constant 0 : i32
    %broadcast_in_dim3A_147 = vector.broadcast %jit3A_146 : i32 to vector<16xi32>
    %select_n3A_148 = arith.select %ge3A_145, %broadcast_in_dim3A_147, %get3A_142 : vector<16xi1>, vector<16xi32>
    %swap3A_149 = arith.constant 176 : index
    %swap3A_150 = tpu.vector_load %arg7[%swap3A_149] {strides = array<i32>} : memref<256xi32, #tpu.memory_space<vmem>>, vector<16xi32>,
    %swap3A_151 = vector.shape_cast %swap3A_150 : vector<16xi32> to vector<16xi32>
    %swap3A_152 = vector.shape_cast %select_n3A_148 : vector<16xi32> to vector<16xi32>
    tpu.vector_store %arg7[%swap3A_149], %swap3A_152 {strides = array<i32>} : memref<256xi32, #tpu.memory_space<vmem>>, vector<16xi32>,
    %get3A_153 = arith.constant 192 : index
    %get3A_154 = tpu.vector_load %arg6[%get3A_153] {strides = array<i32>} : memref<272xi32, #tpu.memory_space<vmem>>, vector<16xi32>,
    %get3A_155 = vector.shape_cast %get3A_154 : vector<16xi32> to vector<16xi32>
    %ge3A_156 = arith.constant 32000 : i32
    %ge3A_157 = vector.broadcast %ge3A_156 : i32 to vector<16xi32>
    %ge3A_158 = arith.cmpi sge, %get3A_155, %ge3A_157 : vector<16xi32>
    %jit3A_159 = arith.constant 0 : i32
    %broadcast_in_dim3A_160 = vector.broadcast %jit3A_159 : i32 to vector<16xi32>
    %select_n3A_161 = arith.select %ge3A_158, %broadcast_in_dim3A_160, %get3A_155 : vector<16xi1>, vector<16xi32>
    %swap3A_162 = arith.constant 192 : index
    %swap3A_163 = tpu.vector_load %arg7[%swap3A_162] {strides = array<i32>} : memref<256xi32, #tpu.memory_space<vmem>>, vector<16xi32>,
    %swap3A_164 = vector.shape_cast %swap3A_163 : vector<16xi32> to vector<16xi32>
    %swap3A_165 = vector.shape_cast %select_n3A_161 : vector<16xi32> to vector<16xi32>
    tpu.vector_store %arg7[%swap3A_162], %swap3A_165 {strides = array<i32>} : memref<256xi32, #tpu.memory_space<vmem>>, vector<16xi32>,
    %get3A_166 = arith.constant 208 : index
    %get3A_167 = tpu.vector_load %arg6[%get3A_166] {strides = array<i32>} : memref<272xi32, #tpu.memory_space<vmem>>, vector<16xi32>,
    %get3A_168 = vector.shape_cast %get3A_167 : vector<16xi32> to vector<16xi32>
    %ge3A_169 = arith.constant 32000 : i32
    %ge3A_170 = vector.broadcast %ge3A_169 : i32 to vector<16xi32>
    %ge3A_171 = arith.cmpi sge, %get3A_168, %ge3A_170 : vector<16xi32>
    %jit3A_172 = arith.constant 0 : i32
    %broadcast_in_dim3A_173 = vector.broadcast %jit3A_172 : i32 to vector<16xi32>
    %select_n3A_174 = arith.select %ge3A_171, %broadcast_in_dim3A_173, %get3A_168 : vector<16xi1>, vector<16xi32>
    %swap3A_175 = arith.constant 208 : index
    %swap3A_176 = tpu.vector_load %arg7[%swap3A_175] {strides = array<i32>} : memref<256xi32, #tpu.memory_space<vmem>>, vector<16xi32>,
    %swap3A_177 = vector.shape_cast %swap3A_176 : vector<16xi32> to vector<16xi32>
    %swap3A_178 = vector.shape_cast %select_n3A_174 : vector<16xi32> to vector<16xi32>
    tpu.vector_store %arg7[%swap3A_175], %swap3A_178 {strides = array<i32>} : memref<256xi32, #tpu.memory_space<vmem>>, vector<16xi32>,
    %get3A_179 = arith.constant 224 : index
    %get3A_180 = tpu.vector_load %arg6[%get3A_179] {strides = array<i32>} : memref<272xi32, #tpu.memory_space<vmem>>, vector<16xi32>,
    %get3A_181 = vector.shape_cast %get3A_180 : vector<16xi32> to vector<16xi32>
    %ge3A_182 = arith.constant 32000 : i32
    %ge3A_183 = vector.broadcast %ge3A_182 : i32 to vector<16xi32>
    %ge3A_184 = arith.cmpi sge, %get3A_181, %ge3A_183 : vector<16xi32>
    %jit3A_185 = arith.constant 0 : i32
    %broadcast_in_dim3A_186 = vector.broadcast %jit3A_185 : i32 to vector<16xi32>
    %select_n3A_187 = arith.select %ge3A_184, %broadcast_in_dim3A_186, %get3A_181 : vector<16xi1>, vector<16xi32>
    %swap3A_188 = arith.constant 224 : index
    %swap3A_189 = tpu.vector_load %arg7[%swap3A_188] {strides = array<i32>} : memref<256xi32, #tpu.memory_space<vmem>>, vector<16xi32>,
    %swap3A_190 = vector.shape_cast %swap3A_189 : vector<16xi32> to vector<16xi32>
    %swap3A_191 = vector.shape_cast %select_n3A_187 : vector<16xi32> to vector<16xi32>
    tpu.vector_store %arg7[%swap3A_188], %swap3A_191 {strides = array<i32>} : memref<256xi32, #tpu.memory_space<vmem>>, vector<16xi32>,
    %get3A_192 = arith.constant 240 : index
    %get3A_193 = tpu.vector_load %arg6[%get3A_192] {strides = array<i32>} : memref<272xi32, #tpu.memory_space<vmem>>, vector<16xi32>,
    %get3A_194 = vector.shape_cast %get3A_193 : vector<16xi32> to vector<16xi32>
    %ge3A_195 = arith.constant 32000 : i32
    %ge3A_196 = vector.broadcast %ge3A_195 : i32 to vector<16xi32>
    %ge3A_197 = arith.cmpi sge, %get3A_194, %ge3A_196 : vector<16xi32>
    %jit3A_198 = arith.constant 0 : i32
    %broadcast_in_dim3A_199 = vector.broadcast %jit3A_198 : i32 to vector<16xi32>
    %select_n3A_200 = arith.select %ge3A_197, %broadcast_in_dim3A_199, %get3A_194 : vector<16xi1>, vector<16xi32>
    %swap3A_201 = arith.constant 240 : index
    %swap3A_202 = tpu.vector_load %arg7[%swap3A_201] {strides = array<i32>} : memref<256xi32, #tpu.memory_space<vmem>>, vector<16xi32>,
    %swap3A_203 = vector.shape_cast %swap3A_202 : vector<16xi32> to vector<16xi32>
    %swap3A_204 = vector.shape_cast %select_n3A_200 : vector<16xi32> to vector<16xi32>
    tpu.vector_store %arg7[%swap3A_201], %swap3A_204 {strides = array<i32>} : memref<256xi32, #tpu.memory_space<vmem>>, vector<16xi32>,
    %dma_start3A = arith.constant 0 : i32
    %dma_start3A_205 = arith.constant 0 : i32
    %dma_start3A_206 = arith.constant 0 : i32
    %dma_start3A_207 = tpu.memref_slice %arg8[%dma_start3A, %dma_start3A_205, %dma_start3A_206] : memref<3x32x1024xf32, #tpu.memory_space<vmem>> -> memref<1x32x1024xf32, #tpu.memory_space<vmem>>
    %dma_start3A_208 = tpu.memref_squeeze %dma_start3A_207 : memref<1x32x1024xf32, #tpu.memory_space<vmem>> -> memref<32x1024xf32, #tpu.memory_space<vmem>>
    %dma_start3A_209 = arith.constant 0 : i32
    %dma_start3A_210 = tpu.memref_slice %arg7[%dma_start3A_209] : memref<256xi32, #tpu.memory_space<vmem>> -> memref<32xi32, #tpu.memory_space<vmem>>
    %dma_start3A_211 = arith.constant 0 : i32
    %dma_start3A_212 = arith.constant 0 : i32
    %dma_start3A_213 = tpu.memref_slice %arg3[%dma_start3A_211, %dma_start3A_212] : memref<32000x1024xf32, #tpu.memory_space<hbm>> -> memref<32000x1024xf32, #tpu.memory_space<hbm>>
    tpu.enqueue_indirect_dma source(%dma_start3A_213 : memref<32000x1024xf32, #tpu.memory_space<hbm>>) target(%dma_start3A_208 : memref<32x1024xf32, #tpu.memory_space<vmem>>) offsets(%dma_start3A_210 : memref<32xi32, #tpu.memory_space<vmem>>) semaphore(%arg9 : memref<!tpu.dma_semaphore, #tpu.memory_space<semaphore_mem>>)
    %dma_start3A_214 = arith.constant 1 : i32
    %dma_start3A_215 = arith.constant 0 : i32
    %dma_start3A_216 = arith.constant 0 : i32
    %dma_start3A_217 = tpu.memref_slice %arg8[%dma_start3A_214, %dma_start3A_215, %dma_start3A_216] : memref<3x32x1024xf32, #tpu.memory_space<vmem>> -> memref<1x32x1024xf32, #tpu.memory_space<vmem>>
    %dma_start3A_218 = tpu.memref_squeeze %dma_start3A_217 : memref<1x32x1024xf32, #tpu.memory_space<vmem>> -> memref<32x1024xf32, #tpu.memory_space<vmem>>
    %dma_start3A_219 = arith.constant 32 : i32
    %dma_start3A_220 = tpu.memref_slice %arg7[%dma_start3A_219] : memref<256xi32, #tpu.memory_space<vmem>> -> memref<32xi32, #tpu.memory_space<vmem>>
    %dma_start3A_221 = arith.constant 0 : i32
    %dma_start3A_222 = arith.constant 0 : i32
    %dma_start3A_223 = tpu.memref_slice %arg3[%dma_start3A_221, %dma_start3A_222] : memref<32000x1024xf32, #tpu.memory_space<hbm>> -> memref<32000x1024xf32, #tpu.memory_space<hbm>>
    tpu.enqueue_indirect_dma source(%dma_start3A_223 : memref<32000x1024xf32, #tpu.memory_space<hbm>>) target(%dma_start3A_218 : memref<32x1024xf32, #tpu.memory_space<vmem>>) offsets(%dma_start3A_220 : memref<32xi32, #tpu.memory_space<vmem>>) semaphore(%arg10 : memref<!tpu.dma_semaphore, #tpu.memory_space<semaphore_mem>>)
    %dma_start3A_224 = arith.constant 2 : i32
    %dma_start3A_225 = arith.constant 0 : i32
    %dma_start3A_226 = arith.constant 0 : i32
    %dma_start3A_227 = tpu.memref_slice %arg8[%dma_start3A_224, %dma_start3A_225, %dma_start3A_226] : memref<3x32x1024xf32, #tpu.memory_space<vmem>> -> memref<1x32x1024xf32, #tpu.memory_space<vmem>>
    %dma_start3A_228 = tpu.memref_squeeze %dma_start3A_227 : memref<1x32x1024xf32, #tpu.memory_space<vmem>> -> memref<32x1024xf32, #tpu.memory_space<vmem>>
    %dma_start3A_229 = arith.constant 64 : i32
    %dma_start3A_230 = tpu.memref_slice %arg7[%dma_start3A_229] : memref<256xi32, #tpu.memory_space<vmem>> -> memref<32xi32, #tpu.memory_space<vmem>>
    %dma_start3A_231 = arith.constant 0 : i32
    %dma_start3A_232 = arith.constant 0 : i32
    %dma_start3A_233 = tpu.memref_slice %arg3[%dma_start3A_231, %dma_start3A_232] : memref<32000x1024xf32, #tpu.memory_space<hbm>> -> memref<32000x1024xf32, #tpu.memory_space<hbm>>
    tpu.enqueue_indirect_dma source(%dma_start3A_233 : memref<32000x1024xf32, #tpu.memory_space<hbm>>) target(%dma_start3A_228 : memref<32x1024xf32, #tpu.memory_space<vmem>>) offsets(%dma_start3A_230 : memref<32xi32, #tpu.memory_space<vmem>>) semaphore(%arg11 : memref<!tpu.dma_semaphore, #tpu.memory_space<semaphore_mem>>)
    %dma_wait3A = arith.constant 0 : i32
    %dma_wait3A_234 = arith.constant 0 : i32
    %dma_wait3A_235 = arith.constant 0 : i32
    %dma_wait3A_236 = tpu.memref_slice %arg8[%dma_wait3A, %dma_wait3A_234, %dma_wait3A_235] : memref<3x32x1024xf32, #tpu.memory_space<vmem>> -> memref<1x32x1024xf32, #tpu.memory_space<vmem>>
    %dma_wait3A_237 = tpu.memref_squeeze %dma_wait3A_236 : memref<1x32x1024xf32, #tpu.memory_space<vmem>> -> memref<32x1024xf32, #tpu.memory_space<vmem>>
    %dma_wait3A_238 = arith.constant 0 : i32
    %dma_wait3A_239 = tpu.memref_slice %arg7[%dma_wait3A_238] : memref<256xi32, #tpu.memory_space<vmem>> -> memref<32xi32, #tpu.memory_space<vmem>>
    %dma_wait3A_240 = arith.constant 0 : i32
    %dma_wait3A_241 = arith.constant 0 : i32
    %dma_wait3A_242 = tpu.memref_slice %arg3[%dma_wait3A_240, %dma_wait3A_241] : memref<32000x1024xf32, #tpu.memory_space<hbm>> -> memref<32000x1024xf32, #tpu.memory_space<hbm>>
    tpu.wait_indirect_dma semaphore(%arg9 : memref<!tpu.dma_semaphore, #tpu.memory_space<semaphore_mem>>) src(%dma_wait3A_242 : memref<32000x1024xf32, #tpu.memory_space<hbm>>) dst(%dma_wait3A_237 : memref<32x1024xf32, #tpu.memory_space<vmem>>)
    %scan3A = arith.constant 0 : i32
    %scan3A_243 = arith.constant 0 : i32
    %scan3A_244 = arith.constant 32 : i32
    %scan3A_245 = arith.addi %scan3A_243, %scan3A_244 : i32
    %scan3A_246 = arith.constant 1 : i32
    scf.for %scan3A_634 = %scan3A_243 to %scan3A_245 step %scan3A_246  : i32 {
      %add3A_635 = arith.constant 0 : i32
      %add3A_636 = arith.addi %add3A_635, %scan3A_634 : i32
      %get3A_637 = arith.index_cast %add3A_636 : i32 to index
      %get3A_638 = tpu.vector_load %arg6[%get3A_637] {strides = array<i32>} : memref<272xi32, #tpu.memory_space<vmem>>, vector<16xi32>,
      %get3A_639 = vector.shape_cast %get3A_638 : vector<16xi32> to vector<16xi32>
      %slice3A = vector.extract_strided_slice %get3A_639 {offsets = [0], sizes = [1], strides = [1]} : vector<16xi32> to vector<1xi32>
      %squeeze3A = vector.extract %slice3A[0] : i32 from vector<1xi32>
      %ge3A_640 = arith.constant 32000 : i32
      %ge3A_641 = arith.cmpi sge, %squeeze3A, %ge3A_640 : i32
      %convert_element_type3A = arith.extui %ge3A_641 : i1 to i32
      %cond3A = arith.constant 0 : i32
      %cond3A_642 = arith.cmpi ne, %convert_element_type3A, %cond3A : i32
      scf.if %cond3A_642 {
        %sub3A = arith.constant 32000 : i32
        %sub3A_643 = arith.subi %squeeze3A, %sub3A : i32
        %run_scoped3A = arith.constant 0 : i32
        "tpu.region"() ({
          %run_scoped3A_644 = tpu.sem_alloc : memref<!tpu.dma_semaphore, #tpu.memory_space<semaphore_mem>>
          %dma_start3A_645 = arith.constant 0 : i32
          %dma_start3A_646 = arith.constant 0 : i32
          %dma_start3A_647 = tpu.memref_slice %arg8[%run_scoped3A, %dma_start3A_645, %dma_start3A_646] : memref<3x32x1024xf32, #tpu.memory_space<vmem>> -> memref<1x32x1024xf32, #tpu.memory_space<vmem>>
          %dma_start3A_648 = tpu.memref_squeeze %dma_start3A_647 : memref<1x32x1024xf32, #tpu.memory_space<vmem>> -> memref<32x1024xf32, #tpu.memory_space<vmem>>
          %dma_start3A_649 = arith.constant 0 : i32
          %dma_start3A_650 = tpu.memref_slice %dma_start3A_648[%scan3A_634, %dma_start3A_649] : memref<32x1024xf32, #tpu.memory_space<vmem>> -> memref<1x1024xf32, #tpu.memory_space<vmem>>
          %dma_start3A_651 = arith.constant 0 : i32
          %dma_start3A_652 = tpu.memref_slice %arg4[%sub3A_643, %dma_start3A_651] : memref<800x1024xf32, #tpu.memory_space<hbm>> -> memref<1x1024xf32, #tpu.memory_space<hbm>>
          %dma_start3A_653 = arith.constant 0 : i32
          %dma_start3A_654 = arith.constant 0 : i32
          %dma_start3A_655 = tpu.memref_slice %arg8[%run_scoped3A, %dma_start3A_653, %dma_start3A_654] : memref<3x32x1024xf32, #tpu.memory_space<vmem>> -> memref<1x32x1024xf32, #tpu.memory_space<vmem>>
          %dma_start3A_656 = tpu.memref_squeeze %dma_start3A_655 : memref<1x32x1024xf32, #tpu.memory_space<vmem>> -> memref<32x1024xf32, #tpu.memory_space<vmem>>
          %dma_start3A_657 = arith.constant 0 : i32
          %dma_start3A_658 = tpu.memref_slice %dma_start3A_656[%scan3A_634, %dma_start3A_657] : memref<32x1024xf32, #tpu.memory_space<vmem>> -> memref<1x1024xf32, #tpu.memory_space<vmem>>
          %dma_start3A_659 = arith.constant 0 : i32
          %dma_start3A_660 = tpu.memref_slice %arg4[%sub3A_643, %dma_start3A_659] : memref<800x1024xf32, #tpu.memory_space<hbm>> -> memref<1x1024xf32, #tpu.memory_space<hbm>>
          tpu.enqueue_dma source(%dma_start3A_660 : memref<1x1024xf32, #tpu.memory_space<hbm>>) target(%dma_start3A_658 : memref<1x1024xf32, #tpu.memory_space<vmem>>) target_semaphore(%run_scoped3A_644 : memref<!tpu.dma_semaphore, #tpu.memory_space<semaphore_mem>>)
          %dma_wait3A_661 = arith.constant 0 : i32
          %dma_wait3A_662 = arith.constant 0 : i32
          %dma_wait3A_663 = tpu.memref_slice %arg8[%run_scoped3A, %dma_wait3A_661, %dma_wait3A_662] : memref<3x32x1024xf32, #tpu.memory_space<vmem>> -> memref<1x32x1024xf32, #tpu.memory_space<vmem>>
          %dma_wait3A_664 = tpu.memref_squeeze %dma_wait3A_663 : memref<1x32x1024xf32, #tpu.memory_space<vmem>> -> memref<32x1024xf32, #tpu.memory_space<vmem>>
          %dma_wait3A_665 = arith.constant 0 : i32
          %dma_wait3A_666 = tpu.memref_slice %dma_wait3A_664[%scan3A_634, %dma_wait3A_665] : memref<32x1024xf32, #tpu.memory_space<vmem>> -> memref<1x1024xf32, #tpu.memory_space<vmem>>
          %dma_wait3A_667 = arith.constant 0 : i32
          %dma_wait3A_668 = tpu.memref_slice %arg4[%sub3A_643, %dma_wait3A_667] : memref<800x1024xf32, #tpu.memory_space<hbm>> -> memref<1x1024xf32, #tpu.memory_space<hbm>>
          %dma_wait3A_669 = arith.constant 0 : i32
          %dma_wait3A_670 = arith.constant 0 : i32
          %dma_wait3A_671 = tpu.memref_slice %arg8[%run_scoped3A, %dma_wait3A_669, %dma_wait3A_670] : memref<3x32x1024xf32, #tpu.memory_space<vmem>> -> memref<1x32x1024xf32, #tpu.memory_space<vmem>>
          %dma_wait3A_672 = tpu.memref_squeeze %dma_wait3A_671 : memref<1x32x1024xf32, #tpu.memory_space<vmem>> -> memref<32x1024xf32, #tpu.memory_space<vmem>>
          %dma_wait3A_673 = arith.constant 0 : i32
          %dma_wait3A_674 = tpu.memref_slice %dma_wait3A_672[%scan3A_634, %dma_wait3A_673] : memref<32x1024xf32, #tpu.memory_space<vmem>> -> memref<1x1024xf32, #tpu.memory_space<vmem>>
          %dma_wait3A_675 = arith.constant 0 : i32
          %dma_wait3A_676 = tpu.memref_slice %arg4[%sub3A_643, %dma_wait3A_675] : memref<800x1024xf32, #tpu.memory_space<hbm>> -> memref<1x1024xf32, #tpu.memory_space<hbm>>
          tpu.wait_dma2 semaphore(%run_scoped3A_644 : memref<!tpu.dma_semaphore, #tpu.memory_space<semaphore_mem>>) src(%dma_wait3A_676 : memref<1x1024xf32, #tpu.memory_space<hbm>>) dst(%dma_wait3A_674 : memref<1x1024xf32, #tpu.memory_space<vmem>>)
          tpu.yield
        }) : () -> ()
      } else {
      }
    }
    %scan3A_247 = arith.constant 32 : i32
    %add3A_248 = arith.constant 0 : i32
    %add3A_249 = arith.addi %mul3A_2, %add3A_248 : i32
    %dma_start3A_250 = arith.constant 0 : i32
    %dma_start3A_251 = arith.constant 0 : i32
    %dma_start3A_252 = arith.constant 0 : i32
    %dma_start3A_253 = tpu.memref_slice %arg8[%dma_start3A_250, %dma_start3A_251, %dma_start3A_252] : memref<3x32x1024xf32, #tpu.memory_space<vmem>> -> memref<1x32x1024xf32, #tpu.memory_space<vmem>>
    %dma_start3A_254 = tpu.memref_squeeze %dma_start3A_253 : memref<1x32x1024xf32, #tpu.memory_space<vmem>> -> memref<32x1024xf32, #tpu.memory_space<vmem>>
    %dma_start3A_255 = arith.constant 0 : i32
    %dma_start3A_256 = tpu.memref_slice %arg5[%add3A_249, %dma_start3A_255] : memref<8192x1024xf32, #tpu.memory_space<hbm>> -> memref<32x1024xf32, #tpu.memory_space<hbm>>
    %dma_start3A_257 = arith.constant 0 : i32
    %dma_start3A_258 = tpu.memref_slice %arg5[%add3A_249, %dma_start3A_257] : memref<8192x1024xf32, #tpu.memory_space<hbm>> -> memref<32x1024xf32, #tpu.memory_space<hbm>>
    %dma_start3A_259 = arith.constant 0 : i32
    %dma_start3A_260 = arith.constant 0 : i32
    %dma_start3A_261 = tpu.memref_slice %arg8[%dma_start3A_250, %dma_start3A_259, %dma_start3A_260] : memref<3x32x1024xf32, #tpu.memory_space<vmem>> -> memref<1x32x1024xf32, #tpu.memory_space<vmem>>
    %dma_start3A_262 = tpu.memref_squeeze %dma_start3A_261 : memref<1x32x1024xf32, #tpu.memory_space<vmem>> -> memref<32x1024xf32, #tpu.memory_space<vmem>>
    tpu.enqueue_dma source(%dma_start3A_262 : memref<32x1024xf32, #tpu.memory_space<vmem>>) target(%dma_start3A_258 : memref<32x1024xf32, #tpu.memory_space<hbm>>) target_semaphore(%arg12 : memref<!tpu.dma_semaphore, #tpu.memory_space<semaphore_mem>>)
    %dma_wait3A_263 = arith.constant 0 : i32
    %dma_wait3A_264 = arith.constant 0 : i32
    %dma_wait3A_265 = arith.constant 0 : i32
    %dma_wait3A_266 = tpu.memref_slice %arg8[%dma_wait3A_263, %dma_wait3A_264, %dma_wait3A_265] : memref<3x32x1024xf32, #tpu.memory_space<vmem>> -> memref<1x32x1024xf32, #tpu.memory_space<vmem>>
    %dma_wait3A_267 = tpu.memref_squeeze %dma_wait3A_266 : memref<1x32x1024xf32, #tpu.memory_space<vmem>> -> memref<32x1024xf32, #tpu.memory_space<vmem>>
    %dma_wait3A_268 = arith.constant 0 : i32
    %dma_wait3A_269 = tpu.memref_slice %arg5[%add3A_249, %dma_wait3A_268] : memref<8192x1024xf32, #tpu.memory_space<hbm>> -> memref<32x1024xf32, #tpu.memory_space<hbm>>
    %dma_wait3A_270 = arith.constant 0 : i32
    %dma_wait3A_271 = tpu.memref_slice %arg5[%add3A_249, %dma_wait3A_270] : memref<8192x1024xf32, #tpu.memory_space<hbm>> -> memref<32x1024xf32, #tpu.memory_space<hbm>>
    %dma_wait3A_272 = arith.constant 0 : i32
    %dma_wait3A_273 = arith.constant 0 : i32
    %dma_wait3A_274 = tpu.memref_slice %arg8[%dma_wait3A_263, %dma_wait3A_272, %dma_wait3A_273] : memref<3x32x1024xf32, #tpu.memory_space<vmem>> -> memref<1x32x1024xf32, #tpu.memory_space<vmem>>
    %dma_wait3A_275 = tpu.memref_squeeze %dma_wait3A_274 : memref<1x32x1024xf32, #tpu.memory_space<vmem>> -> memref<32x1024xf32, #tpu.memory_space<vmem>>
    tpu.wait_dma2 semaphore(%arg12 : memref<!tpu.dma_semaphore, #tpu.memory_space<semaphore_mem>>) src(%dma_wait3A_275 : memref<32x1024xf32, #tpu.memory_space<vmem>>) dst(%dma_wait3A_271 : memref<32x1024xf32, #tpu.memory_space<hbm>>)
    %dma_start3A_276 = arith.constant 0 : i32
    %dma_start3A_277 = arith.constant 0 : i32
    %dma_start3A_278 = arith.constant 0 : i32
    %dma_start3A_279 = tpu.memref_slice %arg8[%dma_start3A_276, %dma_start3A_277, %dma_start3A_278] : memref<3x32x1024xf32, #tpu.memory_space<vmem>> -> memref<1x32x1024xf32, #tpu.memory_space<vmem>>
    %dma_start3A_280 = tpu.memref_squeeze %dma_start3A_279 : memref<1x32x1024xf32, #tpu.memory_space<vmem>> -> memref<32x1024xf32, #tpu.memory_space<vmem>>
    %dma_start3A_281 = arith.constant 96 : i32
    %dma_start3A_282 = tpu.memref_slice %arg7[%dma_start3A_281] : memref<256xi32, #tpu.memory_space<vmem>> -> memref<32xi32, #tpu.memory_space<vmem>>
    %dma_start3A_283 = arith.constant 0 : i32
    %dma_start3A_284 = arith.constant 0 : i32
    %dma_start3A_285 = tpu.memref_slice %arg3[%dma_start3A_283, %dma_start3A_284] : memref<32000x1024xf32, #tpu.memory_space<hbm>> -> memref<32000x1024xf32, #tpu.memory_space<hbm>>
    tpu.enqueue_indirect_dma source(%dma_start3A_285 : memref<32000x1024xf32, #tpu.memory_space<hbm>>) target(%dma_start3A_280 : memref<32x1024xf32, #tpu.memory_space<vmem>>) offsets(%dma_start3A_282 : memref<32xi32, #tpu.memory_space<vmem>>) semaphore(%arg9 : memref<!tpu.dma_semaphore, #tpu.memory_space<semaphore_mem>>)
    %dma_wait3A_286 = arith.constant 1 : i32
    %dma_wait3A_287 = arith.constant 0 : i32
    %dma_wait3A_288 = arith.constant 0 : i32
    %dma_wait3A_289 = tpu.memref_slice %arg8[%dma_wait3A_286, %dma_wait3A_287, %dma_wait3A_288] : memref<3x32x1024xf32, #tpu.memory_space<vmem>> -> memref<1x32x1024xf32, #tpu.memory_space<vmem>>
    %dma_wait3A_290 = tpu.memref_squeeze %dma_wait3A_289 : memref<1x32x1024xf32, #tpu.memory_space<vmem>> -> memref<32x1024xf32, #tpu.memory_space<vmem>>
    %dma_wait3A_291 = arith.constant 32 : i32
    %dma_wait3A_292 = tpu.memref_slice %arg7[%dma_wait3A_291] : memref<256xi32, #tpu.memory_space<vmem>> -> memref<32xi32, #tpu.memory_space<vmem>>
    %dma_wait3A_293 = arith.constant 0 : i32
    %dma_wait3A_294 = arith.constant 0 : i32
    %dma_wait3A_295 = tpu.memref_slice %arg3[%dma_wait3A_293, %dma_wait3A_294] : memref<32000x1024xf32, #tpu.memory_space<hbm>> -> memref<32000x1024xf32, #tpu.memory_space<hbm>>
    tpu.wait_indirect_dma semaphore(%arg10 : memref<!tpu.dma_semaphore, #tpu.memory_space<semaphore_mem>>) src(%dma_wait3A_295 : memref<32000x1024xf32, #tpu.memory_space<hbm>>) dst(%dma_wait3A_290 : memref<32x1024xf32, #tpu.memory_space<vmem>>)
    %scan3A_296 = arith.constant 0 : i32
    %scan3A_297 = arith.constant 0 : i32
    %scan3A_298 = arith.constant 32 : i32
    %scan3A_299 = arith.addi %scan3A_297, %scan3A_298 : i32
    %scan3A_300 = arith.constant 1 : i32
    scf.for %scan3A_634 = %scan3A_297 to %scan3A_299 step %scan3A_300  : i32 {
      %add3A_635 = arith.constant 32 : i32
      %add3A_636 = arith.addi %add3A_635, %scan3A_634 : i32
      %get3A_637 = arith.index_cast %add3A_636 : i32 to index
      %get3A_638 = tpu.vector_load %arg6[%get3A_637] {strides = array<i32>} : memref<272xi32, #tpu.memory_space<vmem>>, vector<16xi32>,
      %get3A_639 = vector.shape_cast %get3A_638 : vector<16xi32> to vector<16xi32>
      %slice3A = vector.extract_strided_slice %get3A_639 {offsets = [0], sizes = [1], strides = [1]} : vector<16xi32> to vector<1xi32>
      %squeeze3A = vector.extract %slice3A[0] : i32 from vector<1xi32>
      %ge3A_640 = arith.constant 32000 : i32
      %ge3A_641 = arith.cmpi sge, %squeeze3A, %ge3A_640 : i32
      %convert_element_type3A = arith.extui %ge3A_641 : i1 to i32
      %cond3A = arith.constant 0 : i32
      %cond3A_642 = arith.cmpi ne, %convert_element_type3A, %cond3A : i32
      scf.if %cond3A_642 {
        %sub3A = arith.constant 32000 : i32
        %sub3A_643 = arith.subi %squeeze3A, %sub3A : i32
        %run_scoped3A = arith.constant 1 : i32
        "tpu.region"() ({
          %run_scoped3A_644 = tpu.sem_alloc : memref<!tpu.dma_semaphore, #tpu.memory_space<semaphore_mem>>
          %dma_start3A_645 = arith.constant 0 : i32
          %dma_start3A_646 = arith.constant 0 : i32
          %dma_start3A_647 = tpu.memref_slice %arg8[%run_scoped3A, %dma_start3A_645, %dma_start3A_646] : memref<3x32x1024xf32, #tpu.memory_space<vmem>> -> memref<1x32x1024xf32, #tpu.memory_space<vmem>>
          %dma_start3A_648 = tpu.memref_squeeze %dma_start3A_647 : memref<1x32x1024xf32, #tpu.memory_space<vmem>> -> memref<32x1024xf32, #tpu.memory_space<vmem>>
          %dma_start3A_649 = arith.constant 0 : i32
          %dma_start3A_650 = tpu.memref_slice %dma_start3A_648[%scan3A_634, %dma_start3A_649] : memref<32x1024xf32, #tpu.memory_space<vmem>> -> memref<1x1024xf32, #tpu.memory_space<vmem>>
          %dma_start3A_651 = arith.constant 0 : i32
          %dma_start3A_652 = tpu.memref_slice %arg4[%sub3A_643, %dma_start3A_651] : memref<800x1024xf32, #tpu.memory_space<hbm>> -> memref<1x1024xf32, #tpu.memory_space<hbm>>
          %dma_start3A_653 = arith.constant 0 : i32
          %dma_start3A_654 = arith.constant 0 : i32
          %dma_start3A_655 = tpu.memref_slice %arg8[%run_scoped3A, %dma_start3A_653, %dma_start3A_654] : memref<3x32x1024xf32, #tpu.memory_space<vmem>> -> memref<1x32x1024xf32, #tpu.memory_space<vmem>>
          %dma_start3A_656 = tpu.memref_squeeze %dma_start3A_655 : memref<1x32x1024xf32, #tpu.memory_space<vmem>> -> memref<32x1024xf32, #tpu.memory_space<vmem>>
          %dma_start3A_657 = arith.constant 0 : i32
          %dma_start3A_658 = tpu.memref_slice %dma_start3A_656[%scan3A_634, %dma_start3A_657] : memref<32x1024xf32, #tpu.memory_space<vmem>> -> memref<1x1024xf32, #tpu.memory_space<vmem>>
          %dma_start3A_659 = arith.constant 0 : i32
          %dma_start3A_660 = tpu.memref_slice %arg4[%sub3A_643, %dma_start3A_659] : memref<800x1024xf32, #tpu.memory_space<hbm>> -> memref<1x1024xf32, #tpu.memory_space<hbm>>
          tpu.enqueue_dma source(%dma_start3A_660 : memref<1x1024xf32, #tpu.memory_space<hbm>>) target(%dma_start3A_658 : memref<1x1024xf32, #tpu.memory_space<vmem>>) target_semaphore(%run_scoped3A_644 : memref<!tpu.dma_semaphore, #tpu.memory_space<semaphore_mem>>)
          %dma_wait3A_661 = arith.constant 0 : i32
          %dma_wait3A_662 = arith.constant 0 : i32
          %dma_wait3A_663 = tpu.memref_slice %arg8[%run_scoped3A, %dma_wait3A_661, %dma_wait3A_662] : memref<3x32x1024xf32, #tpu.memory_space<vmem>> -> memref<1x32x1024xf32, #tpu.memory_space<vmem>>
          %dma_wait3A_664 = tpu.memref_squeeze %dma_wait3A_663 : memref<1x32x1024xf32, #tpu.memory_space<vmem>> -> memref<32x1024xf32, #tpu.memory_space<vmem>>
          %dma_wait3A_665 = arith.constant 0 : i32
          %dma_wait3A_666 = tpu.memref_slice %dma_wait3A_664[%scan3A_634, %dma_wait3A_665] : memref<32x1024xf32, #tpu.memory_space<vmem>> -> memref<1x1024xf32, #tpu.memory_space<vmem>>
          %dma_wait3A_667 = arith.constant 0 : i32
          %dma_wait3A_668 = tpu.memref_slice %arg4[%sub3A_643, %dma_wait3A_667] : memref<800x1024xf32, #tpu.memory_space<hbm>> -> memref<1x1024xf32, #tpu.memory_space<hbm>>
          %dma_wait3A_669 = arith.constant 0 : i32
          %dma_wait3A_670 = arith.constant 0 : i32
          %dma_wait3A_671 = tpu.memref_slice %arg8[%run_scoped3A, %dma_wait3A_669, %dma_wait3A_670] : memref<3x32x1024xf32, #tpu.memory_space<vmem>> -> memref<1x32x1024xf32, #tpu.memory_space<vmem>>
          %dma_wait3A_672 = tpu.memref_squeeze %dma_wait3A_671 : memref<1x32x1024xf32, #tpu.memory_space<vmem>> -> memref<32x1024xf32, #tpu.memory_space<vmem>>
          %dma_wait3A_673 = arith.constant 0 : i32
          %dma_wait3A_674 = tpu.memref_slice %dma_wait3A_672[%scan3A_634, %dma_wait3A_673] : memref<32x1024xf32, #tpu.memory_space<vmem>> -> memref<1x1024xf32, #tpu.memory_space<vmem>>
          %dma_wait3A_675 = arith.constant 0 : i32
          %dma_wait3A_676 = tpu.memref_slice %arg4[%sub3A_643, %dma_wait3A_675] : memref<800x1024xf32, #tpu.memory_space<hbm>> -> memref<1x1024xf32, #tpu.memory_space<hbm>>
          tpu.wait_dma2 semaphore(%run_scoped3A_644 : memref<!tpu.dma_semaphore, #tpu.memory_space<semaphore_mem>>) src(%dma_wait3A_676 : memref<1x1024xf32, #tpu.memory_space<hbm>>) dst(%dma_wait3A_674 : memref<1x1024xf32, #tpu.memory_space<vmem>>)
          tpu.yield
        }) : () -> ()
      } else {
      }
    }
    %scan3A_301 = arith.constant 32 : i32
    %add3A_302 = arith.constant 32 : i32
    %add3A_303 = arith.addi %mul3A_2, %add3A_302 : i32
    %dma_start3A_304 = arith.constant 1 : i32
    %dma_start3A_305 = arith.constant 0 : i32
    %dma_start3A_306 = arith.constant 0 : i32
    %dma_start3A_307 = tpu.memref_slice %arg8[%dma_start3A_304, %dma_start3A_305, %dma_start3A_306] : memref<3x32x1024xf32, #tpu.memory_space<vmem>> -> memref<1x32x1024xf32, #tpu.memory_space<vmem>>
    %dma_start3A_308 = tpu.memref_squeeze %dma_start3A_307 : memref<1x32x1024xf32, #tpu.memory_space<vmem>> -> memref<32x1024xf32, #tpu.memory_space<vmem>>
    %dma_start3A_309 = arith.constant 0 : i32
    %dma_start3A_310 = tpu.memref_slice %arg5[%add3A_303, %dma_start3A_309] : memref<8192x1024xf32, #tpu.memory_space<hbm>> -> memref<32x1024xf32, #tpu.memory_space<hbm>>
    %dma_start3A_311 = arith.constant 0 : i32
    %dma_start3A_312 = tpu.memref_slice %arg5[%add3A_303, %dma_start3A_311] : memref<8192x1024xf32, #tpu.memory_space<hbm>> -> memref<32x1024xf32, #tpu.memory_space<hbm>>
    %dma_start3A_313 = arith.constant 0 : i32
    %dma_start3A_314 = arith.constant 0 : i32
    %dma_start3A_315 = tpu.memref_slice %arg8[%dma_start3A_304, %dma_start3A_313, %dma_start3A_314] : memref<3x32x1024xf32, #tpu.memory_space<vmem>> -> memref<1x32x1024xf32, #tpu.memory_space<vmem>>
    %dma_start3A_316 = tpu.memref_squeeze %dma_start3A_315 : memref<1x32x1024xf32, #tpu.memory_space<vmem>> -> memref<32x1024xf32, #tpu.memory_space<vmem>>
    tpu.enqueue_dma source(%dma_start3A_316 : memref<32x1024xf32, #tpu.memory_space<vmem>>) target(%dma_start3A_312 : memref<32x1024xf32, #tpu.memory_space<hbm>>) target_semaphore(%arg13 : memref<!tpu.dma_semaphore, #tpu.memory_space<semaphore_mem>>)
    %dma_wait3A_317 = arith.constant 1 : i32
    %dma_wait3A_318 = arith.constant 0 : i32
    %dma_wait3A_319 = arith.constant 0 : i32
    %dma_wait3A_320 = tpu.memref_slice %arg8[%dma_wait3A_317, %dma_wait3A_318, %dma_wait3A_319] : memref<3x32x1024xf32, #tpu.memory_space<vmem>> -> memref<1x32x1024xf32, #tpu.memory_space<vmem>>
    %dma_wait3A_321 = tpu.memref_squeeze %dma_wait3A_320 : memref<1x32x1024xf32, #tpu.memory_space<vmem>> -> memref<32x1024xf32, #tpu.memory_space<vmem>>
    %dma_wait3A_322 = arith.constant 0 : i32
    %dma_wait3A_323 = tpu.memref_slice %arg5[%add3A_303, %dma_wait3A_322] : memref<8192x1024xf32, #tpu.memory_space<hbm>> -> memref<32x1024xf32, #tpu.memory_space<hbm>>
    %dma_wait3A_324 = arith.constant 0 : i32
    %dma_wait3A_325 = tpu.memref_slice %arg5[%add3A_303, %dma_wait3A_324] : memref<8192x1024xf32, #tpu.memory_space<hbm>> -> memref<32x1024xf32, #tpu.memory_space<hbm>>
    %dma_wait3A_326 = arith.constant 0 : i32
    %dma_wait3A_327 = arith.constant 0 : i32
    %dma_wait3A_328 = tpu.memref_slice %arg8[%dma_wait3A_317, %dma_wait3A_326, %dma_wait3A_327] : memref<3x32x1024xf32, #tpu.memory_space<vmem>> -> memref<1x32x1024xf32, #tpu.memory_space<vmem>>
    %dma_wait3A_329 = tpu.memref_squeeze %dma_wait3A_328 : memref<1x32x1024xf32, #tpu.memory_space<vmem>> -> memref<32x1024xf32, #tpu.memory_space<vmem>>
    tpu.wait_dma2 semaphore(%arg13 : memref<!tpu.dma_semaphore, #tpu.memory_space<semaphore_mem>>) src(%dma_wait3A_329 : memref<32x1024xf32, #tpu.memory_space<vmem>>) dst(%dma_wait3A_325 : memref<32x1024xf32, #tpu.memory_space<hbm>>)
    %dma_start3A_330 = arith.constant 1 : i32
    %dma_start3A_331 = arith.constant 0 : i32
    %dma_start3A_332 = arith.constant 0 : i32
    %dma_start3A_333 = tpu.memref_slice %arg8[%dma_start3A_330, %dma_start3A_331, %dma_start3A_332] : memref<3x32x1024xf32, #tpu.memory_space<vmem>> -> memref<1x32x1024xf32, #tpu.memory_space<vmem>>
    %dma_start3A_334 = tpu.memref_squeeze %dma_start3A_333 : memref<1x32x1024xf32, #tpu.memory_space<vmem>> -> memref<32x1024xf32, #tpu.memory_space<vmem>>
    %dma_start3A_335 = arith.constant 128 : i32
    %dma_start3A_336 = tpu.memref_slice %arg7[%dma_start3A_335] : memref<256xi32, #tpu.memory_space<vmem>> -> memref<32xi32, #tpu.memory_space<vmem>>
    %dma_start3A_337 = arith.constant 0 : i32
    %dma_start3A_338 = arith.constant 0 : i32
    %dma_start3A_339 = tpu.memref_slice %arg3[%dma_start3A_337, %dma_start3A_338] : memref<32000x1024xf32, #tpu.memory_space<hbm>> -> memref<32000x1024xf32, #tpu.memory_space<hbm>>
    tpu.enqueue_indirect_dma source(%dma_start3A_339 : memref<32000x1024xf32, #tpu.memory_space<hbm>>) target(%dma_start3A_334 : memref<32x1024xf32, #tpu.memory_space<vmem>>) offsets(%dma_start3A_336 : memref<32xi32, #tpu.memory_space<vmem>>) semaphore(%arg10 : memref<!tpu.dma_semaphore, #tpu.memory_space<semaphore_mem>>)
    %dma_wait3A_340 = arith.constant 2 : i32
    %dma_wait3A_341 = arith.constant 0 : i32
    %dma_wait3A_342 = arith.constant 0 : i32
    %dma_wait3A_343 = tpu.memref_slice %arg8[%dma_wait3A_340, %dma_wait3A_341, %dma_wait3A_342] : memref<3x32x1024xf32, #tpu.memory_space<vmem>> -> memref<1x32x1024xf32, #tpu.memory_space<vmem>>
    %dma_wait3A_344 = tpu.memref_squeeze %dma_wait3A_343 : memref<1x32x1024xf32, #tpu.memory_space<vmem>> -> memref<32x1024xf32, #tpu.memory_space<vmem>>
    %dma_wait3A_345 = arith.constant 64 : i32
    %dma_wait3A_346 = tpu.memref_slice %arg7[%dma_wait3A_345] : memref<256xi32, #tpu.memory_space<vmem>> -> memref<32xi32, #tpu.memory_space<vmem>>
    %dma_wait3A_347 = arith.constant 0 : i32
    %dma_wait3A_348 = arith.constant 0 : i32
    %dma_wait3A_349 = tpu.memref_slice %arg3[%dma_wait3A_347, %dma_wait3A_348] : memref<32000x1024xf32, #tpu.memory_space<hbm>> -> memref<32000x1024xf32, #tpu.memory_space<hbm>>
    tpu.wait_indirect_dma semaphore(%arg11 : memref<!tpu.dma_semaphore, #tpu.memory_space<semaphore_mem>>) src(%dma_wait3A_349 : memref<32000x1024xf32, #tpu.memory_space<hbm>>) dst(%dma_wait3A_344 : memref<32x1024xf32, #tpu.memory_space<vmem>>)
    %scan3A_350 = arith.constant 0 : i32
    %scan3A_351 = arith.constant 0 : i32
    %scan3A_352 = arith.constant 32 : i32
    %scan3A_353 = arith.addi %scan3A_351, %scan3A_352 : i32
    %scan3A_354 = arith.constant 1 : i32
    scf.for %scan3A_634 = %scan3A_351 to %scan3A_353 step %scan3A_354  : i32 {
      %add3A_635 = arith.constant 64 : i32
      %add3A_636 = arith.addi %add3A_635, %scan3A_634 : i32
      %get3A_637 = arith.index_cast %add3A_636 : i32 to index
      %get3A_638 = tpu.vector_load %arg6[%get3A_637] {strides = array<i32>} : memref<272xi32, #tpu.memory_space<vmem>>, vector<16xi32>,
      %get3A_639 = vector.shape_cast %get3A_638 : vector<16xi32> to vector<16xi32>
      %slice3A = vector.extract_strided_slice %get3A_639 {offsets = [0], sizes = [1], strides = [1]} : vector<16xi32> to vector<1xi32>
      %squeeze3A = vector.extract %slice3A[0] : i32 from vector<1xi32>
      %ge3A_640 = arith.constant 32000 : i32
      %ge3A_641 = arith.cmpi sge, %squeeze3A, %ge3A_640 : i32
      %convert_element_type3A = arith.extui %ge3A_641 : i1 to i32
      %cond3A = arith.constant 0 : i32
      %cond3A_642 = arith.cmpi ne, %convert_element_type3A, %cond3A : i32
      scf.if %cond3A_642 {
        %sub3A = arith.constant 32000 : i32
        %sub3A_643 = arith.subi %squeeze3A, %sub3A : i32
        %run_scoped3A = arith.constant 2 : i32
        "tpu.region"() ({
          %run_scoped3A_644 = tpu.sem_alloc : memref<!tpu.dma_semaphore, #tpu.memory_space<semaphore_mem>>
          %dma_start3A_645 = arith.constant 0 : i32
          %dma_start3A_646 = arith.constant 0 : i32
          %dma_start3A_647 = tpu.memref_slice %arg8[%run_scoped3A, %dma_start3A_645, %dma_start3A_646] : memref<3x32x1024xf32, #tpu.memory_space<vmem>> -> memref<1x32x1024xf32, #tpu.memory_space<vmem>>
          %dma_start3A_648 = tpu.memref_squeeze %dma_start3A_647 : memref<1x32x1024xf32, #tpu.memory_space<vmem>> -> memref<32x1024xf32, #tpu.memory_space<vmem>>
          %dma_start3A_649 = arith.constant 0 : i32
          %dma_start3A_650 = tpu.memref_slice %dma_start3A_648[%scan3A_634, %dma_start3A_649] : memref<32x1024xf32, #tpu.memory_space<vmem>> -> memref<1x1024xf32, #tpu.memory_space<vmem>>
          %dma_start3A_651 = arith.constant 0 : i32
          %dma_start3A_652 = tpu.memref_slice %arg4[%sub3A_643, %dma_start3A_651] : memref<800x1024xf32, #tpu.memory_space<hbm>> -> memref<1x1024xf32, #tpu.memory_space<hbm>>
          %dma_start3A_653 = arith.constant 0 : i32
          %dma_start3A_654 = arith.constant 0 : i32
          %dma_start3A_655 = tpu.memref_slice %arg8[%run_scoped3A, %dma_start3A_653, %dma_start3A_654] : memref<3x32x1024xf32, #tpu.memory_space<vmem>> -> memref<1x32x1024xf32, #tpu.memory_space<vmem>>
          %dma_start3A_656 = tpu.memref_squeeze %dma_start3A_655 : memref<1x32x1024xf32, #tpu.memory_space<vmem>> -> memref<32x1024xf32, #tpu.memory_space<vmem>>
          %dma_start3A_657 = arith.constant 0 : i32
          %dma_start3A_658 = tpu.memref_slice %dma_start3A_656[%scan3A_634, %dma_start3A_657] : memref<32x1024xf32, #tpu.memory_space<vmem>> -> memref<1x1024xf32, #tpu.memory_space<vmem>>
          %dma_start3A_659 = arith.constant 0 : i32
          %dma_start3A_660 = tpu.memref_slice %arg4[%sub3A_643, %dma_start3A_659] : memref<800x1024xf32, #tpu.memory_space<hbm>> -> memref<1x1024xf32, #tpu.memory_space<hbm>>
          tpu.enqueue_dma source(%dma_start3A_660 : memref<1x1024xf32, #tpu.memory_space<hbm>>) target(%dma_start3A_658 : memref<1x1024xf32, #tpu.memory_space<vmem>>) target_semaphore(%run_scoped3A_644 : memref<!tpu.dma_semaphore, #tpu.memory_space<semaphore_mem>>)
          %dma_wait3A_661 = arith.constant 0 : i32
          %dma_wait3A_662 = arith.constant 0 : i32
          %dma_wait3A_663 = tpu.memref_slice %arg8[%run_scoped3A, %dma_wait3A_661, %dma_wait3A_662] : memref<3x32x1024xf32, #tpu.memory_space<vmem>> -> memref<1x32x1024xf32, #tpu.memory_space<vmem>>
          %dma_wait3A_664 = tpu.memref_squeeze %dma_wait3A_663 : memref<1x32x1024xf32, #tpu.memory_space<vmem>> -> memref<32x1024xf32, #tpu.memory_space<vmem>>
          %dma_wait3A_665 = arith.constant 0 : i32
          %dma_wait3A_666 = tpu.memref_slice %dma_wait3A_664[%scan3A_634, %dma_wait3A_665] : memref<32x1024xf32, #tpu.memory_space<vmem>> -> memref<1x1024xf32, #tpu.memory_space<vmem>>
          %dma_wait3A_667 = arith.constant 0 : i32
          %dma_wait3A_668 = tpu.memref_slice %arg4[%sub3A_643, %dma_wait3A_667] : memref<800x1024xf32, #tpu.memory_space<hbm>> -> memref<1x1024xf32, #tpu.memory_space<hbm>>
          %dma_wait3A_669 = arith.constant 0 : i32
          %dma_wait3A_670 = arith.constant 0 : i32
          %dma_wait3A_671 = tpu.memref_slice %arg8[%run_scoped3A, %dma_wait3A_669, %dma_wait3A_670] : memref<3x32x1024xf32, #tpu.memory_space<vmem>> -> memref<1x32x1024xf32, #tpu.memory_space<vmem>>
          %dma_wait3A_672 = tpu.memref_squeeze %dma_wait3A_671 : memref<1x32x1024xf32, #tpu.memory_space<vmem>> -> memref<32x1024xf32, #tpu.memory_space<vmem>>
          %dma_wait3A_673 = arith.constant 0 : i32
          %dma_wait3A_674 = tpu.memref_slice %dma_wait3A_672[%scan3A_634, %dma_wait3A_673] : memref<32x1024xf32, #tpu.memory_space<vmem>> -> memref<1x1024xf32, #tpu.memory_space<vmem>>
          %dma_wait3A_675 = arith.constant 0 : i32
          %dma_wait3A_676 = tpu.memref_slice %arg4[%sub3A_643, %dma_wait3A_675] : memref<800x1024xf32, #tpu.memory_space<hbm>> -> memref<1x1024xf32, #tpu.memory_space<hbm>>
          tpu.wait_dma2 semaphore(%run_scoped3A_644 : memref<!tpu.dma_semaphore, #tpu.memory_space<semaphore_mem>>) src(%dma_wait3A_676 : memref<1x1024xf32, #tpu.memory_space<hbm>>) dst(%dma_wait3A_674 : memref<1x1024xf32, #tpu.memory_space<vmem>>)
          tpu.yield
        }) : () -> ()
      } else {
      }
    }
    %scan3A_355 = arith.constant 32 : i32
    %add3A_356 = arith.constant 64 : i32
    %add3A_357 = arith.addi %mul3A_2, %add3A_356 : i32
    %dma_start3A_358 = arith.constant 2 : i32
    %dma_start3A_359 = arith.constant 0 : i32
    %dma_start3A_360 = arith.constant 0 : i32
    %dma_start3A_361 = tpu.memref_slice %arg8[%dma_start3A_358, %dma_start3A_359, %dma_start3A_360] : memref<3x32x1024xf32, #tpu.memory_space<vmem>> -> memref<1x32x1024xf32, #tpu.memory_space<vmem>>
    %dma_start3A_362 = tpu.memref_squeeze %dma_start3A_361 : memref<1x32x1024xf32, #tpu.memory_space<vmem>> -> memref<32x1024xf32, #tpu.memory_space<vmem>>
    %dma_start3A_363 = arith.constant 0 : i32
    %dma_start3A_364 = tpu.memref_slice %arg5[%add3A_357, %dma_start3A_363] : memref<8192x1024xf32, #tpu.memory_space<hbm>> -> memref<32x1024xf32, #tpu.memory_space<hbm>>
    %dma_start3A_365 = arith.constant 0 : i32
    %dma_start3A_366 = tpu.memref_slice %arg5[%add3A_357, %dma_start3A_365] : memref<8192x1024xf32, #tpu.memory_space<hbm>> -> memref<32x1024xf32, #tpu.memory_space<hbm>>
    %dma_start3A_367 = arith.constant 0 : i32
    %dma_start3A_368 = arith.constant 0 : i32
    %dma_start3A_369 = tpu.memref_slice %arg8[%dma_start3A_358, %dma_start3A_367, %dma_start3A_368] : memref<3x32x1024xf32, #tpu.memory_space<vmem>> -> memref<1x32x1024xf32, #tpu.memory_space<vmem>>
    %dma_start3A_370 = tpu.memref_squeeze %dma_start3A_369 : memref<1x32x1024xf32, #tpu.memory_space<vmem>> -> memref<32x1024xf32, #tpu.memory_space<vmem>>
    tpu.enqueue_dma source(%dma_start3A_370 : memref<32x1024xf32, #tpu.memory_space<vmem>>) target(%dma_start3A_366 : memref<32x1024xf32, #tpu.memory_space<hbm>>) target_semaphore(%arg14 : memref<!tpu.dma_semaphore, #tpu.memory_space<semaphore_mem>>)
    %dma_wait3A_371 = arith.constant 2 : i32
    %dma_wait3A_372 = arith.constant 0 : i32
    %dma_wait3A_373 = arith.constant 0 : i32
    %dma_wait3A_374 = tpu.memref_slice %arg8[%dma_wait3A_371, %dma_wait3A_372, %dma_wait3A_373] : memref<3x32x1024xf32, #tpu.memory_space<vmem>> -> memref<1x32x1024xf32, #tpu.memory_space<vmem>>
    %dma_wait3A_375 = tpu.memref_squeeze %dma_wait3A_374 : memref<1x32x1024xf32, #tpu.memory_space<vmem>> -> memref<32x1024xf32, #tpu.memory_space<vmem>>
    %dma_wait3A_376 = arith.constant 0 : i32
    %dma_wait3A_377 = tpu.memref_slice %arg5[%add3A_357, %dma_wait3A_376] : memref<8192x1024xf32, #tpu.memory_space<hbm>> -> memref<32x1024xf32, #tpu.memory_space<hbm>>
    %dma_wait3A_378 = arith.constant 0 : i32
    %dma_wait3A_379 = tpu.memref_slice %arg5[%add3A_357, %dma_wait3A_378] : memref<8192x1024xf32, #tpu.memory_space<hbm>> -> memref<32x1024xf32, #tpu.memory_space<hbm>>
    %dma_wait3A_380 = arith.constant 0 : i32
    %dma_wait3A_381 = arith.constant 0 : i32
    %dma_wait3A_382 = tpu.memref_slice %arg8[%dma_wait3A_371, %dma_wait3A_380, %dma_wait3A_381] : memref<3x32x1024xf32, #tpu.memory_space<vmem>> -> memref<1x32x1024xf32, #tpu.memory_space<vmem>>
    %dma_wait3A_383 = tpu.memref_squeeze %dma_wait3A_382 : memref<1x32x1024xf32, #tpu.memory_space<vmem>> -> memref<32x1024xf32, #tpu.memory_space<vmem>>
    tpu.wait_dma2 semaphore(%arg14 : memref<!tpu.dma_semaphore, #tpu.memory_space<semaphore_mem>>) src(%dma_wait3A_383 : memref<32x1024xf32, #tpu.memory_space<vmem>>) dst(%dma_wait3A_379 : memref<32x1024xf32, #tpu.memory_space<hbm>>)
    %dma_start3A_384 = arith.constant 2 : i32
    %dma_start3A_385 = arith.constant 0 : i32
    %dma_start3A_386 = arith.constant 0 : i32
    %dma_start3A_387 = tpu.memref_slice %arg8[%dma_start3A_384, %dma_start3A_385, %dma_start3A_386] : memref<3x32x1024xf32, #tpu.memory_space<vmem>> -> memref<1x32x1024xf32, #tpu.memory_space<vmem>>
    %dma_start3A_388 = tpu.memref_squeeze %dma_start3A_387 : memref<1x32x1024xf32, #tpu.memory_space<vmem>> -> memref<32x1024xf32, #tpu.memory_space<vmem>>
    %dma_start3A_389 = arith.constant 160 : i32
    %dma_start3A_390 = tpu.memref_slice %arg7[%dma_start3A_389] : memref<256xi32, #tpu.memory_space<vmem>> -> memref<32xi32, #tpu.memory_space<vmem>>
    %dma_start3A_391 = arith.constant 0 : i32
    %dma_start3A_392 = arith.constant 0 : i32
    %dma_start3A_393 = tpu.memref_slice %arg3[%dma_start3A_391, %dma_start3A_392] : memref<32000x1024xf32, #tpu.memory_space<hbm>> -> memref<32000x1024xf32, #tpu.memory_space<hbm>>
    tpu.enqueue_indirect_dma source(%dma_start3A_393 : memref<32000x1024xf32, #tpu.memory_space<hbm>>) target(%dma_start3A_388 : memref<32x1024xf32, #tpu.memory_space<vmem>>) offsets(%dma_start3A_390 : memref<32xi32, #tpu.memory_space<vmem>>) semaphore(%arg11 : memref<!tpu.dma_semaphore, #tpu.memory_space<semaphore_mem>>)
    %dma_wait3A_394 = arith.constant 0 : i32
    %dma_wait3A_395 = arith.constant 0 : i32
    %dma_wait3A_396 = arith.constant 0 : i32
    %dma_wait3A_397 = tpu.memref_slice %arg8[%dma_wait3A_394, %dma_wait3A_395, %dma_wait3A_396] : memref<3x32x1024xf32, #tpu.memory_space<vmem>> -> memref<1x32x1024xf32, #tpu.memory_space<vmem>>
    %dma_wait3A_398 = tpu.memref_squeeze %dma_wait3A_397 : memref<1x32x1024xf32, #tpu.memory_space<vmem>> -> memref<32x1024xf32, #tpu.memory_space<vmem>>
    %dma_wait3A_399 = arith.constant 96 : i32
    %dma_wait3A_400 = tpu.memref_slice %arg7[%dma_wait3A_399] : memref<256xi32, #tpu.memory_space<vmem>> -> memref<32xi32, #tpu.memory_space<vmem>>
    %dma_wait3A_401 = arith.constant 0 : i32
    %dma_wait3A_402 = arith.constant 0 : i32
    %dma_wait3A_403 = tpu.memref_slice %arg3[%dma_wait3A_401, %dma_wait3A_402] : memref<32000x1024xf32, #tpu.memory_space<hbm>> -> memref<32000x1024xf32, #tpu.memory_space<hbm>>
    tpu.wait_indirect_dma semaphore(%arg9 : memref<!tpu.dma_semaphore, #tpu.memory_space<semaphore_mem>>) src(%dma_wait3A_403 : memref<32000x1024xf32, #tpu.memory_space<hbm>>) dst(%dma_wait3A_398 : memref<32x1024xf32, #tpu.memory_space<vmem>>)
    %scan3A_404 = arith.constant 0 : i32
    %scan3A_405 = arith.constant 0 : i32
    %scan3A_406 = arith.constant 32 : i32
    %scan3A_407 = arith.addi %scan3A_405, %scan3A_406 : i32
    %scan3A_408 = arith.constant 1 : i32
    scf.for %scan3A_634 = %scan3A_405 to %scan3A_407 step %scan3A_408  : i32 {
      %add3A_635 = arith.constant 96 : i32
      %add3A_636 = arith.addi %add3A_635, %scan3A_634 : i32
      %get3A_637 = arith.index_cast %add3A_636 : i32 to index
      %get3A_638 = tpu.vector_load %arg6[%get3A_637] {strides = array<i32>} : memref<272xi32, #tpu.memory_space<vmem>>, vector<16xi32>,
      %get3A_639 = vector.shape_cast %get3A_638 : vector<16xi32> to vector<16xi32>
      %slice3A = vector.extract_strided_slice %get3A_639 {offsets = [0], sizes = [1], strides = [1]} : vector<16xi32> to vector<1xi32>
      %squeeze3A = vector.extract %slice3A[0] : i32 from vector<1xi32>
      %ge3A_640 = arith.constant 32000 : i32
      %ge3A_641 = arith.cmpi sge, %squeeze3A, %ge3A_640 : i32
      %convert_element_type3A = arith.extui %ge3A_641 : i1 to i32
      %cond3A = arith.constant 0 : i32
      %cond3A_642 = arith.cmpi ne, %convert_element_type3A, %cond3A : i32
      scf.if %cond3A_642 {
        %sub3A = arith.constant 32000 : i32
        %sub3A_643 = arith.subi %squeeze3A, %sub3A : i32
        %run_scoped3A = arith.constant 0 : i32
        "tpu.region"() ({
          %run_scoped3A_644 = tpu.sem_alloc : memref<!tpu.dma_semaphore, #tpu.memory_space<semaphore_mem>>
          %dma_start3A_645 = arith.constant 0 : i32
          %dma_start3A_646 = arith.constant 0 : i32
          %dma_start3A_647 = tpu.memref_slice %arg8[%run_scoped3A, %dma_start3A_645, %dma_start3A_646] : memref<3x32x1024xf32, #tpu.memory_space<vmem>> -> memref<1x32x1024xf32, #tpu.memory_space<vmem>>
          %dma_start3A_648 = tpu.memref_squeeze %dma_start3A_647 : memref<1x32x1024xf32, #tpu.memory_space<vmem>> -> memref<32x1024xf32, #tpu.memory_space<vmem>>
          %dma_start3A_649 = arith.constant 0 : i32
          %dma_start3A_650 = tpu.memref_slice %dma_start3A_648[%scan3A_634, %dma_start3A_649] : memref<32x1024xf32, #tpu.memory_space<vmem>> -> memref<1x1024xf32, #tpu.memory_space<vmem>>
          %dma_start3A_651 = arith.constant 0 : i32
          %dma_start3A_652 = tpu.memref_slice %arg4[%sub3A_643, %dma_start3A_651] : memref<800x1024xf32, #tpu.memory_space<hbm>> -> memref<1x1024xf32, #tpu.memory_space<hbm>>
          %dma_start3A_653 = arith.constant 0 : i32
          %dma_start3A_654 = arith.constant 0 : i32
          %dma_start3A_655 = tpu.memref_slice %arg8[%run_scoped3A, %dma_start3A_653, %dma_start3A_654] : memref<3x32x1024xf32, #tpu.memory_space<vmem>> -> memref<1x32x1024xf32, #tpu.memory_space<vmem>>
          %dma_start3A_656 = tpu.memref_squeeze %dma_start3A_655 : memref<1x32x1024xf32, #tpu.memory_space<vmem>> -> memref<32x1024xf32, #tpu.memory_space<vmem>>
          %dma_start3A_657 = arith.constant 0 : i32
          %dma_start3A_658 = tpu.memref_slice %dma_start3A_656[%scan3A_634, %dma_start3A_657] : memref<32x1024xf32, #tpu.memory_space<vmem>> -> memref<1x1024xf32, #tpu.memory_space<vmem>>
          %dma_start3A_659 = arith.constant 0 : i32
          %dma_start3A_660 = tpu.memref_slice %arg4[%sub3A_643, %dma_start3A_659] : memref<800x1024xf32, #tpu.memory_space<hbm>> -> memref<1x1024xf32, #tpu.memory_space<hbm>>
          tpu.enqueue_dma source(%dma_start3A_660 : memref<1x1024xf32, #tpu.memory_space<hbm>>) target(%dma_start3A_658 : memref<1x1024xf32, #tpu.memory_space<vmem>>) target_semaphore(%run_scoped3A_644 : memref<!tpu.dma_semaphore, #tpu.memory_space<semaphore_mem>>)
          %dma_wait3A_661 = arith.constant 0 : i32
          %dma_wait3A_662 = arith.constant 0 : i32
          %dma_wait3A_663 = tpu.memref_slice %arg8[%run_scoped3A, %dma_wait3A_661, %dma_wait3A_662] : memref<3x32x1024xf32, #tpu.memory_space<vmem>> -> memref<1x32x1024xf32, #tpu.memory_space<vmem>>
          %dma_wait3A_664 = tpu.memref_squeeze %dma_wait3A_663 : memref<1x32x1024xf32, #tpu.memory_space<vmem>> -> memref<32x1024xf32, #tpu.memory_space<vmem>>
          %dma_wait3A_665 = arith.constant 0 : i32
          %dma_wait3A_666 = tpu.memref_slice %dma_wait3A_664[%scan3A_634, %dma_wait3A_665] : memref<32x1024xf32, #tpu.memory_space<vmem>> -> memref<1x1024xf32, #tpu.memory_space<vmem>>
          %dma_wait3A_667 = arith.constant 0 : i32
          %dma_wait3A_668 = tpu.memref_slice %arg4[%sub3A_643, %dma_wait3A_667] : memref<800x1024xf32, #tpu.memory_space<hbm>> -> memref<1x1024xf32, #tpu.memory_space<hbm>>
          %dma_wait3A_669 = arith.constant 0 : i32
          %dma_wait3A_670 = arith.constant 0 : i32
          %dma_wait3A_671 = tpu.memref_slice %arg8[%run_scoped3A, %dma_wait3A_669, %dma_wait3A_670] : memref<3x32x1024xf32, #tpu.memory_space<vmem>> -> memref<1x32x1024xf32, #tpu.memory_space<vmem>>
          %dma_wait3A_672 = tpu.memref_squeeze %dma_wait3A_671 : memref<1x32x1024xf32, #tpu.memory_space<vmem>> -> memref<32x1024xf32, #tpu.memory_space<vmem>>
          %dma_wait3A_673 = arith.constant 0 : i32
          %dma_wait3A_674 = tpu.memref_slice %dma_wait3A_672[%scan3A_634, %dma_wait3A_673] : memref<32x1024xf32, #tpu.memory_space<vmem>> -> memref<1x1024xf32, #tpu.memory_space<vmem>>
          %dma_wait3A_675 = arith.constant 0 : i32
          %dma_wait3A_676 = tpu.memref_slice %arg4[%sub3A_643, %dma_wait3A_675] : memref<800x1024xf32, #tpu.memory_space<hbm>> -> memref<1x1024xf32, #tpu.memory_space<hbm>>
          tpu.wait_dma2 semaphore(%run_scoped3A_644 : memref<!tpu.dma_semaphore, #tpu.memory_space<semaphore_mem>>) src(%dma_wait3A_676 : memref<1x1024xf32, #tpu.memory_space<hbm>>) dst(%dma_wait3A_674 : memref<1x1024xf32, #tpu.memory_space<vmem>>)
          tpu.yield
        }) : () -> ()
      } else {
      }
    }
    %scan3A_409 = arith.constant 32 : i32
    %add3A_410 = arith.constant 96 : i32
    %add3A_411 = arith.addi %mul3A_2, %add3A_410 : i32
    %dma_start3A_412 = arith.constant 0 : i32
    %dma_start3A_413 = arith.constant 0 : i32
    %dma_start3A_414 = arith.constant 0 : i32
    %dma_start3A_415 = tpu.memref_slice %arg8[%dma_start3A_412, %dma_start3A_413, %dma_start3A_414] : memref<3x32x1024xf32, #tpu.memory_space<vmem>> -> memref<1x32x1024xf32, #tpu.memory_space<vmem>>
    %dma_start3A_416 = tpu.memref_squeeze %dma_start3A_415 : memref<1x32x1024xf32, #tpu.memory_space<vmem>> -> memref<32x1024xf32, #tpu.memory_space<vmem>>
    %dma_start3A_417 = arith.constant 0 : i32
    %dma_start3A_418 = tpu.memref_slice %arg5[%add3A_411, %dma_start3A_417] : memref<8192x1024xf32, #tpu.memory_space<hbm>> -> memref<32x1024xf32, #tpu.memory_space<hbm>>
    %dma_start3A_419 = arith.constant 0 : i32
    %dma_start3A_420 = tpu.memref_slice %arg5[%add3A_411, %dma_start3A_419] : memref<8192x1024xf32, #tpu.memory_space<hbm>> -> memref<32x1024xf32, #tpu.memory_space<hbm>>
    %dma_start3A_421 = arith.constant 0 : i32
    %dma_start3A_422 = arith.constant 0 : i32
    %dma_start3A_423 = tpu.memref_slice %arg8[%dma_start3A_412, %dma_start3A_421, %dma_start3A_422] : memref<3x32x1024xf32, #tpu.memory_space<vmem>> -> memref<1x32x1024xf32, #tpu.memory_space<vmem>>
    %dma_start3A_424 = tpu.memref_squeeze %dma_start3A_423 : memref<1x32x1024xf32, #tpu.memory_space<vmem>> -> memref<32x1024xf32, #tpu.memory_space<vmem>>
    tpu.enqueue_dma source(%dma_start3A_424 : memref<32x1024xf32, #tpu.memory_space<vmem>>) target(%dma_start3A_420 : memref<32x1024xf32, #tpu.memory_space<hbm>>) target_semaphore(%arg12 : memref<!tpu.dma_semaphore, #tpu.memory_space<semaphore_mem>>)
    %dma_wait3A_425 = arith.constant 0 : i32
    %dma_wait3A_426 = arith.constant 0 : i32
    %dma_wait3A_427 = arith.constant 0 : i32
    %dma_wait3A_428 = tpu.memref_slice %arg8[%dma_wait3A_425, %dma_wait3A_426, %dma_wait3A_427] : memref<3x32x1024xf32, #tpu.memory_space<vmem>> -> memref<1x32x1024xf32, #tpu.memory_space<vmem>>
    %dma_wait3A_429 = tpu.memref_squeeze %dma_wait3A_428 : memref<1x32x1024xf32, #tpu.memory_space<vmem>> -> memref<32x1024xf32, #tpu.memory_space<vmem>>
    %dma_wait3A_430 = arith.constant 0 : i32
    %dma_wait3A_431 = tpu.memref_slice %arg5[%add3A_411, %dma_wait3A_430] : memref<8192x1024xf32, #tpu.memory_space<hbm>> -> memref<32x1024xf32, #tpu.memory_space<hbm>>
    %dma_wait3A_432 = arith.constant 0 : i32
    %dma_wait3A_433 = tpu.memref_slice %arg5[%add3A_411, %dma_wait3A_432] : memref<8192x1024xf32, #tpu.memory_space<hbm>> -> memref<32x1024xf32, #tpu.memory_space<hbm>>
    %dma_wait3A_434 = arith.constant 0 : i32
    %dma_wait3A_435 = arith.constant 0 : i32
    %dma_wait3A_436 = tpu.memref_slice %arg8[%dma_wait3A_425, %dma_wait3A_434, %dma_wait3A_435] : memref<3x32x1024xf32, #tpu.memory_space<vmem>> -> memref<1x32x1024xf32, #tpu.memory_space<vmem>>
    %dma_wait3A_437 = tpu.memref_squeeze %dma_wait3A_436 : memref<1x32x1024xf32, #tpu.memory_space<vmem>> -> memref<32x1024xf32, #tpu.memory_space<vmem>>
    tpu.wait_dma2 semaphore(%arg12 : memref<!tpu.dma_semaphore, #tpu.memory_space<semaphore_mem>>) src(%dma_wait3A_437 : memref<32x1024xf32, #tpu.memory_space<vmem>>) dst(%dma_wait3A_433 : memref<32x1024xf32, #tpu.memory_space<hbm>>)
    %dma_start3A_438 = arith.constant 0 : i32
    %dma_start3A_439 = arith.constant 0 : i32
    %dma_start3A_440 = arith.constant 0 : i32
    %dma_start3A_441 = tpu.memref_slice %arg8[%dma_start3A_438, %dma_start3A_439, %dma_start3A_440] : memref<3x32x1024xf32, #tpu.memory_space<vmem>> -> memref<1x32x1024xf32, #tpu.memory_space<vmem>>
    %dma_start3A_442 = tpu.memref_squeeze %dma_start3A_441 : memref<1x32x1024xf32, #tpu.memory_space<vmem>> -> memref<32x1024xf32, #tpu.memory_space<vmem>>
    %dma_start3A_443 = arith.constant 192 : i32
    %dma_start3A_444 = tpu.memref_slice %arg7[%dma_start3A_443] : memref<256xi32, #tpu.memory_space<vmem>> -> memref<32xi32, #tpu.memory_space<vmem>>
    %dma_start3A_445 = arith.constant 0 : i32
    %dma_start3A_446 = arith.constant 0 : i32
    %dma_start3A_447 = tpu.memref_slice %arg3[%dma_start3A_445, %dma_start3A_446] : memref<32000x1024xf32, #tpu.memory_space<hbm>> -> memref<32000x1024xf32, #tpu.memory_space<hbm>>
    tpu.enqueue_indirect_dma source(%dma_start3A_447 : memref<32000x1024xf32, #tpu.memory_space<hbm>>) target(%dma_start3A_442 : memref<32x1024xf32, #tpu.memory_space<vmem>>) offsets(%dma_start3A_444 : memref<32xi32, #tpu.memory_space<vmem>>) semaphore(%arg9 : memref<!tpu.dma_semaphore, #tpu.memory_space<semaphore_mem>>)
    %dma_wait3A_448 = arith.constant 1 : i32
    %dma_wait3A_449 = arith.constant 0 : i32
    %dma_wait3A_450 = arith.constant 0 : i32
    %dma_wait3A_451 = tpu.memref_slice %arg8[%dma_wait3A_448, %dma_wait3A_449, %dma_wait3A_450] : memref<3x32x1024xf32, #tpu.memory_space<vmem>> -> memref<1x32x1024xf32, #tpu.memory_space<vmem>>
    %dma_wait3A_452 = tpu.memref_squeeze %dma_wait3A_451 : memref<1x32x1024xf32, #tpu.memory_space<vmem>> -> memref<32x1024xf32, #tpu.memory_space<vmem>>
    %dma_wait3A_453 = arith.constant 128 : i32
    %dma_wait3A_454 = tpu.memref_slice %arg7[%dma_wait3A_453] : memref<256xi32, #tpu.memory_space<vmem>> -> memref<32xi32, #tpu.memory_space<vmem>>
    %dma_wait3A_455 = arith.constant 0 : i32
    %dma_wait3A_456 = arith.constant 0 : i32
    %dma_wait3A_457 = tpu.memref_slice %arg3[%dma_wait3A_455, %dma_wait3A_456] : memref<32000x1024xf32, #tpu.memory_space<hbm>> -> memref<32000x1024xf32, #tpu.memory_space<hbm>>
    tpu.wait_indirect_dma semaphore(%arg10 : memref<!tpu.dma_semaphore, #tpu.memory_space<semaphore_mem>>) src(%dma_wait3A_457 : memref<32000x1024xf32, #tpu.memory_space<hbm>>) dst(%dma_wait3A_452 : memref<32x1024xf32, #tpu.memory_space<vmem>>)
    %scan3A_458 = arith.constant 0 : i32
    %scan3A_459 = arith.constant 0 : i32
    %scan3A_460 = arith.constant 32 : i32
    %scan3A_461 = arith.addi %scan3A_459, %scan3A_460 : i32
    %scan3A_462 = arith.constant 1 : i32
    scf.for %scan3A_634 = %scan3A_459 to %scan3A_461 step %scan3A_462  : i32 {
      %add3A_635 = arith.constant 128 : i32
      %add3A_636 = arith.addi %add3A_635, %scan3A_634 : i32
      %get3A_637 = arith.index_cast %add3A_636 : i32 to index
      %get3A_638 = tpu.vector_load %arg6[%get3A_637] {strides = array<i32>} : memref<272xi32, #tpu.memory_space<vmem>>, vector<16xi32>,
      %get3A_639 = vector.shape_cast %get3A_638 : vector<16xi32> to vector<16xi32>
      %slice3A = vector.extract_strided_slice %get3A_639 {offsets = [0], sizes = [1], strides = [1]} : vector<16xi32> to vector<1xi32>
      %squeeze3A = vector.extract %slice3A[0] : i32 from vector<1xi32>
      %ge3A_640 = arith.constant 32000 : i32
      %ge3A_641 = arith.cmpi sge, %squeeze3A, %ge3A_640 : i32
      %convert_element_type3A = arith.extui %ge3A_641 : i1 to i32
      %cond3A = arith.constant 0 : i32
      %cond3A_642 = arith.cmpi ne, %convert_element_type3A, %cond3A : i32
      scf.if %cond3A_642 {
        %sub3A = arith.constant 32000 : i32
        %sub3A_643 = arith.subi %squeeze3A, %sub3A : i32
        %run_scoped3A = arith.constant 1 : i32
        "tpu.region"() ({
          %run_scoped3A_644 = tpu.sem_alloc : memref<!tpu.dma_semaphore, #tpu.memory_space<semaphore_mem>>
          %dma_start3A_645 = arith.constant 0 : i32
          %dma_start3A_646 = arith.constant 0 : i32
          %dma_start3A_647 = tpu.memref_slice %arg8[%run_scoped3A, %dma_start3A_645, %dma_start3A_646] : memref<3x32x1024xf32, #tpu.memory_space<vmem>> -> memref<1x32x1024xf32, #tpu.memory_space<vmem>>
          %dma_start3A_648 = tpu.memref_squeeze %dma_start3A_647 : memref<1x32x1024xf32, #tpu.memory_space<vmem>> -> memref<32x1024xf32, #tpu.memory_space<vmem>>
          %dma_start3A_649 = arith.constant 0 : i32
          %dma_start3A_650 = tpu.memref_slice %dma_start3A_648[%scan3A_634, %dma_start3A_649] : memref<32x1024xf32, #tpu.memory_space<vmem>> -> memref<1x1024xf32, #tpu.memory_space<vmem>>
          %dma_start3A_651 = arith.constant 0 : i32
          %dma_start3A_652 = tpu.memref_slice %arg4[%sub3A_643, %dma_start3A_651] : memref<800x1024xf32, #tpu.memory_space<hbm>> -> memref<1x1024xf32, #tpu.memory_space<hbm>>
          %dma_start3A_653 = arith.constant 0 : i32
          %dma_start3A_654 = arith.constant 0 : i32
          %dma_start3A_655 = tpu.memref_slice %arg8[%run_scoped3A, %dma_start3A_653, %dma_start3A_654] : memref<3x32x1024xf32, #tpu.memory_space<vmem>> -> memref<1x32x1024xf32, #tpu.memory_space<vmem>>
          %dma_start3A_656 = tpu.memref_squeeze %dma_start3A_655 : memref<1x32x1024xf32, #tpu.memory_space<vmem>> -> memref<32x1024xf32, #tpu.memory_space<vmem>>
          %dma_start3A_657 = arith.constant 0 : i32
          %dma_start3A_658 = tpu.memref_slice %dma_start3A_656[%scan3A_634, %dma_start3A_657] : memref<32x1024xf32, #tpu.memory_space<vmem>> -> memref<1x1024xf32, #tpu.memory_space<vmem>>
          %dma_start3A_659 = arith.constant 0 : i32
          %dma_start3A_660 = tpu.memref_slice %arg4[%sub3A_643, %dma_start3A_659] : memref<800x1024xf32, #tpu.memory_space<hbm>> -> memref<1x1024xf32, #tpu.memory_space<hbm>>
          tpu.enqueue_dma source(%dma_start3A_660 : memref<1x1024xf32, #tpu.memory_space<hbm>>) target(%dma_start3A_658 : memref<1x1024xf32, #tpu.memory_space<vmem>>) target_semaphore(%run_scoped3A_644 : memref<!tpu.dma_semaphore, #tpu.memory_space<semaphore_mem>>)
          %dma_wait3A_661 = arith.constant 0 : i32
          %dma_wait3A_662 = arith.constant 0 : i32
          %dma_wait3A_663 = tpu.memref_slice %arg8[%run_scoped3A, %dma_wait3A_661, %dma_wait3A_662] : memref<3x32x1024xf32, #tpu.memory_space<vmem>> -> memref<1x32x1024xf32, #tpu.memory_space<vmem>>
          %dma_wait3A_664 = tpu.memref_squeeze %dma_wait3A_663 : memref<1x32x1024xf32, #tpu.memory_space<vmem>> -> memref<32x1024xf32, #tpu.memory_space<vmem>>
          %dma_wait3A_665 = arith.constant 0 : i32
          %dma_wait3A_666 = tpu.memref_slice %dma_wait3A_664[%scan3A_634, %dma_wait3A_665] : memref<32x1024xf32, #tpu.memory_space<vmem>> -> memref<1x1024xf32, #tpu.memory_space<vmem>>
          %dma_wait3A_667 = arith.constant 0 : i32
          %dma_wait3A_668 = tpu.memref_slice %arg4[%sub3A_643, %dma_wait3A_667] : memref<800x1024xf32, #tpu.memory_space<hbm>> -> memref<1x1024xf32, #tpu.memory_space<hbm>>
          %dma_wait3A_669 = arith.constant 0 : i32
          %dma_wait3A_670 = arith.constant 0 : i32
          %dma_wait3A_671 = tpu.memref_slice %arg8[%run_scoped3A, %dma_wait3A_669, %dma_wait3A_670] : memref<3x32x1024xf32, #tpu.memory_space<vmem>> -> memref<1x32x1024xf32, #tpu.memory_space<vmem>>
          %dma_wait3A_672 = tpu.memref_squeeze %dma_wait3A_671 : memref<1x32x1024xf32, #tpu.memory_space<vmem>> -> memref<32x1024xf32, #tpu.memory_space<vmem>>
          %dma_wait3A_673 = arith.constant 0 : i32
          %dma_wait3A_674 = tpu.memref_slice %dma_wait3A_672[%scan3A_634, %dma_wait3A_673] : memref<32x1024xf32, #tpu.memory_space<vmem>> -> memref<1x1024xf32, #tpu.memory_space<vmem>>
          %dma_wait3A_675 = arith.constant 0 : i32
          %dma_wait3A_676 = tpu.memref_slice %arg4[%sub3A_643, %dma_wait3A_675] : memref<800x1024xf32, #tpu.memory_space<hbm>> -> memref<1x1024xf32, #tpu.memory_space<hbm>>
          tpu.wait_dma2 semaphore(%run_scoped3A_644 : memref<!tpu.dma_semaphore, #tpu.memory_space<semaphore_mem>>) src(%dma_wait3A_676 : memref<1x1024xf32, #tpu.memory_space<hbm>>) dst(%dma_wait3A_674 : memref<1x1024xf32, #tpu.memory_space<vmem>>)
          tpu.yield
        }) : () -> ()
      } else {
      }
    }
    %scan3A_463 = arith.constant 32 : i32
    %add3A_464 = arith.constant 128 : i32
    %add3A_465 = arith.addi %mul3A_2, %add3A_464 : i32
    %dma_start3A_466 = arith.constant 1 : i32
    %dma_start3A_467 = arith.constant 0 : i32
    %dma_start3A_468 = arith.constant 0 : i32
    %dma_start3A_469 = tpu.memref_slice %arg8[%dma_start3A_466, %dma_start3A_467, %dma_start3A_468] : memref<3x32x1024xf32, #tpu.memory_space<vmem>> -> memref<1x32x1024xf32, #tpu.memory_space<vmem>>
    %dma_start3A_470 = tpu.memref_squeeze %dma_start3A_469 : memref<1x32x1024xf32, #tpu.memory_space<vmem>> -> memref<32x1024xf32, #tpu.memory_space<vmem>>
    %dma_start3A_471 = arith.constant 0 : i32
    %dma_start3A_472 = tpu.memref_slice %arg5[%add3A_465, %dma_start3A_471] : memref<8192x1024xf32, #tpu.memory_space<hbm>> -> memref<32x1024xf32, #tpu.memory_space<hbm>>
    %dma_start3A_473 = arith.constant 0 : i32
    %dma_start3A_474 = tpu.memref_slice %arg5[%add3A_465, %dma_start3A_473] : memref<8192x1024xf32, #tpu.memory_space<hbm>> -> memref<32x1024xf32, #tpu.memory_space<hbm>>
    %dma_start3A_475 = arith.constant 0 : i32
    %dma_start3A_476 = arith.constant 0 : i32
    %dma_start3A_477 = tpu.memref_slice %arg8[%dma_start3A_466, %dma_start3A_475, %dma_start3A_476] : memref<3x32x1024xf32, #tpu.memory_space<vmem>> -> memref<1x32x1024xf32, #tpu.memory_space<vmem>>
    %dma_start3A_478 = tpu.memref_squeeze %dma_start3A_477 : memref<1x32x1024xf32, #tpu.memory_space<vmem>> -> memref<32x1024xf32, #tpu.memory_space<vmem>>
    tpu.enqueue_dma source(%dma_start3A_478 : memref<32x1024xf32, #tpu.memory_space<vmem>>) target(%dma_start3A_474 : memref<32x1024xf32, #tpu.memory_space<hbm>>) target_semaphore(%arg13 : memref<!tpu.dma_semaphore, #tpu.memory_space<semaphore_mem>>)
    %dma_wait3A_479 = arith.constant 1 : i32
    %dma_wait3A_480 = arith.constant 0 : i32
    %dma_wait3A_481 = arith.constant 0 : i32
    %dma_wait3A_482 = tpu.memref_slice %arg8[%dma_wait3A_479, %dma_wait3A_480, %dma_wait3A_481] : memref<3x32x1024xf32, #tpu.memory_space<vmem>> -> memref<1x32x1024xf32, #tpu.memory_space<vmem>>
    %dma_wait3A_483 = tpu.memref_squeeze %dma_wait3A_482 : memref<1x32x1024xf32, #tpu.memory_space<vmem>> -> memref<32x1024xf32, #tpu.memory_space<vmem>>
    %dma_wait3A_484 = arith.constant 0 : i32
    %dma_wait3A_485 = tpu.memref_slice %arg5[%add3A_465, %dma_wait3A_484] : memref<8192x1024xf32, #tpu.memory_space<hbm>> -> memref<32x1024xf32, #tpu.memory_space<hbm>>
    %dma_wait3A_486 = arith.constant 0 : i32
    %dma_wait3A_487 = tpu.memref_slice %arg5[%add3A_465, %dma_wait3A_486] : memref<8192x1024xf32, #tpu.memory_space<hbm>> -> memref<32x1024xf32, #tpu.memory_space<hbm>>
    %dma_wait3A_488 = arith.constant 0 : i32
    %dma_wait3A_489 = arith.constant 0 : i32
    %dma_wait3A_490 = tpu.memref_slice %arg8[%dma_wait3A_479, %dma_wait3A_488, %dma_wait3A_489] : memref<3x32x1024xf32, #tpu.memory_space<vmem>> -> memref<1x32x1024xf32, #tpu.memory_space<vmem>>
    %dma_wait3A_491 = tpu.memref_squeeze %dma_wait3A_490 : memref<1x32x1024xf32, #tpu.memory_space<vmem>> -> memref<32x1024xf32, #tpu.memory_space<vmem>>
    tpu.wait_dma2 semaphore(%arg13 : memref<!tpu.dma_semaphore, #tpu.memory_space<semaphore_mem>>) src(%dma_wait3A_491 : memref<32x1024xf32, #tpu.memory_space<vmem>>) dst(%dma_wait3A_487 : memref<32x1024xf32, #tpu.memory_space<hbm>>)
    %dma_start3A_492 = arith.constant 1 : i32
    %dma_start3A_493 = arith.constant 0 : i32
    %dma_start3A_494 = arith.constant 0 : i32
    %dma_start3A_495 = tpu.memref_slice %arg8[%dma_start3A_492, %dma_start3A_493, %dma_start3A_494] : memref<3x32x1024xf32, #tpu.memory_space<vmem>> -> memref<1x32x1024xf32, #tpu.memory_space<vmem>>
    %dma_start3A_496 = tpu.memref_squeeze %dma_start3A_495 : memref<1x32x1024xf32, #tpu.memory_space<vmem>> -> memref<32x1024xf32, #tpu.memory_space<vmem>>
    %dma_start3A_497 = arith.constant 224 : i32
    %dma_start3A_498 = tpu.memref_slice %arg7[%dma_start3A_497] : memref<256xi32, #tpu.memory_space<vmem>> -> memref<32xi32, #tpu.memory_space<vmem>>
    %dma_start3A_499 = arith.constant 0 : i32
    %dma_start3A_500 = arith.constant 0 : i32
    %dma_start3A_501 = tpu.memref_slice %arg3[%dma_start3A_499, %dma_start3A_500] : memref<32000x1024xf32, #tpu.memory_space<hbm>> -> memref<32000x1024xf32, #tpu.memory_space<hbm>>
    tpu.enqueue_indirect_dma source(%dma_start3A_501 : memref<32000x1024xf32, #tpu.memory_space<hbm>>) target(%dma_start3A_496 : memref<32x1024xf32, #tpu.memory_space<vmem>>) offsets(%dma_start3A_498 : memref<32xi32, #tpu.memory_space<vmem>>) semaphore(%arg10 : memref<!tpu.dma_semaphore, #tpu.memory_space<semaphore_mem>>)
    %dma_wait3A_502 = arith.constant 2 : i32
    %dma_wait3A_503 = arith.constant 0 : i32
    %dma_wait3A_504 = arith.constant 0 : i32
    %dma_wait3A_505 = tpu.memref_slice %arg8[%dma_wait3A_502, %dma_wait3A_503, %dma_wait3A_504] : memref<3x32x1024xf32, #tpu.memory_space<vmem>> -> memref<1x32x1024xf32, #tpu.memory_space<vmem>>
    %dma_wait3A_506 = tpu.memref_squeeze %dma_wait3A_505 : memref<1x32x1024xf32, #tpu.memory_space<vmem>> -> memref<32x1024xf32, #tpu.memory_space<vmem>>
    %dma_wait3A_507 = arith.constant 160 : i32
    %dma_wait3A_508 = tpu.memref_slice %arg7[%dma_wait3A_507] : memref<256xi32, #tpu.memory_space<vmem>> -> memref<32xi32, #tpu.memory_space<vmem>>
    %dma_wait3A_509 = arith.constant 0 : i32
    %dma_wait3A_510 = arith.constant 0 : i32
    %dma_wait3A_511 = tpu.memref_slice %arg3[%dma_wait3A_509, %dma_wait3A_510] : memref<32000x1024xf32, #tpu.memory_space<hbm>> -> memref<32000x1024xf32, #tpu.memory_space<hbm>>
    tpu.wait_indirect_dma semaphore(%arg11 : memref<!tpu.dma_semaphore, #tpu.memory_space<semaphore_mem>>) src(%dma_wait3A_511 : memref<32000x1024xf32, #tpu.memory_space<hbm>>) dst(%dma_wait3A_506 : memref<32x1024xf32, #tpu.memory_space<vmem>>)
    %scan3A_512 = arith.constant 0 : i32
    %scan3A_513 = arith.constant 0 : i32
    %scan3A_514 = arith.constant 32 : i32
    %scan3A_515 = arith.addi %scan3A_513, %scan3A_514 : i32
    %scan3A_516 = arith.constant 1 : i32
    scf.for %scan3A_634 = %scan3A_513 to %scan3A_515 step %scan3A_516  : i32 {
      %add3A_635 = arith.constant 160 : i32
      %add3A_636 = arith.addi %add3A_635, %scan3A_634 : i32
      %get3A_637 = arith.index_cast %add3A_636 : i32 to index
      %get3A_638 = tpu.vector_load %arg6[%get3A_637] {strides = array<i32>} : memref<272xi32, #tpu.memory_space<vmem>>, vector<16xi32>,
      %get3A_639 = vector.shape_cast %get3A_638 : vector<16xi32> to vector<16xi32>
      %slice3A = vector.extract_strided_slice %get3A_639 {offsets = [0], sizes = [1], strides = [1]} : vector<16xi32> to vector<1xi32>
      %squeeze3A = vector.extract %slice3A[0] : i32 from vector<1xi32>
      %ge3A_640 = arith.constant 32000 : i32
      %ge3A_641 = arith.cmpi sge, %squeeze3A, %ge3A_640 : i32
      %convert_element_type3A = arith.extui %ge3A_641 : i1 to i32
      %cond3A = arith.constant 0 : i32
      %cond3A_642 = arith.cmpi ne, %convert_element_type3A, %cond3A : i32
      scf.if %cond3A_642 {
        %sub3A = arith.constant 32000 : i32
        %sub3A_643 = arith.subi %squeeze3A, %sub3A : i32
        %run_scoped3A = arith.constant 2 : i32
        "tpu.region"() ({
          %run_scoped3A_644 = tpu.sem_alloc : memref<!tpu.dma_semaphore, #tpu.memory_space<semaphore_mem>>
          %dma_start3A_645 = arith.constant 0 : i32
          %dma_start3A_646 = arith.constant 0 : i32
          %dma_start3A_647 = tpu.memref_slice %arg8[%run_scoped3A, %dma_start3A_645, %dma_start3A_646] : memref<3x32x1024xf32, #tpu.memory_space<vmem>> -> memref<1x32x1024xf32, #tpu.memory_space<vmem>>
          %dma_start3A_648 = tpu.memref_squeeze %dma_start3A_647 : memref<1x32x1024xf32, #tpu.memory_space<vmem>> -> memref<32x1024xf32, #tpu.memory_space<vmem>>
          %dma_start3A_649 = arith.constant 0 : i32
          %dma_start3A_650 = tpu.memref_slice %dma_start3A_648[%scan3A_634, %dma_start3A_649] : memref<32x1024xf32, #tpu.memory_space<vmem>> -> memref<1x1024xf32, #tpu.memory_space<vmem>>
          %dma_start3A_651 = arith.constant 0 : i32
          %dma_start3A_652 = tpu.memref_slice %arg4[%sub3A_643, %dma_start3A_651] : memref<800x1024xf32, #tpu.memory_space<hbm>> -> memref<1x1024xf32, #tpu.memory_space<hbm>>
          %dma_start3A_653 = arith.constant 0 : i32
          %dma_start3A_654 = arith.constant 0 : i32
          %dma_start3A_655 = tpu.memref_slice %arg8[%run_scoped3A, %dma_start3A_653, %dma_start3A_654] : memref<3x32x1024xf32, #tpu.memory_space<vmem>> -> memref<1x32x1024xf32, #tpu.memory_space<vmem>>
          %dma_start3A_656 = tpu.memref_squeeze %dma_start3A_655 : memref<1x32x1024xf32, #tpu.memory_space<vmem>> -> memref<32x1024xf32, #tpu.memory_space<vmem>>
          %dma_start3A_657 = arith.constant 0 : i32
          %dma_start3A_658 = tpu.memref_slice %dma_start3A_656[%scan3A_634, %dma_start3A_657] : memref<32x1024xf32, #tpu.memory_space<vmem>> -> memref<1x1024xf32, #tpu.memory_space<vmem>>
          %dma_start3A_659 = arith.constant 0 : i32
          %dma_start3A_660 = tpu.memref_slice %arg4[%sub3A_643, %dma_start3A_659] : memref<800x1024xf32, #tpu.memory_space<hbm>> -> memref<1x1024xf32, #tpu.memory_space<hbm>>
          tpu.enqueue_dma source(%dma_start3A_660 : memref<1x1024xf32, #tpu.memory_space<hbm>>) target(%dma_start3A_658 : memref<1x1024xf32, #tpu.memory_space<vmem>>) target_semaphore(%run_scoped3A_644 : memref<!tpu.dma_semaphore, #tpu.memory_space<semaphore_mem>>)
          %dma_wait3A_661 = arith.constant 0 : i32
          %dma_wait3A_662 = arith.constant 0 : i32
          %dma_wait3A_663 = tpu.memref_slice %arg8[%run_scoped3A, %dma_wait3A_661, %dma_wait3A_662] : memref<3x32x1024xf32, #tpu.memory_space<vmem>> -> memref<1x32x1024xf32, #tpu.memory_space<vmem>>
          %dma_wait3A_664 = tpu.memref_squeeze %dma_wait3A_663 : memref<1x32x1024xf32, #tpu.memory_space<vmem>> -> memref<32x1024xf32, #tpu.memory_space<vmem>>
          %dma_wait3A_665 = arith.constant 0 : i32
          %dma_wait3A_666 = tpu.memref_slice %dma_wait3A_664[%scan3A_634, %dma_wait3A_665] : memref<32x1024xf32, #tpu.memory_space<vmem>> -> memref<1x1024xf32, #tpu.memory_space<vmem>>
          %dma_wait3A_667 = arith.constant 0 : i32
          %dma_wait3A_668 = tpu.memref_slice %arg4[%sub3A_643, %dma_wait3A_667] : memref<800x1024xf32, #tpu.memory_space<hbm>> -> memref<1x1024xf32, #tpu.memory_space<hbm>>
          %dma_wait3A_669 = arith.constant 0 : i32
          %dma_wait3A_670 = arith.constant 0 : i32
          %dma_wait3A_671 = tpu.memref_slice %arg8[%run_scoped3A, %dma_wait3A_669, %dma_wait3A_670] : memref<3x32x1024xf32, #tpu.memory_space<vmem>> -> memref<1x32x1024xf32, #tpu.memory_space<vmem>>
          %dma_wait3A_672 = tpu.memref_squeeze %dma_wait3A_671 : memref<1x32x1024xf32, #tpu.memory_space<vmem>> -> memref<32x1024xf32, #tpu.memory_space<vmem>>
          %dma_wait3A_673 = arith.constant 0 : i32
          %dma_wait3A_674 = tpu.memref_slice %dma_wait3A_672[%scan3A_634, %dma_wait3A_673] : memref<32x1024xf32, #tpu.memory_space<vmem>> -> memref<1x1024xf32, #tpu.memory_space<vmem>>
          %dma_wait3A_675 = arith.constant 0 : i32
          %dma_wait3A_676 = tpu.memref_slice %arg4[%sub3A_643, %dma_wait3A_675] : memref<800x1024xf32, #tpu.memory_space<hbm>> -> memref<1x1024xf32, #tpu.memory_space<hbm>>
          tpu.wait_dma2 semaphore(%run_scoped3A_644 : memref<!tpu.dma_semaphore, #tpu.memory_space<semaphore_mem>>) src(%dma_wait3A_676 : memref<1x1024xf32, #tpu.memory_space<hbm>>) dst(%dma_wait3A_674 : memref<1x1024xf32, #tpu.memory_space<vmem>>)
          tpu.yield
        }) : () -> ()
      } else {
      }
    }
    %scan3A_517 = arith.constant 32 : i32
    %add3A_518 = arith.constant 160 : i32
    %add3A_519 = arith.addi %mul3A_2, %add3A_518 : i32
    %dma_start3A_520 = arith.constant 2 : i32
    %dma_start3A_521 = arith.constant 0 : i32
    %dma_start3A_522 = arith.constant 0 : i32
    %dma_start3A_523 = tpu.memref_slice %arg8[%dma_start3A_520, %dma_start3A_521, %dma_start3A_522] : memref<3x32x1024xf32, #tpu.memory_space<vmem>> -> memref<1x32x1024xf32, #tpu.memory_space<vmem>>
    %dma_start3A_524 = tpu.memref_squeeze %dma_start3A_523 : memref<1x32x1024xf32, #tpu.memory_space<vmem>> -> memref<32x1024xf32, #tpu.memory_space<vmem>>
    %dma_start3A_525 = arith.constant 0 : i32
    %dma_start3A_526 = tpu.memref_slice %arg5[%add3A_519, %dma_start3A_525] : memref<8192x1024xf32, #tpu.memory_space<hbm>> -> memref<32x1024xf32, #tpu.memory_space<hbm>>
    %dma_start3A_527 = arith.constant 0 : i32
    %dma_start3A_528 = tpu.memref_slice %arg5[%add3A_519, %dma_start3A_527] : memref<8192x1024xf32, #tpu.memory_space<hbm>> -> memref<32x1024xf32, #tpu.memory_space<hbm>>
    %dma_start3A_529 = arith.constant 0 : i32
    %dma_start3A_530 = arith.constant 0 : i32
    %dma_start3A_531 = tpu.memref_slice %arg8[%dma_start3A_520, %dma_start3A_529, %dma_start3A_530] : memref<3x32x1024xf32, #tpu.memory_space<vmem>> -> memref<1x32x1024xf32, #tpu.memory_space<vmem>>
    %dma_start3A_532 = tpu.memref_squeeze %dma_start3A_531 : memref<1x32x1024xf32, #tpu.memory_space<vmem>> -> memref<32x1024xf32, #tpu.memory_space<vmem>>
    tpu.enqueue_dma source(%dma_start3A_532 : memref<32x1024xf32, #tpu.memory_space<vmem>>) target(%dma_start3A_528 : memref<32x1024xf32, #tpu.memory_space<hbm>>) target_semaphore(%arg14 : memref<!tpu.dma_semaphore, #tpu.memory_space<semaphore_mem>>)
    %dma_wait3A_533 = arith.constant 0 : i32
    %dma_wait3A_534 = arith.constant 0 : i32
    %dma_wait3A_535 = arith.constant 0 : i32
    %dma_wait3A_536 = tpu.memref_slice %arg8[%dma_wait3A_533, %dma_wait3A_534, %dma_wait3A_535] : memref<3x32x1024xf32, #tpu.memory_space<vmem>> -> memref<1x32x1024xf32, #tpu.memory_space<vmem>>
    %dma_wait3A_537 = tpu.memref_squeeze %dma_wait3A_536 : memref<1x32x1024xf32, #tpu.memory_space<vmem>> -> memref<32x1024xf32, #tpu.memory_space<vmem>>
    %dma_wait3A_538 = arith.constant 192 : i32
    %dma_wait3A_539 = tpu.memref_slice %arg7[%dma_wait3A_538] : memref<256xi32, #tpu.memory_space<vmem>> -> memref<32xi32, #tpu.memory_space<vmem>>
    %dma_wait3A_540 = arith.constant 0 : i32
    %dma_wait3A_541 = arith.constant 0 : i32
    %dma_wait3A_542 = tpu.memref_slice %arg3[%dma_wait3A_540, %dma_wait3A_541] : memref<32000x1024xf32, #tpu.memory_space<hbm>> -> memref<32000x1024xf32, #tpu.memory_space<hbm>>
    tpu.wait_indirect_dma semaphore(%arg9 : memref<!tpu.dma_semaphore, #tpu.memory_space<semaphore_mem>>) src(%dma_wait3A_542 : memref<32000x1024xf32, #tpu.memory_space<hbm>>) dst(%dma_wait3A_537 : memref<32x1024xf32, #tpu.memory_space<vmem>>)
    %scan3A_543 = arith.constant 0 : i32
    %scan3A_544 = arith.constant 0 : i32
    %scan3A_545 = arith.constant 32 : i32
    %scan3A_546 = arith.addi %scan3A_544, %scan3A_545 : i32
    %scan3A_547 = arith.constant 1 : i32
    scf.for %scan3A_634 = %scan3A_544 to %scan3A_546 step %scan3A_547  : i32 {
      %add3A_635 = arith.constant 192 : i32
      %add3A_636 = arith.addi %add3A_635, %scan3A_634 : i32
      %get3A_637 = arith.index_cast %add3A_636 : i32 to index
      %get3A_638 = tpu.vector_load %arg6[%get3A_637] {strides = array<i32>} : memref<272xi32, #tpu.memory_space<vmem>>, vector<16xi32>,
      %get3A_639 = vector.shape_cast %get3A_638 : vector<16xi32> to vector<16xi32>
      %slice3A = vector.extract_strided_slice %get3A_639 {offsets = [0], sizes = [1], strides = [1]} : vector<16xi32> to vector<1xi32>
      %squeeze3A = vector.extract %slice3A[0] : i32 from vector<1xi32>
      %ge3A_640 = arith.constant 32000 : i32
      %ge3A_641 = arith.cmpi sge, %squeeze3A, %ge3A_640 : i32
      %convert_element_type3A = arith.extui %ge3A_641 : i1 to i32
      %cond3A = arith.constant 0 : i32
      %cond3A_642 = arith.cmpi ne, %convert_element_type3A, %cond3A : i32
      scf.if %cond3A_642 {
        %sub3A = arith.constant 32000 : i32
        %sub3A_643 = arith.subi %squeeze3A, %sub3A : i32
        %run_scoped3A = arith.constant 0 : i32
        "tpu.region"() ({
          %run_scoped3A_644 = tpu.sem_alloc : memref<!tpu.dma_semaphore, #tpu.memory_space<semaphore_mem>>
          %dma_start3A_645 = arith.constant 0 : i32
          %dma_start3A_646 = arith.constant 0 : i32
          %dma_start3A_647 = tpu.memref_slice %arg8[%run_scoped3A, %dma_start3A_645, %dma_start3A_646] : memref<3x32x1024xf32, #tpu.memory_space<vmem>> -> memref<1x32x1024xf32, #tpu.memory_space<vmem>>
          %dma_start3A_648 = tpu.memref_squeeze %dma_start3A_647 : memref<1x32x1024xf32, #tpu.memory_space<vmem>> -> memref<32x1024xf32, #tpu.memory_space<vmem>>
          %dma_start3A_649 = arith.constant 0 : i32
          %dma_start3A_650 = tpu.memref_slice %dma_start3A_648[%scan3A_634, %dma_start3A_649] : memref<32x1024xf32, #tpu.memory_space<vmem>> -> memref<1x1024xf32, #tpu.memory_space<vmem>>
          %dma_start3A_651 = arith.constant 0 : i32
          %dma_start3A_652 = tpu.memref_slice %arg4[%sub3A_643, %dma_start3A_651] : memref<800x1024xf32, #tpu.memory_space<hbm>> -> memref<1x1024xf32, #tpu.memory_space<hbm>>
          %dma_start3A_653 = arith.constant 0 : i32
          %dma_start3A_654 = arith.constant 0 : i32
          %dma_start3A_655 = tpu.memref_slice %arg8[%run_scoped3A, %dma_start3A_653, %dma_start3A_654] : memref<3x32x1024xf32, #tpu.memory_space<vmem>> -> memref<1x32x1024xf32, #tpu.memory_space<vmem>>
          %dma_start3A_656 = tpu.memref_squeeze %dma_start3A_655 : memref<1x32x1024xf32, #tpu.memory_space<vmem>> -> memref<32x1024xf32, #tpu.memory_space<vmem>>
          %dma_start3A_657 = arith.constant 0 : i32
          %dma_start3A_658 = tpu.memref_slice %dma_start3A_656[%scan3A_634, %dma_start3A_657] : memref<32x1024xf32, #tpu.memory_space<vmem>> -> memref<1x1024xf32, #tpu.memory_space<vmem>>
          %dma_start3A_659 = arith.constant 0 : i32
          %dma_start3A_660 = tpu.memref_slice %arg4[%sub3A_643, %dma_start3A_659] : memref<800x1024xf32, #tpu.memory_space<hbm>> -> memref<1x1024xf32, #tpu.memory_space<hbm>>
          tpu.enqueue_dma source(%dma_start3A_660 : memref<1x1024xf32, #tpu.memory_space<hbm>>) target(%dma_start3A_658 : memref<1x1024xf32, #tpu.memory_space<vmem>>) target_semaphore(%run_scoped3A_644 : memref<!tpu.dma_semaphore, #tpu.memory_space<semaphore_mem>>)
          %dma_wait3A_661 = arith.constant 0 : i32
          %dma_wait3A_662 = arith.constant 0 : i32
          %dma_wait3A_663 = tpu.memref_slice %arg8[%run_scoped3A, %dma_wait3A_661, %dma_wait3A_662] : memref<3x32x1024xf32, #tpu.memory_space<vmem>> -> memref<1x32x1024xf32, #tpu.memory_space<vmem>>
          %dma_wait3A_664 = tpu.memref_squeeze %dma_wait3A_663 : memref<1x32x1024xf32, #tpu.memory_space<vmem>> -> memref<32x1024xf32, #tpu.memory_space<vmem>>
          %dma_wait3A_665 = arith.constant 0 : i32
          %dma_wait3A_666 = tpu.memref_slice %dma_wait3A_664[%scan3A_634, %dma_wait3A_665] : memref<32x1024xf32, #tpu.memory_space<vmem>> -> memref<1x1024xf32, #tpu.memory_space<vmem>>
          %dma_wait3A_667 = arith.constant 0 : i32
          %dma_wait3A_668 = tpu.memref_slice %arg4[%sub3A_643, %dma_wait3A_667] : memref<800x1024xf32, #tpu.memory_space<hbm>> -> memref<1x1024xf32, #tpu.memory_space<hbm>>
          %dma_wait3A_669 = arith.constant 0 : i32
          %dma_wait3A_670 = arith.constant 0 : i32
          %dma_wait3A_671 = tpu.memref_slice %arg8[%run_scoped3A, %dma_wait3A_669, %dma_wait3A_670] : memref<3x32x1024xf32, #tpu.memory_space<vmem>> -> memref<1x32x1024xf32, #tpu.memory_space<vmem>>
          %dma_wait3A_672 = tpu.memref_squeeze %dma_wait3A_671 : memref<1x32x1024xf32, #tpu.memory_space<vmem>> -> memref<32x1024xf32, #tpu.memory_space<vmem>>
          %dma_wait3A_673 = arith.constant 0 : i32
          %dma_wait3A_674 = tpu.memref_slice %dma_wait3A_672[%scan3A_634, %dma_wait3A_673] : memref<32x1024xf32, #tpu.memory_space<vmem>> -> memref<1x1024xf32, #tpu.memory_space<vmem>>
          %dma_wait3A_675 = arith.constant 0 : i32
          %dma_wait3A_676 = tpu.memref_slice %arg4[%sub3A_643, %dma_wait3A_675] : memref<800x1024xf32, #tpu.memory_space<hbm>> -> memref<1x1024xf32, #tpu.memory_space<hbm>>
          tpu.wait_dma2 semaphore(%run_scoped3A_644 : memref<!tpu.dma_semaphore, #tpu.memory_space<semaphore_mem>>) src(%dma_wait3A_676 : memref<1x1024xf32, #tpu.memory_space<hbm>>) dst(%dma_wait3A_674 : memref<1x1024xf32, #tpu.memory_space<vmem>>)
          tpu.yield
        }) : () -> ()
      } else {
      }
    }
    %scan3A_548 = arith.constant 32 : i32
    %add3A_549 = arith.constant 192 : i32
    %add3A_550 = arith.addi %mul3A_2, %add3A_549 : i32
    %dma_start3A_551 = arith.constant 0 : i32
    %dma_start3A_552 = arith.constant 0 : i32
    %dma_start3A_553 = arith.constant 0 : i32
    %dma_start3A_554 = tpu.memref_slice %arg8[%dma_start3A_551, %dma_start3A_552, %dma_start3A_553] : memref<3x32x1024xf32, #tpu.memory_space<vmem>> -> memref<1x32x1024xf32, #tpu.memory_space<vmem>>
    %dma_start3A_555 = tpu.memref_squeeze %dma_start3A_554 : memref<1x32x1024xf32, #tpu.memory_space<vmem>> -> memref<32x1024xf32, #tpu.memory_space<vmem>>
    %dma_start3A_556 = arith.constant 0 : i32
    %dma_start3A_557 = tpu.memref_slice %arg5[%add3A_550, %dma_start3A_556] : memref<8192x1024xf32, #tpu.memory_space<hbm>> -> memref<32x1024xf32, #tpu.memory_space<hbm>>
    %dma_start3A_558 = arith.constant 0 : i32
    %dma_start3A_559 = tpu.memref_slice %arg5[%add3A_550, %dma_start3A_558] : memref<8192x1024xf32, #tpu.memory_space<hbm>> -> memref<32x1024xf32, #tpu.memory_space<hbm>>
    %dma_start3A_560 = arith.constant 0 : i32
    %dma_start3A_561 = arith.constant 0 : i32
    %dma_start3A_562 = tpu.memref_slice %arg8[%dma_start3A_551, %dma_start3A_560, %dma_start3A_561] : memref<3x32x1024xf32, #tpu.memory_space<vmem>> -> memref<1x32x1024xf32, #tpu.memory_space<vmem>>
    %dma_start3A_563 = tpu.memref_squeeze %dma_start3A_562 : memref<1x32x1024xf32, #tpu.memory_space<vmem>> -> memref<32x1024xf32, #tpu.memory_space<vmem>>
    tpu.enqueue_dma source(%dma_start3A_563 : memref<32x1024xf32, #tpu.memory_space<vmem>>) target(%dma_start3A_559 : memref<32x1024xf32, #tpu.memory_space<hbm>>) target_semaphore(%arg12 : memref<!tpu.dma_semaphore, #tpu.memory_space<semaphore_mem>>)
    %dma_wait3A_564 = arith.constant 1 : i32
    %dma_wait3A_565 = arith.constant 0 : i32
    %dma_wait3A_566 = arith.constant 0 : i32
    %dma_wait3A_567 = tpu.memref_slice %arg8[%dma_wait3A_564, %dma_wait3A_565, %dma_wait3A_566] : memref<3x32x1024xf32, #tpu.memory_space<vmem>> -> memref<1x32x1024xf32, #tpu.memory_space<vmem>>
    %dma_wait3A_568 = tpu.memref_squeeze %dma_wait3A_567 : memref<1x32x1024xf32, #tpu.memory_space<vmem>> -> memref<32x1024xf32, #tpu.memory_space<vmem>>
    %dma_wait3A_569 = arith.constant 224 : i32
    %dma_wait3A_570 = tpu.memref_slice %arg7[%dma_wait3A_569] : memref<256xi32, #tpu.memory_space<vmem>> -> memref<32xi32, #tpu.memory_space<vmem>>
    %dma_wait3A_571 = arith.constant 0 : i32
    %dma_wait3A_572 = arith.constant 0 : i32
    %dma_wait3A_573 = tpu.memref_slice %arg3[%dma_wait3A_571, %dma_wait3A_572] : memref<32000x1024xf32, #tpu.memory_space<hbm>> -> memref<32000x1024xf32, #tpu.memory_space<hbm>>
    tpu.wait_indirect_dma semaphore(%arg10 : memref<!tpu.dma_semaphore, #tpu.memory_space<semaphore_mem>>) src(%dma_wait3A_573 : memref<32000x1024xf32, #tpu.memory_space<hbm>>) dst(%dma_wait3A_568 : memref<32x1024xf32, #tpu.memory_space<vmem>>)
    %scan3A_574 = arith.constant 0 : i32
    %scan3A_575 = arith.constant 0 : i32
    %scan3A_576 = arith.constant 32 : i32
    %scan3A_577 = arith.addi %scan3A_575, %scan3A_576 : i32
    %scan3A_578 = arith.constant 1 : i32
    scf.for %scan3A_634 = %scan3A_575 to %scan3A_577 step %scan3A_578  : i32 {
      %add3A_635 = arith.constant 224 : i32
      %add3A_636 = arith.addi %add3A_635, %scan3A_634 : i32
      %get3A_637 = arith.index_cast %add3A_636 : i32 to index
      %get3A_638 = tpu.vector_load %arg6[%get3A_637] {strides = array<i32>} : memref<272xi32, #tpu.memory_space<vmem>>, vector<16xi32>,
      %get3A_639 = vector.shape_cast %get3A_638 : vector<16xi32> to vector<16xi32>
      %slice3A = vector.extract_strided_slice %get3A_639 {offsets = [0], sizes = [1], strides = [1]} : vector<16xi32> to vector<1xi32>
      %squeeze3A = vector.extract %slice3A[0] : i32 from vector<1xi32>
      %ge3A_640 = arith.constant 32000 : i32
      %ge3A_641 = arith.cmpi sge, %squeeze3A, %ge3A_640 : i32
      %convert_element_type3A = arith.extui %ge3A_641 : i1 to i32
      %cond3A = arith.constant 0 : i32
      %cond3A_642 = arith.cmpi ne, %convert_element_type3A, %cond3A : i32
      scf.if %cond3A_642 {
        %sub3A = arith.constant 32000 : i32
        %sub3A_643 = arith.subi %squeeze3A, %sub3A : i32
        %run_scoped3A = arith.constant 1 : i32
        "tpu.region"() ({
          %run_scoped3A_644 = tpu.sem_alloc : memref<!tpu.dma_semaphore, #tpu.memory_space<semaphore_mem>>
          %dma_start3A_645 = arith.constant 0 : i32
          %dma_start3A_646 = arith.constant 0 : i32
          %dma_start3A_647 = tpu.memref_slice %arg8[%run_scoped3A, %dma_start3A_645, %dma_start3A_646] : memref<3x32x1024xf32, #tpu.memory_space<vmem>> -> memref<1x32x1024xf32, #tpu.memory_space<vmem>>
          %dma_start3A_648 = tpu.memref_squeeze %dma_start3A_647 : memref<1x32x1024xf32, #tpu.memory_space<vmem>> -> memref<32x1024xf32, #tpu.memory_space<vmem>>
          %dma_start3A_649 = arith.constant 0 : i32
          %dma_start3A_650 = tpu.memref_slice %dma_start3A_648[%scan3A_634, %dma_start3A_649] : memref<32x1024xf32, #tpu.memory_space<vmem>> -> memref<1x1024xf32, #tpu.memory_space<vmem>>
          %dma_start3A_651 = arith.constant 0 : i32
          %dma_start3A_652 = tpu.memref_slice %arg4[%sub3A_643, %dma_start3A_651] : memref<800x1024xf32, #tpu.memory_space<hbm>> -> memref<1x1024xf32, #tpu.memory_space<hbm>>
          %dma_start3A_653 = arith.constant 0 : i32
          %dma_start3A_654 = arith.constant 0 : i32
          %dma_start3A_655 = tpu.memref_slice %arg8[%run_scoped3A, %dma_start3A_653, %dma_start3A_654] : memref<3x32x1024xf32, #tpu.memory_space<vmem>> -> memref<1x32x1024xf32, #tpu.memory_space<vmem>>
          %dma_start3A_656 = tpu.memref_squeeze %dma_start3A_655 : memref<1x32x1024xf32, #tpu.memory_space<vmem>> -> memref<32x1024xf32, #tpu.memory_space<vmem>>
          %dma_start3A_657 = arith.constant 0 : i32
          %dma_start3A_658 = tpu.memref_slice %dma_start3A_656[%scan3A_634, %dma_start3A_657] : memref<32x1024xf32, #tpu.memory_space<vmem>> -> memref<1x1024xf32, #tpu.memory_space<vmem>>
          %dma_start3A_659 = arith.constant 0 : i32
          %dma_start3A_660 = tpu.memref_slice %arg4[%sub3A_643, %dma_start3A_659] : memref<800x1024xf32, #tpu.memory_space<hbm>> -> memref<1x1024xf32, #tpu.memory_space<hbm>>
          tpu.enqueue_dma source(%dma_start3A_660 : memref<1x1024xf32, #tpu.memory_space<hbm>>) target(%dma_start3A_658 : memref<1x1024xf32, #tpu.memory_space<vmem>>) target_semaphore(%run_scoped3A_644 : memref<!tpu.dma_semaphore, #tpu.memory_space<semaphore_mem>>)
          %dma_wait3A_661 = arith.constant 0 : i32
          %dma_wait3A_662 = arith.constant 0 : i32
          %dma_wait3A_663 = tpu.memref_slice %arg8[%run_scoped3A, %dma_wait3A_661, %dma_wait3A_662] : memref<3x32x1024xf32, #tpu.memory_space<vmem>> -> memref<1x32x1024xf32, #tpu.memory_space<vmem>>
          %dma_wait3A_664 = tpu.memref_squeeze %dma_wait3A_663 : memref<1x32x1024xf32, #tpu.memory_space<vmem>> -> memref<32x1024xf32, #tpu.memory_space<vmem>>
          %dma_wait3A_665 = arith.constant 0 : i32
          %dma_wait3A_666 = tpu.memref_slice %dma_wait3A_664[%scan3A_634, %dma_wait3A_665] : memref<32x1024xf32, #tpu.memory_space<vmem>> -> memref<1x1024xf32, #tpu.memory_space<vmem>>
          %dma_wait3A_667 = arith.constant 0 : i32
          %dma_wait3A_668 = tpu.memref_slice %arg4[%sub3A_643, %dma_wait3A_667] : memref<800x1024xf32, #tpu.memory_space<hbm>> -> memref<1x1024xf32, #tpu.memory_space<hbm>>
          %dma_wait3A_669 = arith.constant 0 : i32
          %dma_wait3A_670 = arith.constant 0 : i32
          %dma_wait3A_671 = tpu.memref_slice %arg8[%run_scoped3A, %dma_wait3A_669, %dma_wait3A_670] : memref<3x32x1024xf32, #tpu.memory_space<vmem>> -> memref<1x32x1024xf32, #tpu.memory_space<vmem>>
          %dma_wait3A_672 = tpu.memref_squeeze %dma_wait3A_671 : memref<1x32x1024xf32, #tpu.memory_space<vmem>> -> memref<32x1024xf32, #tpu.memory_space<vmem>>
          %dma_wait3A_673 = arith.constant 0 : i32
          %dma_wait3A_674 = tpu.memref_slice %dma_wait3A_672[%scan3A_634, %dma_wait3A_673] : memref<32x1024xf32, #tpu.memory_space<vmem>> -> memref<1x1024xf32, #tpu.memory_space<vmem>>
          %dma_wait3A_675 = arith.constant 0 : i32
          %dma_wait3A_676 = tpu.memref_slice %arg4[%sub3A_643, %dma_wait3A_675] : memref<800x1024xf32, #tpu.memory_space<hbm>> -> memref<1x1024xf32, #tpu.memory_space<hbm>>
          tpu.wait_dma2 semaphore(%run_scoped3A_644 : memref<!tpu.dma_semaphore, #tpu.memory_space<semaphore_mem>>) src(%dma_wait3A_676 : memref<1x1024xf32, #tpu.memory_space<hbm>>) dst(%dma_wait3A_674 : memref<1x1024xf32, #tpu.memory_space<vmem>>)
          tpu.yield
        }) : () -> ()
      } else {
      }
    }
    %scan3A_579 = arith.constant 32 : i32
    %add3A_580 = arith.constant 224 : i32
    %add3A_581 = arith.addi %mul3A_2, %add3A_580 : i32
    %dma_start3A_582 = arith.constant 1 : i32
    %dma_start3A_583 = arith.constant 0 : i32
    %dma_start3A_584 = arith.constant 0 : i32
    %dma_start3A_585 = tpu.memref_slice %arg8[%dma_start3A_582, %dma_start3A_583, %dma_start3A_584] : memref<3x32x1024xf32, #tpu.memory_space<vmem>> -> memref<1x32x1024xf32, #tpu.memory_space<vmem>>
    %dma_start3A_586 = tpu.memref_squeeze %dma_start3A_585 : memref<1x32x1024xf32, #tpu.memory_space<vmem>> -> memref<32x1024xf32, #tpu.memory_space<vmem>>
    %dma_start3A_587 = arith.constant 0 : i32
    %dma_start3A_588 = tpu.memref_slice %arg5[%add3A_581, %dma_start3A_587] : memref<8192x1024xf32, #tpu.memory_space<hbm>> -> memref<32x1024xf32, #tpu.memory_space<hbm>>
    %dma_start3A_589 = arith.constant 0 : i32
    %dma_start3A_590 = tpu.memref_slice %arg5[%add3A_581, %dma_start3A_589] : memref<8192x1024xf32, #tpu.memory_space<hbm>> -> memref<32x1024xf32, #tpu.memory_space<hbm>>
    %dma_start3A_591 = arith.constant 0 : i32
    %dma_start3A_592 = arith.constant 0 : i32
    %dma_start3A_593 = tpu.memref_slice %arg8[%dma_start3A_582, %dma_start3A_591, %dma_start3A_592] : memref<3x32x1024xf32, #tpu.memory_space<vmem>> -> memref<1x32x1024xf32, #tpu.memory_space<vmem>>
    %dma_start3A_594 = tpu.memref_squeeze %dma_start3A_593 : memref<1x32x1024xf32, #tpu.memory_space<vmem>> -> memref<32x1024xf32, #tpu.memory_space<vmem>>
    tpu.enqueue_dma source(%dma_start3A_594 : memref<32x1024xf32, #tpu.memory_space<vmem>>) target(%dma_start3A_590 : memref<32x1024xf32, #tpu.memory_space<hbm>>) target_semaphore(%arg13 : memref<!tpu.dma_semaphore, #tpu.memory_space<semaphore_mem>>)
    %dma_wait3A_595 = arith.constant 2 : i32
    %dma_wait3A_596 = arith.constant 0 : i32
    %dma_wait3A_597 = arith.constant 0 : i32
    %dma_wait3A_598 = tpu.memref_slice %arg8[%dma_wait3A_595, %dma_wait3A_596, %dma_wait3A_597] : memref<3x32x1024xf32, #tpu.memory_space<vmem>> -> memref<1x32x1024xf32, #tpu.memory_space<vmem>>
    %dma_wait3A_599 = tpu.memref_squeeze %dma_wait3A_598 : memref<1x32x1024xf32, #tpu.memory_space<vmem>> -> memref<32x1024xf32, #tpu.memory_space<vmem>>
    %dma_wait3A_600 = arith.constant 0 : i32
    %dma_wait3A_601 = tpu.memref_slice %arg5[%add3A_519, %dma_wait3A_600] : memref<8192x1024xf32, #tpu.memory_space<hbm>> -> memref<32x1024xf32, #tpu.memory_space<hbm>>
    %dma_wait3A_602 = arith.constant 0 : i32
    %dma_wait3A_603 = tpu.memref_slice %arg5[%add3A_519, %dma_wait3A_602] : memref<8192x1024xf32, #tpu.memory_space<hbm>> -> memref<32x1024xf32, #tpu.memory_space<hbm>>
    %dma_wait3A_604 = arith.constant 0 : i32
    %dma_wait3A_605 = arith.constant 0 : i32
    %dma_wait3A_606 = tpu.memref_slice %arg8[%dma_wait3A_595, %dma_wait3A_604, %dma_wait3A_605] : memref<3x32x1024xf32, #tpu.memory_space<vmem>> -> memref<1x32x1024xf32, #tpu.memory_space<vmem>>
    %dma_wait3A_607 = tpu.memref_squeeze %dma_wait3A_606 : memref<1x32x1024xf32, #tpu.memory_space<vmem>> -> memref<32x1024xf32, #tpu.memory_space<vmem>>
    tpu.wait_dma2 semaphore(%arg14 : memref<!tpu.dma_semaphore, #tpu.memory_space<semaphore_mem>>) src(%dma_wait3A_607 : memref<32x1024xf32, #tpu.memory_space<vmem>>) dst(%dma_wait3A_603 : memref<32x1024xf32, #tpu.memory_space<hbm>>)
    %dma_wait3A_608 = arith.constant 0 : i32
    %dma_wait3A_609 = arith.constant 0 : i32
    %dma_wait3A_610 = arith.constant 0 : i32
    %dma_wait3A_611 = tpu.memref_slice %arg8[%dma_wait3A_608, %dma_wait3A_609, %dma_wait3A_610] : memref<3x32x1024xf32, #tpu.memory_space<vmem>> -> memref<1x32x1024xf32, #tpu.memory_space<vmem>>
    %dma_wait3A_612 = tpu.memref_squeeze %dma_wait3A_611 : memref<1x32x1024xf32, #tpu.memory_space<vmem>> -> memref<32x1024xf32, #tpu.memory_space<vmem>>
    %dma_wait3A_613 = arith.constant 0 : i32
    %dma_wait3A_614 = tpu.memref_slice %arg5[%add3A_550, %dma_wait3A_613] : memref<8192x1024xf32, #tpu.memory_space<hbm>> -> memref<32x1024xf32, #tpu.memory_space<hbm>>
    %dma_wait3A_615 = arith.constant 0 : i32
    %dma_wait3A_616 = tpu.memref_slice %arg5[%add3A_550, %dma_wait3A_615] : memref<8192x1024xf32, #tpu.memory_space<hbm>> -> memref<32x1024xf32, #tpu.memory_space<hbm>>
    %dma_wait3A_617 = arith.constant 0 : i32
    %dma_wait3A_618 = arith.constant 0 : i32
    %dma_wait3A_619 = tpu.memref_slice %arg8[%dma_wait3A_608, %dma_wait3A_617, %dma_wait3A_618] : memref<3x32x1024xf32, #tpu.memory_space<vmem>> -> memref<1x32x1024xf32, #tpu.memory_space<vmem>>
    %dma_wait3A_620 = tpu.memref_squeeze %dma_wait3A_619 : memref<1x32x1024xf32, #tpu.memory_space<vmem>> -> memref<32x1024xf32, #tpu.memory_space<vmem>>
    tpu.wait_dma2 semaphore(%arg12 : memref<!tpu.dma_semaphore, #tpu.memory_space<semaphore_mem>>) src(%dma_wait3A_620 : memref<32x1024xf32, #tpu.memory_space<vmem>>) dst(%dma_wait3A_616 : memref<32x1024xf32, #tpu.memory_space<hbm>>)
    %dma_wait3A_621 = arith.constant 1 : i32
    %dma_wait3A_622 = arith.constant 0 : i32
    %dma_wait3A_623 = arith.constant 0 : i32
    %dma_wait3A_624 = tpu.memref_slice %arg8[%dma_wait3A_621, %dma_wait3A_622, %dma_wait3A_623] : memref<3x32x1024xf32, #tpu.memory_space<vmem>> -> memref<1x32x1024xf32, #tpu.memory_space<vmem>>
    %dma_wait3A_625 = tpu.memref_squeeze %dma_wait3A_624 : memref<1x32x1024xf32, #tpu.memory_space<vmem>> -> memref<32x1024xf32, #tpu.memory_space<vmem>>
    %dma_wait3A_626 = arith.constant 0 : i32
    %dma_wait3A_627 = tpu.memref_slice %arg5[%add3A_581, %dma_wait3A_626] : memref<8192x1024xf32, #tpu.memory_space<hbm>> -> memref<32x1024xf32, #tpu.memory_space<hbm>>
    %dma_wait3A_628 = arith.constant 0 : i32
    %dma_wait3A_629 = tpu.memref_slice %arg5[%add3A_581, %dma_wait3A_628] : memref<8192x1024xf32, #tpu.memory_space<hbm>> -> memref<32x1024xf32, #tpu.memory_space<hbm>>
    %dma_wait3A_630 = arith.constant 0 : i32
    %dma_wait3A_631 = arith.constant 0 : i32
    %dma_wait3A_632 = tpu.memref_slice %arg8[%dma_wait3A_621, %dma_wait3A_630, %dma_wait3A_631] : memref<3x32x1024xf32, #tpu.memory_space<vmem>> -> memref<1x32x1024xf32, #tpu.memory_space<vmem>>
    %dma_wait3A_633 = tpu.memref_squeeze %dma_wait3A_632 : memref<1x32x1024xf32, #tpu.memory_space<vmem>> -> memref<32x1024xf32, #tpu.memory_space<vmem>>
    tpu.wait_dma2 semaphore(%arg13 : memref<!tpu.dma_semaphore, #tpu.memory_space<semaphore_mem>>) src(%dma_wait3A_633 : memref<32x1024xf32, #tpu.memory_space<vmem>>) dst(%dma_wait3A_629 : memref<32x1024xf32, #tpu.memory_space<hbm>>)
    return
  }
}

</mosaic_0001>

<sc_bundles>
// kernel: kernel.3.cloned.1.call-start
scs
__scs_entry_jumppad:
0x0: {  	(pc) =	sbr.rel $0x88, $3  }
0x1: {  	(tag) =	ssettag $0x0;
	lr =	simm.s32 $0x1  }
0x2: {  	[smem:$0x3F9E] =	sst lr;
	_ =	strace $0xD0000000  }
0x3: {  	_ = 	snop  }
0x4: {  	_ = 	snop  }
0x5: {  	_ = 	snop  }
0x6: {  	_ = 	snop  }
0x7: {  	_ = 	snop  }
__scs_overlays_trampoline_lowered:
0x8: {  	[smem:$0x3FAD] =	sst s0  }
0x9: {  	[smem:$0x3FAE] =	sst s1  }
0xa: {  	[smem:$0x3FAF] =	sst s2  }
0xb: {  	[smem:$0x3FB0] =	sst s3  }
0xc: {  	[smem:$0x3FB1] =	sst s4  }
0xd: {  	[smem:$0x3FB2] =	sst s5  }
0xe: {  	[smem:$0x3FB3] =	sst s6  }
0xf: {  	[smem:$0x3FB4] =	sst s7  }
0x10: {  	[smem:$0x3FB5] =	sst s8  }
0x11: {  	[smem:$0x3FB6] =	sst s9;
	s0 =	simm.s32 @!p0 $0x0  }
0x12: {  	s1 =	sld [smem:$0x3F9C];
	s0 =	simm.s32 @p0 $0x1  }
0x13: {  	[smem:$0x3FB7] =	sst s0;
	s0 =	simm.s32 @!p1 $0x0  }
0x14: {  	s2 =	sld [smem:$0x3F9B];
	s0 =	simm.s32 @p1 $0x1  }
0x15: {  	[smem:$0x3FB8] =	sst s0;
	s0 =	simm.s32 @!p2 $0x0  }
0x16: {  	s3 =	sld [smem:$0x3FDB];
	s0 =	simm.s32 @p2 $0x1  }
0x17: {  	s4 =	simm.s32 $0x1BF5;
	[smem:$0x3FBA] =	sst s0  }
0x18: {  	s0 =	sld [smem:$0x3F9D];
	_ =	swait.ge [sflag:s4], $0x0  }
0x19: {  	s7 =	sld [smem:$0x3F9E]  }
0x1a: {  	s8 =	sadd.s32 $0xFFFFE003, lr  }
0x1b: {  	s9 =	sadd.s32 $0xFFFFFEF7, lr;
	s5 =	simm.s32 $0xFFFFFFFF;
	p2 =	slt.u32 s8, $0xFFFFF086  }
0x1c: {  	p1 =	slt.u32 s9, $0xF7A;
	s5 =	simm.s32 @!p2 $0x0  }
0x1d: {  	s5 =	simm.s32 @p1 $0x1;
	p0 =	seq.s32 s7, s2  }
0x1e: {  	s7 =	smul.u32 @!p0 $0xF7A, s2;
	p2 =	seq.s32 @!p0 s5, $0x0  }
0x1f: {  	s9 =	smul.u32 $0xF7A, s1;
	s8 =	simm.s32 @!p0 $0x1BF5;
	p2 =	por !p2, p0  }
0x20: {  	[sflag:s8] =	ssyncset.s32 @!p0 $0xFFFFF086;
	s6 =	sadd.s32 @!p0 s3, s7;
	s7 =	simm.s32 @!p0 $0x108  }
0x21: {  	s3 =	sadd.s32 s3, s9;
	s6 =	sadd.s32 @!p0 $0x88, s6;
	s7 =	simm.s32 @p2 $0x1082  }
0x22: {  	[simem:s7], [sflag:s8] =	dma.local @!p0 [hbm:s6], $0xF7A  }
0x23: {  	s9 =	sor.u32 $0xD0000000, s2;
	s6 =	simm.s32 $0x108;
	_ =	swait.ge @!p0 [sflag:s8], $0x0  }
0x24: {  	s3 =	sadd.s32 $0x88, s3;
	s6 =	simm.s32 @!p1 $0x1082;
	[sflag:s4] =	ssyncset.s32 $0xFFFFF086  }
0x25: {  	[simem:s6], [sflag:s4] =	dma.local [hbm:s3], $0xF7A  }
0x26: {  	[smem:$0x3F9E] =	sst s1;
	(tag) =	ssettag s2;
	_ =	strace s9  }
0x27: {  	s1 =	sld [smem:$0x3FAE]  }
0x28: {  	s2 =	sld [smem:$0x3FAF]  }
0x29: {  	s4 =	sld [smem:$0x3FB1]  }
0x2a: {  	p0 =	seq.s32 s5, $0x0;
	s5 =	sld [smem:$0x3FB2]  }
0x2b: {  	s6 =	sld [smem:$0x3FB3]  }
0x2c: {  	s7 =	sld [smem:$0x3FB4]  }
0x2d: {  	s3 =	simm.s32 $0x108;
	s8 =	sld [smem:$0x3FB5]  }
0x2e: {  	s3 =	simm.s32 @!p0 $0x1082;
	s9 =	sld [smem:$0x3FB6]  }
0x2f: {  	lr =	sadd.s32 s0, s3;
	s0 =	sld [smem:$0x3FAD]  }
0x30: {  	s3 =	sld [smem:$0x3FB0]  }
0x31: {  	[smem:$0x3FB9] =	sst s10  }
0x32: {  	s10 =	sld [smem:$0x3FB7];
	_ =	sdelay $0x3  }
0x33: {  	p0 =	seq.s32 s10, $0x1;
	s10 =	sld [smem:$0x3FB9];
	_ =	sdelay $0x3  }
0x34: {  	[smem:$0x3FB9] =	sst s10  }
0x35: {  	s10 =	sld [smem:$0x3FB8];
	_ =	sdelay $0x3  }
0x36: {  	p1 =	seq.s32 s10, $0x1;
	s10 =	sld [smem:$0x3FB9];
	_ =	sdelay $0x3  }
0x37: {  	[smem:$0x3FB9] =	sst s10  }
0x38: {  	s10 =	sld [smem:$0x3FBA]  }
0x39: {  	_ = 	snop;
	(pc) =	sbr.ind lr, $3  }
0x3a: {  	_ = 	snop  }
0x3b: {  	_ = 	snop  }
0x3c: {  	p2 =	seq.s32 s10, $0x1;
	s10 =	sld [smem:$0x3FB9]  }
0x3d: {  	_ =	shalt  }
0x3e: {  	_ =	shalt  }
0x3f: {  	_ =	shalt  }
0x40: {  	_ =	shalt  }
0x41: {  	_ =	shalt  }
0x42: {  	_ =	shalt  }
0x43: {  	_ =	shalt  }
0x44: {  	_ =	shalt  }
0x45: {  	_ =	shalt  }
0x46: {  	_ =	shalt  }
0x47: {  	_ =	shalt  }
0x48: {  	_ =	shalt  }
0x49: {  	_ =	shalt  }
0x4a: {  	_ =	shalt  }
0x4b: {  	_ =	shalt  }
0x4c: {  	_ =	shalt  }
0x4d: {  	_ =	shalt  }
0x4e: {  	_ =	shalt  }
0x4f: {  	_ =	shalt  }
0x50: {  	_ =	shalt  }
0x51: {  	_ =	shalt  }
0x52: {  	_ =	shalt  }
0x53: {  	_ =	shalt  }
0x54: {  	_ =	shalt  }
0x55: {  	_ =	shalt  }
0x56: {  	_ =	shalt  }
0x57: {  	_ =	shalt  }
0x58: {  	_ =	shalt  }
0x59: {  	_ =	shalt  }
0x5a: {  	_ =	shalt  }
0x5b: {  	_ =	shalt  }
0x5c: {  	_ =	shalt  }
0x5d: {  	_ =	shalt  }
0x5e: {  	_ =	shalt  }
0x5f: {  	_ =	shalt  }
0x60: {  	_ =	shalt  }
0x61: {  	_ =	shalt  }
0x62: {  	_ =	shalt  }
0x63: {  	_ =	shalt  }
0x64: {  	_ =	shalt  }
0x65: {  	_ =	shalt  }
0x66: {  	_ =	shalt  }
0x67: {  	_ =	shalt  }
0x68: {  	_ =	shalt  }
0x69: {  	_ =	shalt  }
0x6a: {  	_ =	shalt  }
0x6b: {  	_ =	shalt  }
0x6c: {  	_ =	shalt  }
0x6d: {  	_ =	shalt  }
0x6e: {  	_ =	shalt  }
0x6f: {  	_ =	shalt  }
0x70: {  	_ =	shalt  }
0x71: {  	_ =	shalt  }
0x72: {  	_ =	shalt  }
0x73: {  	_ =	shalt  }
0x74: {  	_ =	shalt  }
0x75: {  	_ =	shalt  }
0x76: {  	_ =	shalt  }
0x77: {  	_ =	shalt  }
0x78: {  	_ =	shalt  }
0x79: {  	_ =	shalt  }
0x7a: {  	_ =	shalt  }
0x7b: {  	_ =	shalt  }
0x7c: {  	_ =	shalt  }
0x7d: {  	_ =	shalt  }
0x7e: {  	_ =	shalt  }
0x7f: {  	_ =	shalt  }
0x80: {  	_ =	shalt  }
0x81: {  	_ =	shalt  }
0x82: {  	_ =	shalt  }
0x83: {  	_ =	shalt  }
0x84: {  	_ =	shalt  }
0x85: {  	_ =	shalt  }
0x86: {  	_ =	shalt  }
0x87: {  	_ =	shalt  }
.Lfunc_end0:
.L_simem_size_0:
called_computation_lowered:
.L_overlay_start_0:
0x88: {  	s2 =	sld [smem:$0x3FD9]  }
0x89: {  	s3 =	sld [smem:$0x3FFE];
	_ =	sdelay $0x1  }
0x8a: {  	s1 =	srdreg.scid  }
0x8b: {  	s0 =	sand.u32 $0x1, s1  }
0x8c: {  	s17 =	sshll.u32 s0, $0xA;
	s2 =	sadd.s32 s3, s2  }
0x8d: {  	s2 =	sadd.s32 s2, s17  }
0x8e: {  	[smem:$0x3FC5] =	sst s2  }
0x8f: {  	_ = 	snop  }
0x90: {  	s2 =	sld [smem:$0x3FC8]  }
0x91: {  	s18 =	sld [smem:$0x3FC7]  }
0x92: {  	s4 =	sld [smem:$0x3FD0];
	(tm) =	ssettm $0x1  }
0x93: {  	s5 =	sld [smem:$0x3FFB];
	_ =	sdelay $0x3  }
0x94: {  	_ =	strace s5  }
0x95: {  	s5 =	sld [smem:$0x3FFC];
	_ =	sdelay $0x3  }
0x96: {  	_ =	strace s5  }
0x97: {  	s5 =	sld [smem:$0x3FFD];
	_ =	sdelay $0x3  }
0x98: {  	_ =	strace s5  }
0x99: {  	_ =	strace $0x8FFFFFFF  }
0x9a: {  	s19 =	sld [smem:$0x3FDB];
	_ =	sdelay $0x1  }
0x9b: {  	s6 =	simm.s32 $_scs_section_size  }
0x9c: {  	s7 =	simm.s32 $_size__tile_overlayer_lowered;
	s8 =	simm.s32 $_tile_overlayer_lowered  }
0x9d: {  	s22 =	simm.s32 $0x1BFF;
	s21 =	sshll.u32 s8, $0x1;
	s5 =	sadd.s32 s6, s19  }
0x9e: {  	s9 =	simm.s32 $0x0;
	s20 =	sshll.u32 s7, $0x1;
	s7 =	sadd.s32 s21, s5  }
0x9f: {  	[timem:s9], [sflag:s22] =	dma.local [hbm:s7], s20  }
0xa0: {  	_ =	swait.ge [sflag:s22], s20  }
0xa1: {  	s6 =	ssub.s32 $0x0, s20;
	[sflag:s22] =	ssyncset.done $0x0  }
0xa2: {  	[sflag:s22] =	ssyncadd.s32 s6;
	_ =	sdelay $0x1  }
0xa3: {  	s23 =	simm.s32 $0x1B8B  }
0xa4: {  	_ =	swait.ge [sflag:s23], $0x1  }
0xa5: {  	[sflag:s23] =	ssyncset.done $0x0  }
0xa6: {  	s25 =	simm.s32 $0x1B8E;
	s24 =	sld [smem:$0x3FFE];
	[sflag:s23] =	ssyncadd.s32 $0xFFFFFFFF  }
0xa7: {  	s26 =	simm.s32 $execute0_lowered;
	[smem:$0x3FD2] =	sst s25  }
0xa8: {  	s7 =	sshll.u32 s26, $0x1;
	_ =	strace $0x80000046;
	[dreg:$0x1] =	wrdreg $0xFFFFFFFF  }
0xa9: {  	s28 =	simm.s32 $_size_execute0_lowered;
	s5 =	sadd.s32 s5, s7;
	[dreg:$0x0] =	wrdreg $0x0  }
0xaa: {  	s7 =	sshll.u32 s28, $0x1;
	[dreg:$0x2] =	wrdreg s5  }
0xab: {  	[dreg:$0x3] =	wrdreg s7  }
0xac: {  	[dreg:$0x4] =	wrdreg $0xC0  }
0xad: {  	_ =	task [dreg:s9], $0x5FFFF  }
0xae: {  	[dreg:$0x1] =	wrdreg $0xFFFFFFFF  }
0xaf: {  	[dreg:$0x0] =	wrdreg $0x60  }
0xb0: {  	[dreg:$0x2] =	wrdreg s24  }
0xb1: {  	[dreg:$0x3] =	wrdreg s2  }
0xb2: {  	[dreg:$0x4] =	wrdreg s18  }
0xb3: {  	[dreg:$0x5] =	wrdreg s4  }
0xb4: {  	[dreg:$0x6] =	wrdreg $0x9  }
0xb5: {  	_ =	task.clear_ibuf [dreg:s9], $0x7FFFF;
	_ =	strace $0x90000046  }
0xb6: {  	s29 =	simm.s32 $0x9;
	_ =	strace $0x80000048  }
0xb7: {  	_ =	swait.ge [sflag:s29], $0x1  }
0xb8: {  	[sflag:s29] =	ssyncadd.s32 $0xFFFFFFFF  }
0xb9: {  	_ =	strace $0x90000048  }
0xba: {  	_ =	sfence  }
0xbb: {  	s30 =	sld [smem:$0x0];
	_ =	sdelay $0x2  }
0xbc: {  	s31 =	sshll.u32 s1, $0xD;
	s1 =	sshrl.u32 s1, $0x2  }
0xbd: {  	s3 =	sand.u32 $0x4000, s31;
	s1 =	sadd.s32 s1, s30  }
0xbe: {  	s0 =	sor.u32 s3, s0;
	s1 =	sshll.u32 s1, $0x11  }
0xbf: {  	s0 =	sor.u32 s1, s0  }
0xc0: {  	s0 =	sadd.s32 $0x8F2B, s0  }
0xc1: {  	[sflag:s0] =	ssyncadd.remote.s32 $0x1  }
0xc2: {  	_ =	sfence.sel $0xFFFF  }
0xc3: {  	[dreg:$0x0] =	wrdreg $0xFFFFFFFF;
	(pc) =	sbr.abs _section_cstart, $3  }
0xc4: {  	[dreg:$0x1] =	wrdreg $0xFFFFFFFF  }
0xc5: {  	_ =	task.clear_ibuf [dreg:s9], $0x2FFFF;
	_ =	strace $0x9FFFFFFF  }
0xc6: {  	(tm) =	ssettm $0x7FFFFFFF  }
0xc7: {  	_ =	shalt  }
tec
execute0_lowered:
.L_overlay_start_1:
0x0: {  	(tag) =	ssettag $0x1  }
0x1: {  	s0 =	rddreg [dreg:$0x0]  }
0x2: {  	s1 =	rddreg [dreg:$0x1]  }
0x3: {  	s3 =	rddreg [dreg:$0x2]  }
0x4: {  	s2 =	rddreg [dreg:$0x3]  }
0x5: {  	s4 =	srdreg.scid;
	s7 =	stileid.u32;
	s11 =	simm.s32 $0x8280  }
0x6: {  	s28 =	simm.s32 $0x10280;
	s29 =	simm.s32 $0x1;
	s5 =	sand.u32 $0x1, s4  }
0x7: {  	s4 =	simm.s32 $0x0;
	s7 =	sshll.u32 s7, $0x8;
	s6 =	sshll.u32 s5, $0xC  }
0x8: {  	[smem:$0x7FF] =	sst s4;
	s5 =	ssub.s32 $0x2, s5;
	s6 =	sor.u32 s7, s6  }
0x9: {  	_ =	strace $0x80000047;
	s8 =	sshrl.u32 s5, $0x1;
	s19 =	sshll.u32 s6, $0x7  }
0xa: {  	s7 =	sshrl.u32 s6, $0x3;
	s5 =	ssub.s32 s5, s8;
	s20 =	sadd.s32 s2, s19  }
0xb: {  	s0 =	sadd.s32 s7, s0;
	s26 =	smax.u32 s5, $0x1;
	[dreg:$0x6] =	wrdreg s20  }
0xc: {  	s30 =	simm.s32 $0x4;
	s0 =	sadd.s32 $0x400, s0;
	[dreg:$0xe] =	wrdreg s26  }
0xd: {  	s31 =	simm.s32 $0x2;
	s2 =	sadd.s32 $0x1000, s20;
	[dreg:$0x5] =	wrdreg s0  }
0xe: {  	s10 =	simm.s32 $0x0;
	s21 =	sadd.s32 $0x2000, s20;
	[dreg:$0x7] =	wrdreg s2  }
0xf: {  	s9 =	sadd.s32 $0x300, s1;
	s22 =	sadd.s32 $0x3000, s20;
	[dreg:$0x8] =	wrdreg s21  }
0x10: {  	s6 =	sadd.s32 $0x100, s1;
	s23 =	sadd.s32 $0x4000, s20;
	[dreg:$0x9] =	wrdreg s22  }
0x11: {  	s8 =	sadd.s32 $0x200, s1;
	s24 =	sadd.s32 $0x5000, s20;
	[dreg:$0xa] =	wrdreg s23  }
0x12: {  	v2 =	vlaneseq.u32;
	s19 =	simm.s32 $0x280;
	s25 =	sadd.s32 $0x6000, s20;
	[dreg:$0xb] =	wrdreg s24  }
0x13: {  	vm0 =	vmmov $0xffff;
	v1 =	vshrl.u32 v2, $0x3;
	s5 =	simm.s32 $0x6;
	[dreg:$0xc] =	wrdreg s25;
	s0 =	sadd.s32 $0x7000, s20  }
0x14: {  	v0 =	vand.u32 $0x7, v2;
	v2 =	vor.u32 $0x8, v2;
	v1 =	vmul.u32 $0x8, v1;
	s2 =	simm.s32 $0x3;
	[dreg:$0xd] =	wrdreg s0;
	s0 =	simm.s32 $0x5  }
.LBB2_1:
0x15: {  	s7 =	rddreg [dreg:$0x5];
	s23 =	simm.s32 $0x7  }
0x16: {  	[tilespmem:s4], [sflag:$0x7] =	stream.linear.gather [hbm4b:s7+s4], $0x100, $0x38;
	[tilespmem:$0x18280] =	vst v63  }
0x17: {  	_ =	swait.ge [sflag:s23], $0x100  }
0x18: {  	[sflag:s23] =	ssyncset.done $0x0  }
0x19: {  	[sflag:s23] =	ssyncadd.s32 $0xFFFFFF00  }
0x1a: {  	v3 =	vld [tilespmem:$0x0]  }
0x1b: {  	v11 =	vld [tilespmem:$0x80]  }
0x1c: {  	v4 =	vld [tilespmem:$0x10]  }
0x1d: {  	v5 =	vld [tilespmem:$0x20]  }
0x1e: {  	v6 =	vld [tilespmem:$0x30]  }
0x1f: {  	v7 =	vld [tilespmem:$0x40];
	vm1 =	vgt.s32 v3, $0x7CFF  }
0x20: {  	v8 =	vld [tilespmem:$0x50];
	vm2 =	vgt.s32 v11, $0x7CFF;
	v3 =	vsel vm1, $0x0, v3  }
0x21: {  	v9 =	vld [tilespmem:$0x60];
	vm1 =	vgt.s32 v4, $0x7CFF;
	v46 =	vsel vm2, $0x0, v11;
	[tilespmem:$0x180] =	vst v3  }
0x22: {  	v10 =	vld [tilespmem:$0x70];
	v4 =	vsel vm1, $0x0, v4;
	vm1 =	vgt.s32 v5, $0x7CFF;
	[tilespmem:$0x200] =	vst v46  }
0x23: {  	v38 =	vld [tilespmem:$0x90];
	[tilespmem:$0x190] =	vst v4;
	v36 =	vsel vm1, $0x0, v5;
	vm1 =	vgt.s32 v6, $0x7CFF  }
0x24: {  	v40 =	vld [tilespmem:$0xA0];
	[tilespmem:$0x1A0] =	vst v36;
	v37 =	vsel vm1, $0x0, v6;
	vm1 =	vgt.s32 v7, $0x7CFF  }
0x25: {  	v42 =	vld [tilespmem:$0xB0];
	[tilespmem:$0x1B0] =	vst v37;
	v39 =	vsel vm1, $0x0, v7;
	vm1 =	vgt.s32 v8, $0x7CFF  }
0x26: {  	v44 =	vld [tilespmem:$0xC0];
	v48 =	vshll.u32 v3, $0x3;
	[tilespmem:$0x1C0] =	vst v39;
	v41 =	vsel vm1, $0x0, v8;
	vm1 =	vgt.s32 v9, $0x7CFF  }
0x27: {  	v47 =	vld [tilespmem:$0xD0];
	v3 =	vand.u32 $0x7, v3;
	[tilespmem:$0x1D0] =	vst v41;
	v43 =	vsel vm1, $0x0, v9;
	vm1 =	vgt.s32 v10, $0x7CFF  }
0x28: {  	v49 =	vld [tilespmem:$0xE0];
	v11 =	vand.u32 $0xFFFFFFC0, v48;
	v45 =	vsel vm1, $0x0, v10;
	[tilespmem:$0x1E0] =	vst v43;
	vm1 =	vgt.s32 v38, $0x7CFF  }
0x29: {  	v51 =	vld [tilespmem:$0xF0];
	v3 =	vor.u32 v3, v11;
	[tilespmem:$0x1F0] =	vst v45;
	v50 =	vsel vm1, $0x0, v38;
	vm1 =	vgt.s32 v40, $0x7CFF  }
0x2a: {  	v53 =	vperm.xlane v3, v0;
	[tilespmem:$0x210] =	vst v50;
	v52 =	vsel vm1, $0x0, v40;
	vm1 =	vgt.s32 v42, $0x7CFF  }
0x2b: {  	[tilespmem:$0x220] =	vst v52;
	v54 =	vsel vm1, $0x0, v42;
	vm1 =	vgt.s32 v44, $0x7CFF  }
0x2c: {  	v6 =	vadd.s32 v1, v53;
	[tilespmem:$0x230] =	vst v54;
	v55 =	vsel vm1, $0x0, v44;
	vm1 =	vgt.s32 v47, $0x7CFF  }
0x2d: {  	[tilespmem:$0x240] =	vst v55;
	v56 =	vsel vm1, $0x0, v47;
	vm1 =	vgt.s32 v49, $0x7CFF  }
0x2e: {  	[tilespmem:$0x250] =	vst v56;
	v57 =	vsel vm1, $0x0, v49;
	vm1 =	vgt.s32 v51, $0x7CFF  }
0x2f: {  	[tilespmem:$0x260] =	vst v57;
	v58 =	vsel vm1, $0x0, v51  }
0x30: {  	[tilespmem:$0x270] =	vst v58  }
0x31: {  	[tilespmem:s19], [sflag:$0x1] =	stream.indirect_vreg.gather [hbm4b:s1+s4], $0x80, v6, vm0, $0xb8;
	[tilespmem:$0x18280] =	vst v63  }
0x32: {  	s24 =	simm.s32 $0xA80;
	v3 =	vperm.xlane v3, v2  }
0x33: {  	[tilespmem:s24], [sflag:$0x1] =	stream.indirect_vreg.gather [hbm4b:s6+s4], $0x80, v6, vm0, $0xb8;
	[tilespmem:$0x18280] =	vst v63  }
0x34: {  	s25 =	simm.s32 $0x1280;
	v3 =	vadd.s32 v1, v3  }
0x35: {  	[tilespmem:s25], [sflag:$0x1] =	stream.indirect_vreg.gather [hbm4b:s8+s4], $0x80, v6, vm0, $0xb8;
	[tilespmem:$0x18280] =	vst v63  }
0x36: {  	s26 =	simm.s32 $0x1A80  }
0x37: {  	[tilespmem:s26], [sflag:$0x1] =	stream.indirect_vreg.gather [hbm4b:s9+s4], $0x80, v6, vm0, $0xb8;
	[tilespmem:$0x18280] =	vst v63  }
0x38: {  	s12 =	simm.s32 $0x2280  }
0x39: {  	[tilespmem:s12], [sflag:$0x1] =	stream.indirect_vreg.gather [hbm4b:s1+s4], $0x80, v3, vm0, $0xb8;
	[tilespmem:$0x18280] =	vst v63  }
0x3a: {  	s13 =	simm.s32 $0x2A80  }
0x3b: {  	[tilespmem:s13], [sflag:$0x1] =	stream.indirect_vreg.gather [hbm4b:s6+s4], $0x80, v3, vm0, $0xb8;
	[tilespmem:$0x18280] =	vst v63  }
0x3c: {  	s14 =	simm.s32 $0x3280  }
0x3d: {  	[tilespmem:s14], [sflag:$0x1] =	stream.indirect_vreg.gather [hbm4b:s8+s4], $0x80, v3, vm0, $0xb8;
	[tilespmem:$0x18280] =	vst v63  }
0x3e: {  	s15 =	simm.s32 $0x3A80  }
0x3f: {  	[tilespmem:s15], [sflag:$0x1] =	stream.indirect_vreg.gather [hbm4b:s9+s4], $0x80, v3, vm0, $0xb8;
	[tilespmem:$0x18280] =	vst v63  }
0x40: {  	v3 =	vld [tilespmem:$0x190];
	_ =	sdelay $0x4  }
0x41: {  	v59 =	vshll.u32 v3, $0x3  }
0x42: {  	v3 =	vand.u32 $0x7, v3;
	v4 =	vand.u32 $0xFFFFFFC0, v59  }
0x43: {  	v3 =	vor.u32 v3, v4  }
0x44: {  	v4 =	vperm.xlane v3, v0;
	_ =	sdelay $0x1  }
0x45: {  	v4 =	vadd.s32 v1, v4;
	_ =	sdelay $0x3  }
0x46: {  	s16 =	simm.s32 $0x4280  }
0x47: {  	[tilespmem:s16], [sflag:$0x1] =	stream.indirect_vreg.gather [hbm4b:s1+s4], $0x80, v4, vm0, $0xb8;
	[tilespmem:$0x18280] =	vst v63  }
0x48: {  	s17 =	simm.s32 $0x4A80;
	v3 =	vperm.xlane v3, v2  }
0x49: {  	[tilespmem:s17], [sflag:$0x1] =	stream.indirect_vreg.gather [hbm4b:s6+s4], $0x80, v4, vm0, $0xb8;
	[tilespmem:$0x18280] =	vst v63  }
0x4a: {  	s18 =	simm.s32 $0x5280;
	v3 =	vadd.s32 v1, v3  }
0x4b: {  	[tilespmem:s18], [sflag:$0x1] =	stream.indirect_vreg.gather [hbm4b:s8+s4], $0x80, v4, vm0, $0xb8;
	[tilespmem:$0x18280] =	vst v63  }
0x4c: {  	s20 =	simm.s32 $0x5A80  }
0x4d: {  	[tilespmem:s20], [sflag:$0x1] =	stream.indirect_vreg.gather [hbm4b:s9+s4], $0x80, v4, vm0, $0xb8;
	[tilespmem:$0x18280] =	vst v63  }
0x4e: {  	s21 =	simm.s32 $0x6280  }
0x4f: {  	[tilespmem:s21], [sflag:$0x1] =	stream.indirect_vreg.gather [hbm4b:s1+s4], $0x80, v3, vm0, $0xb8;
	[tilespmem:$0x18280] =	vst v63  }
0x50: {  	s22 =	simm.s32 $0x6A80  }
0x51: {  	[tilespmem:s22], [sflag:$0x1] =	stream.indirect_vreg.gather [hbm4b:s6+s4], $0x80, v3, vm0, $0xb8;
	[tilespmem:$0x18280] =	vst v63  }
0x52: {  	s23 =	simm.s32 $0x7280  }
0x53: {  	[tilespmem:s23], [sflag:$0x1] =	stream.indirect_vreg.gather [hbm4b:s8+s4], $0x80, v3, vm0, $0xb8;
	[tilespmem:$0x18280] =	vst v63  }
0x54: {  	s24 =	simm.s32 $0x7A80  }
0x55: {  	[tilespmem:s24], [sflag:$0x1] =	stream.indirect_vreg.gather [hbm4b:s9+s4], $0x80, v3, vm0, $0xb8;
	[tilespmem:$0x18280] =	vst v63  }
0x56: {  	v3 =	vld [tilespmem:$0x1A0];
	_ =	sdelay $0x4  }
0x57: {  	v60 =	vshll.u32 v3, $0x3  }
0x58: {  	v3 =	vand.u32 $0x7, v3;
	v4 =	vand.u32 $0xFFFFFFC0, v60  }
0x59: {  	v3 =	vor.u32 v3, v4  }
0x5a: {  	v4 =	vperm.xlane v3, v0;
	_ =	sdelay $0x1  }
0x5b: {  	v4 =	vadd.s32 v1, v4;
	_ =	sdelay $0x4  }
0x5c: {  	[tilespmem:s11], [sflag:$0x2] =	stream.indirect_vreg.gather [hbm4b:s1+s4], $0x80, v4, vm0, $0xb8;
	[tilespmem:$0x18280] =	vst v63  }
0x5d: {  	s25 =	simm.s32 $0x8A80;
	v3 =	vperm.xlane v3, v2  }
0x5e: {  	[tilespmem:s25], [sflag:$0x2] =	stream.indirect_vreg.gather [hbm4b:s6+s4], $0x80, v4, vm0, $0xb8;
	[tilespmem:$0x18280] =	vst v63  }
0x5f: {  	s26 =	simm.s32 $0x9280;
	v3 =	vadd.s32 v1, v3  }
0x60: {  	[tilespmem:s26], [sflag:$0x2] =	stream.indirect_vreg.gather [hbm4b:s8+s4], $0x80, v4, vm0, $0xb8;
	[tilespmem:$0x18280] =	vst v63  }
0x61: {  	s12 =	simm.s32 $0x9A80  }
0x62: {  	[tilespmem:s12], [sflag:$0x2] =	stream.indirect_vreg.gather [hbm4b:s9+s4], $0x80, v4, vm0, $0xb8;
	[tilespmem:$0x18280] =	vst v63  }
0x63: {  	s13 =	simm.s32 $0xA280  }
0x64: {  	[tilespmem:s13], [sflag:$0x2] =	stream.indirect_vreg.gather [hbm4b:s1+s4], $0x80, v3, vm0, $0xb8;
	[tilespmem:$0x18280] =	vst v63  }
0x65: {  	s14 =	simm.s32 $0xAA80  }
0x66: {  	[tilespmem:s14], [sflag:$0x2] =	stream.indirect_vreg.gather [hbm4b:s6+s4], $0x80, v3, vm0, $0xb8;
	[tilespmem:$0x18280] =	vst v63  }
0x67: {  	s15 =	simm.s32 $0xB280  }
0x68: {  	[tilespmem:s15], [sflag:$0x2] =	stream.indirect_vreg.gather [hbm4b:s8+s4], $0x80, v3, vm0, $0xb8;
	[tilespmem:$0x18280] =	vst v63  }
0x69: {  	s16 =	simm.s32 $0xBA80  }
0x6a: {  	[tilespmem:s16], [sflag:$0x2] =	stream.indirect_vreg.gather [hbm4b:s9+s4], $0x80, v3, vm0, $0xb8;
	[tilespmem:$0x18280] =	vst v63  }
0x6b: {  	v3 =	vld [tilespmem:$0x1B0];
	_ =	sdelay $0x4  }
0x6c: {  	v61 =	vshll.u32 v3, $0x3  }
0x6d: {  	v3 =	vand.u32 $0x7, v3;
	v4 =	vand.u32 $0xFFFFFFC0, v61  }
0x6e: {  	v3 =	vor.u32 v3, v4  }
0x6f: {  	v4 =	vperm.xlane v3, v0;
	_ =	sdelay $0x1  }
0x70: {  	v4 =	vadd.s32 v1, v4;
	_ =	sdelay $0x3  }
0x71: {  	s17 =	simm.s32 $0xC280  }
0x72: {  	[tilespmem:s17], [sflag:$0x2] =	stream.indirect_vreg.gather [hbm4b:s1+s4], $0x80, v4, vm0, $0xb8;
	[tilespmem:$0x18280] =	vst v63  }
0x73: {  	s18 =	simm.s32 $0xCA80;
	v3 =	vperm.xlane v3, v2  }
0x74: {  	[tilespmem:s18], [sflag:$0x2] =	stream.indirect_vreg.gather [hbm4b:s6+s4], $0x80, v4, vm0, $0xb8;
	[tilespmem:$0x18280] =	vst v63  }
0x75: {  	s20 =	simm.s32 $0xD280;
	v3 =	vadd.s32 v1, v3  }
0x76: {  	[tilespmem:s20], [sflag:$0x2] =	stream.indirect_vreg.gather [hbm4b:s8+s4], $0x80, v4, vm0, $0xb8;
	[tilespmem:$0x18280] =	vst v63  }
0x77: {  	s21 =	simm.s32 $0xDA80  }
0x78: {  	[tilespmem:s21], [sflag:$0x2] =	stream.indirect_vreg.gather [hbm4b:s9+s4], $0x80, v4, vm0, $0xb8;
	[tilespmem:$0x18280] =	vst v63  }
0x79: {  	s22 =	simm.s32 $0xE280  }
0x7a: {  	[tilespmem:s22], [sflag:$0x2] =	stream.indirect_vreg.gather [hbm4b:s1+s4], $0x80, v3, vm0, $0xb8;
	[tilespmem:$0x18280] =	vst v63  }
0x7b: {  	s23 =	simm.s32 $0xEA80  }
0x7c: {  	[tilespmem:s23], [sflag:$0x2] =	stream.indirect_vreg.gather [hbm4b:s6+s4], $0x80, v3, vm0, $0xb8;
	[tilespmem:$0x18280] =	vst v63  }
0x7d: {  	s24 =	simm.s32 $0xF280  }
0x7e: {  	[tilespmem:s24], [sflag:$0x2] =	stream.indirect_vreg.gather [hbm4b:s8+s4], $0x80, v3, vm0, $0xb8;
	[tilespmem:$0x18280] =	vst v63  }
0x7f: {  	s25 =	simm.s32 $0xFA80  }
0x80: {  	[tilespmem:s25], [sflag:$0x2] =	stream.indirect_vreg.gather [hbm4b:s9+s4], $0x80, v3, vm0, $0xb8;
	[tilespmem:$0x18280] =	vst v63  }
0x81: {  	v3 =	vld [tilespmem:$0x1C0];
	_ =	sdelay $0x4  }
0x82: {  	v62 =	vshll.u32 v3, $0x3  }
0x83: {  	v3 =	vand.u32 $0x7, v3;
	v4 =	vand.u32 $0xFFFFFFC0, v62  }
0x84: {  	v3 =	vor.u32 v3, v4  }
0x85: {  	v4 =	vperm.xlane v3, v0;
	_ =	sdelay $0x1  }
0x86: {  	v4 =	vadd.s32 v1, v4;
	_ =	sdelay $0x4  }
0x87: {  	[tilespmem:s28], [sflag:$0x3] =	stream.indirect_vreg.gather [hbm4b:s1+s4], $0x80, v4, vm0, $0xb8;
	[tilespmem:$0x18280] =	vst v63  }
0x88: {  	s26 =	simm.s32 $0x10A80;
	v3 =	vperm.xlane v3, v2  }
0x89: {  	[tilespmem:s26], [sflag:$0x3] =	stream.indirect_vreg.gather [hbm4b:s6+s4], $0x80, v4, vm0, $0xb8;
	[tilespmem:$0x18280] =	vst v63  }
0x8a: {  	s12 =	simm.s32 $0x11280;
	v3 =	vadd.s32 v1, v3  }
0x8b: {  	[tilespmem:s12], [sflag:$0x3] =	stream.indirect_vreg.gather [hbm4b:s8+s4], $0x80, v4, vm0, $0xb8;
	[tilespmem:$0x18280] =	vst v63  }
0x8c: {  	s13 =	simm.s32 $0x11A80  }
0x8d: {  	[tilespmem:s13], [sflag:$0x3] =	stream.indirect_vreg.gather [hbm4b:s9+s4], $0x80, v4, vm0, $0xb8;
	[tilespmem:$0x18280] =	vst v63  }
0x8e: {  	s14 =	simm.s32 $0x12280  }
0x8f: {  	[tilespmem:s14], [sflag:$0x3] =	stream.indirect_vreg.gather [hbm4b:s1+s4], $0x80, v3, vm0, $0xb8;
	[tilespmem:$0x18280] =	vst v63  }
0x90: {  	s15 =	simm.s32 $0x12A80  }
0x91: {  	[tilespmem:s15], [sflag:$0x3] =	stream.indirect_vreg.gather [hbm4b:s6+s4], $0x80, v3, vm0, $0xb8;
	[tilespmem:$0x18280] =	vst v63  }
0x92: {  	s16 =	simm.s32 $0x13280  }
0x93: {  	[tilespmem:s16], [sflag:$0x3] =	stream.indirect_vreg.gather [hbm4b:s8+s4], $0x80, v3, vm0, $0xb8;
	[tilespmem:$0x18280] =	vst v63  }
0x94: {  	s17 =	simm.s32 $0x13A80  }
0x95: {  	[tilespmem:s17], [sflag:$0x3] =	stream.indirect_vreg.gather [hbm4b:s9+s4], $0x80, v3, vm0, $0xb8;
	[tilespmem:$0x18280] =	vst v63  }
0x96: {  	v3 =	vld [tilespmem:$0x1D0];
	_ =	sdelay $0x4  }
0x97: {  	v63 =	vshll.u32 v3, $0x3  }
0x98: {  	v3 =	vand.u32 $0x7, v3;
	v4 =	vand.u32 $0xFFFFFFC0, v63  }
0x99: {  	v3 =	vor.u32 v3, v4  }
0x9a: {  	v4 =	vperm.xlane v3, v0;
	_ =	sdelay $0x1  }
0x9b: {  	v4 =	vadd.s32 v1, v4;
	_ =	sdelay $0x3  }
0x9c: {  	s18 =	simm.s32 $0x14280  }
0x9d: {  	[tilespmem:s18], [sflag:$0x3] =	stream.indirect_vreg.gather [hbm4b:s1+s4], $0x80, v4, vm0, $0xb8;
	[tilespmem:$0x18280] =	vst v63  }
0x9e: {  	s20 =	simm.s32 $0x14A80;
	v3 =	vperm.xlane v3, v2  }
0x9f: {  	[tilespmem:s20], [sflag:$0x3] =	stream.indirect_vreg.gather [hbm4b:s6+s4], $0x80, v4, vm0, $0xb8;
	[tilespmem:$0x18280] =	vst v63  }
0xa0: {  	s21 =	simm.s32 $0x15280;
	v3 =	vadd.s32 v1, v3  }
0xa1: {  	[tilespmem:s21], [sflag:$0x3] =	stream.indirect_vreg.gather [hbm4b:s8+s4], $0x80, v4, vm0, $0xb8;
	[tilespmem:$0x18280] =	vst v63  }
0xa2: {  	s22 =	simm.s32 $0x15A80  }
0xa3: {  	[tilespmem:s22], [sflag:$0x3] =	stream.indirect_vreg.gather [hbm4b:s9+s4], $0x80, v4, vm0, $0xb8;
	[tilespmem:$0x18280] =	vst v63  }
0xa4: {  	s23 =	simm.s32 $0x16280  }
0xa5: {  	[tilespmem:s23], [sflag:$0x3] =	stream.indirect_vreg.gather [hbm4b:s1+s4], $0x80, v3, vm0, $0xb8;
	[tilespmem:$0x18280] =	vst v63  }
0xa6: {  	s24 =	simm.s32 $0x16A80  }
0xa7: {  	[tilespmem:s24], [sflag:$0x3] =	stream.indirect_vreg.gather [hbm4b:s6+s4], $0x80, v3, vm0, $0xb8;
	[tilespmem:$0x18280] =	vst v63  }
0xa8: {  	s25 =	simm.s32 $0x17280  }
0xa9: {  	[tilespmem:s25], [sflag:$0x3] =	stream.indirect_vreg.gather [hbm4b:s8+s4], $0x80, v3, vm0, $0xb8;
	[tilespmem:$0x18280] =	vst v63  }
0xaa: {  	s26 =	simm.s32 $0x17A80  }
0xab: {  	[tilespmem:s26], [sflag:$0x3] =	stream.indirect_vreg.gather [hbm4b:s9+s4], $0x80, v3, vm0, $0xb8;
	[tilespmem:$0x18280] =	vst v63  }
0xac: {  	_ =	swait.ge [sflag:s29], $0x8000  }
0xad: {  	[sflag:s29] =	ssyncset.done $0x0  }
0xae: {  	[sflag:s29] =	ssyncadd.s32 $0xFFFF8000  }
0xaf: {  	v3 =	vld [tilespmem:s4+$0x0];
	_ =	sdelay $0x4  }
0xb0: {  	(v2sf) =	vpush v3, $0x0;
	_ =	sdelay $0xe  }
0xb1: {  	s12 =	spop (v2sf)  }
0xb2: {  	p0 =	slt.s32 s12, $0x7D00  }
0xb3: {  	s13 =	sshll.u32 @!p0 s12, $0xA;
	s12 =	sshll.u32 @!p0 s12, $0x7  }
0xb4: {  	s13 =	sand.u32 @!p0 $0xFFFFE000, s13;
	s12 =	sand.u32 @!p0 $0x380, s12  }
0xb5: {  	s12 =	sor.u32 @!p0 s12, s13  }
0xb6: {  	s14 =	sand.u32 @!p0 $0x6000, s4;
	s13 =	sand.u32 @!p0 $0x380, s4;
	s12 =	sadd.s32 @!p0 $0xFE0C0000, s12  }
0xb7: {  	s13 =	sor.u32 @!p0 s13, s14;
	s12 =	sshrl.u32 @!p0 s12, $0x3  }
0xb8: {  	s16 =	simm.s32 @!p0 $0x0;
	s14 =	sadd.s32 @!p0 $0x280, s13;
	s12 =	sadd.s32 @!p0 s3, s12  }
0xb9: {  	[tilespmem:s14], [sflag:$0x7] =	stream.linear.gather @!p0 [hbm4b:s12+s16], $0x80, $0x38;
	[tilespmem:$0x18280] =	vst v63  }
0xba: {  	s14 =	sadd.s32 @!p0 $0x680, s13;
	s15 =	sadd.s32 @!p0 $0x80, s12  }
0xbb: {  	[tilespmem:s14], [sflag:$0x7] =	stream.linear.gather @!p0 [hbm4b:s15+s16], $0x80, $0x38;
	[tilespmem:$0x18280] =	vst v63  }
0xbc: {  	s14 =	sadd.s32 @!p0 $0xA80, s13;
	s15 =	sadd.s32 @!p0 $0x100, s12  }
0xbd: {  	[tilespmem:s14], [sflag:$0x7] =	stream.linear.gather @!p0 [hbm4b:s15+s16], $0x80, $0x38;
	[tilespmem:$0x18280] =	vst v63  }
0xbe: {  	s14 =	sadd.s32 @!p0 $0xE80, s13;
	s15 =	sadd.s32 @!p0 $0x180, s12  }
0xbf: {  	[tilespmem:s14], [sflag:$0x7] =	stream.linear.gather @!p0 [hbm4b:s15+s16], $0x80, $0x38;
	[tilespmem:$0x18280] =	vst v63  }
0xc0: {  	s14 =	sadd.s32 @!p0 $0x1280, s13;
	s15 =	sadd.s32 @!p0 $0x200, s12  }
0xc1: {  	[tilespmem:s14], [sflag:$0x7] =	stream.linear.gather @!p0 [hbm4b:s15+s16], $0x80, $0x38;
	[tilespmem:$0x18280] =	vst v63  }
0xc2: {  	s14 =	sadd.s32 @!p0 $0x280, s12;
	s15 =	sadd.s32 @!p0 $0x1680, s13  }
0xc3: {  	[tilespmem:s15], [sflag:$0x7] =	stream.linear.gather @!p0 [hbm4b:s14+s16], $0x80, $0x38;
	[tilespmem:$0x18280] =	vst v63  }
0xc4: {  	s14 =	sadd.s32 @!p0 $0x300, s12;
	s15 =	sadd.s32 @!p0 $0x1A80, s13  }
0xc5: {  	[tilespmem:s15], [sflag:$0x7] =	stream.linear.gather @!p0 [hbm4b:s14+s16], $0x80, $0x38;
	[tilespmem:$0x18280] =	vst v63  }
0xc6: {  	s12 =	sadd.s32 @!p0 $0x380, s12;
	s13 =	sadd.s32 @!p0 $0x1E80, s13;
	s15 =	simm.s32 @!p0 $0x7  }
0xc7: {  	[tilespmem:s13], [sflag:$0x7] =	stream.linear.gather @!p0 [hbm4b:s12+s16], $0x80, $0x38;
	[tilespmem:$0x18280] =	vst v63  }
0xc8: {  	s14 =	simm.s32 $0x0;
	_ =	swait.ge @!p0 [sflag:s15], $0x400  }
0xc9: {  	s12 =	simm.s32 $0x400;
	s13 =	simm.s32 $0x1;
	[sflag:s15] =	ssyncset.done @!p0 $0x0  }
.LBB2_2:
0xca: {  	[sflag:s15] =	ssyncadd.s32 @!p0 $0xFFFFFC00  }
0xcb: {  	s14 =	sadd.s32 $0x80, s14;
	s15 =	smov.u32 s12;
	s12 =	sadd.s32 $0x400, s12  }
0xcc: {  	p1 =	sne.s32 s12, $0x8000  }
0xcd: {  	v3 =	vld [tilespmem:s13+$0x0];
	_ =	sdelay $0x4  }
0xce: {  	(v2sf) =	vpush v3, $0x0;
	_ =	sdelay $0xe  }
0xcf: {  	s16 =	spop (v2sf)  }
0xd0: {  	p0 =	slt.s32 s16, $0x7D00  }
0xd1: {  	s17 =	sshll.u32 @!p0 s16, $0xA;
	s16 =	sshll.u32 @!p0 s16, $0x7;
	s7 =	sand.u32 @!p0 $0x380, s14  }
0xd2: {  	s15 =	sand.u32 @!p0 $0x6000, s15;
	s17 =	sand.u32 @!p0 $0xFFFFE000, s17;
	s16 =	sand.u32 @!p0 $0x380, s16  }
0xd3: {  	s7 =	sor.u32 @!p0 s7, s15;
	s16 =	sor.u32 @!p0 s16, s17  }
0xd4: {  	s17 =	sadd.s32 @!p0 $0x680, s7;
	s15 =	sadd.s32 @!p0 $0xFE0C0000, s16;
	s16 =	sadd.s32 @!p0 $0x280, s7  }
0xd5: {  	s18 =	sadd.s32 @!p0 $0xA80, s7;
	s20 =	sadd.s32 @!p0 $0xE80, s7;
	s15 =	sshrl.u32 @!p0 s15, $0x3  }
0xd6: {  	s21 =	simm.s32 @!p0 $0x0;
	s22 =	sadd.s32 @!p0 $0x1280, s7;
	s15 =	sadd.s32 @!p0 s3, s15  }
0xd7: {  	[tilespmem:s16], [sflag:$0x7] =	stream.linear.gather @!p0 [hbm4b:s15+s21], $0x80, $0x38;
	[tilespmem:$0x18280] =	vst v63  }
0xd8: {  	s16 =	sadd.s32 @!p0 $0x80, s15;
	s23 =	sadd.s32 @!p0 $0x100, s15;
	s24 =	sadd.s32 @!p0 $0x180, s15  }
0xd9: {  	[tilespmem:s17], [sflag:$0x7] =	stream.linear.gather @!p0 [hbm4b:s16+s21], $0x80, $0x38;
	[tilespmem:$0x18280] =	vst v63  }
0xda: {  	s25 =	sadd.s32 @!p0 $0x300, s15;
	s16 =	sadd.s32 @!p0 $0x200, s15;
	s17 =	sadd.s32 @!p0 $0x280, s15  }
0xdb: {  	[tilespmem:s18], [sflag:$0x7] =	stream.linear.gather @!p0 [hbm4b:s23+s21], $0x80, $0x38;
	[tilespmem:$0x18280] =	vst v63  }
0xdc: {  	s26 =	sadd.s32 @!p0 $0x380, s15;
	s18 =	sadd.s32 @!p0 $0x1680, s7;
	s23 =	sadd.s32 @!p0 $0x1A80, s7  }
0xdd: {  	[tilespmem:s20], [sflag:$0x7] =	stream.linear.gather @!p0 [hbm4b:s24+s21], $0x80, $0x38;
	[tilespmem:$0x18280] =	vst v63  }
0xde: {  	s7 =	sadd.s32 @!p0 $0x1E80, s7  }
0xdf: {  	[tilespmem:s22], [sflag:$0x7] =	stream.linear.gather @!p0 [hbm4b:s16+s21], $0x80, $0x38;
	[tilespmem:$0x18280] =	vst v63  }
0xe0: {  	_ = 	snop  }
0xe1: {  	[tilespmem:s18], [sflag:$0x7] =	stream.linear.gather @!p0 [hbm4b:s17+s21], $0x80, $0x38;
	[tilespmem:$0x18280] =	vst v63  }
0xe2: {  	_ = 	snop  }
0xe3: {  	[tilespmem:s23], [sflag:$0x7] =	stream.linear.gather @!p0 [hbm4b:s25+s21], $0x80, $0x38;
	[tilespmem:$0x18280] =	vst v63  }
.Ltmp0:
0xe4: {  	_ = 	snop;
	(pc) =	sbr.rel @p1 .LBB2_2-.Ltmp0, $4  }
0xe5: {  	s15 =	simm.s32 @!p0 $0x7  }
0xe6: {  	[tilespmem:s7], [sflag:$0x7] =	stream.linear.gather @!p0 [hbm4b:s26+s21], $0x80, $0x38;
	[tilespmem:$0x18280] =	vst v63  }
0xe7: {  	_ =	swait.ge @!p0 [sflag:s15], $0x400  }
0xe8: {  	s13 =	sadd.s32 $0x1, s13;
	[sflag:s15] =	ssyncset.done @!p0 $0x0  }
0xe9: {  	[sflag:s15] =	ssyncadd.s32 @!p0 $0xFFFFFC00;
	s12 =	simm.s32 $0x0;
	s7 =	rddreg [dreg:$0x6]  }
0xea: {  	[hbm4b:s7+s12] =	stream.linear.scatter [tilespmem:s19], [sflag:$0x4], $0x8000, $0x38;
	[tilespmem:$0x18280] =	vst v63  }
0xeb: {  	_ =	swait.ge [sflag:s30], $0x8000  }
0xec: {  	[sflag:s30] =	ssyncset.done $0x0  }
0xed: {  	[sflag:s30] =	ssyncadd.s32 $0xFFFF8000  }
0xee: {  	v3 =	vld [tilespmem:$0x1E0];
	_ =	sdelay $0x4  }
0xef: {  	v4 =	vshll.u32 v3, $0x3  }
0xf0: {  	v3 =	vand.u32 $0x7, v3;
	v4 =	vand.u32 $0xFFFFFFC0, v4  }
0xf1: {  	v3 =	vor.u32 v3, v4  }
0xf2: {  	v4 =	vperm.xlane v3, v0;
	_ =	sdelay $0x1  }
0xf3: {  	v4 =	vadd.s32 v1, v4;
	_ =	sdelay $0x4  }
0xf4: {  	[tilespmem:s19], [sflag:$0x1] =	stream.indirect_vreg.gather [hbm4b:s1+s12], $0x80, v4, vm0, $0xb8;
	[tilespmem:$0x18280] =	vst v63  }
0xf5: {  	s24 =	simm.s32 $0xA80;
	v3 =	vperm.xlane v3, v2  }
0xf6: {  	[tilespmem:s24], [sflag:$0x1] =	stream.indirect_vreg.gather [hbm4b:s6+s12], $0x80, v4, vm0, $0xb8;
	[tilespmem:$0x18280] =	vst v63  }
0xf7: {  	s25 =	simm.s32 $0x1280;
	v3 =	vadd.s32 v1, v3  }
0xf8: {  	[tilespmem:s25], [sflag:$0x1] =	stream.indirect_vreg.gather [hbm4b:s8+s12], $0x80, v4, vm0, $0xb8;
	[tilespmem:$0x18280] =	vst v63  }
0xf9: {  	s26 =	simm.s32 $0x1A80  }
0xfa: {  	[tilespmem:s26], [sflag:$0x1] =	stream.indirect_vreg.gather [hbm4b:s9+s12], $0x80, v4, vm0, $0xb8;
	[tilespmem:$0x18280] =	vst v63  }
0xfb: {  	s13 =	simm.s32 $0x2280  }
0xfc: {  	[tilespmem:s13], [sflag:$0x1] =	stream.indirect_vreg.gather [hbm4b:s1+s12], $0x80, v3, vm0, $0xb8;
	[tilespmem:$0x18280] =	vst v63  }
0xfd: {  	s14 =	simm.s32 $0x2A80  }
0xfe: {  	[tilespmem:s14], [sflag:$0x1] =	stream.indirect_vreg.gather [hbm4b:s6+s12], $0x80, v3, vm0, $0xb8;
	[tilespmem:$0x18280] =	vst v63  }
0xff: {  	s15 =	simm.s32 $0x3280  }
0x100: {  	[tilespmem:s15], [sflag:$0x1] =	stream.indirect_vreg.gather [hbm4b:s8+s12], $0x80, v3, vm0, $0xb8;
	[tilespmem:$0x18280] =	vst v63  }
0x101: {  	s16 =	simm.s32 $0x3A80  }
0x102: {  	[tilespmem:s16], [sflag:$0x1] =	stream.indirect_vreg.gather [hbm4b:s9+s12], $0x80, v3, vm0, $0xb8;
	[tilespmem:$0x18280] =	vst v63  }
0x103: {  	v3 =	vld [tilespmem:$0x1F0];
	_ =	sdelay $0x4  }
0x104: {  	v63 =	vshll.u32 v3, $0x3  }
0x105: {  	v3 =	vand.u32 $0x7, v3;
	v4 =	vand.u32 $0xFFFFFFC0, v63  }
0x106: {  	v3 =	vor.u32 v3, v4  }
0x107: {  	v4 =	vperm.xlane v3, v0;
	_ =	sdelay $0x1  }
0x108: {  	v4 =	vadd.s32 v1, v4;
	_ =	sdelay $0x3  }
0x109: {  	s17 =	simm.s32 $0x4280  }
0x10a: {  	[tilespmem:s17], [sflag:$0x1] =	stream.indirect_vreg.gather [hbm4b:s1+s12], $0x80, v4, vm0, $0xb8;
	[tilespmem:$0x18280] =	vst v63  }
0x10b: {  	s18 =	simm.s32 $0x4A80;
	v3 =	vperm.xlane v3, v2  }
0x10c: {  	[tilespmem:s18], [sflag:$0x1] =	stream.indirect_vreg.gather [hbm4b:s6+s12], $0x80, v4, vm0, $0xb8;
	[tilespmem:$0x18280] =	vst v63  }
0x10d: {  	s20 =	simm.s32 $0x5280;
	v3 =	vadd.s32 v1, v3  }
0x10e: {  	[tilespmem:s20], [sflag:$0x1] =	stream.indirect_vreg.gather [hbm4b:s8+s12], $0x80, v4, vm0, $0xb8;
	[tilespmem:$0x18280] =	vst v63  }
0x10f: {  	s21 =	simm.s32 $0x5A80  }
0x110: {  	[tilespmem:s21], [sflag:$0x1] =	stream.indirect_vreg.gather [hbm4b:s9+s12], $0x80, v4, vm0, $0xb8;
	[tilespmem:$0x18280] =	vst v63  }
0x111: {  	s22 =	simm.s32 $0x6280  }
0x112: {  	[tilespmem:s22], [sflag:$0x1] =	stream.indirect_vreg.gather [hbm4b:s1+s12], $0x80, v3, vm0, $0xb8;
	[tilespmem:$0x18280] =	vst v63  }
0x113: {  	s23 =	simm.s32 $0x6A80  }
0x114: {  	[tilespmem:s23], [sflag:$0x1] =	stream.indirect_vreg.gather [hbm4b:s6+s12], $0x80, v3, vm0, $0xb8;
	[tilespmem:$0x18280] =	vst v63  }
0x115: {  	s24 =	simm.s32 $0x7280  }
0x116: {  	[tilespmem:s24], [sflag:$0x1] =	stream.indirect_vreg.gather [hbm4b:s8+s12], $0x80, v3, vm0, $0xb8;
	[tilespmem:$0x18280] =	vst v63  }
0x117: {  	s25 =	simm.s32 $0x7A80  }
0x118: {  	[tilespmem:s25], [sflag:$0x1] =	stream.indirect_vreg.gather [hbm4b:s9+s12], $0x80, v3, vm0, $0xb8;
	[tilespmem:$0x18280] =	vst v63  }
0x119: {  	_ =	swait.ge [sflag:s31], $0x8000  }
0x11a: {  	[sflag:s31] =	ssyncset.done $0x0  }
0x11b: {  	s26 =	simm.s32 $0x20;
	[sflag:s31] =	ssyncadd.s32 $0xFFFF8000  }
0x11c: {  	v3 =	vld [tilespmem:s26+$0x0];
	_ =	sdelay $0x4  }
0x11d: {  	(v2sf) =	vpush v3, $0x0;
	_ =	sdelay $0xe  }
0x11e: {  	s7 =	spop (v2sf)  }
0x11f: {  	p0 =	slt.s32 s7, $0x7D00  }
0x120: {  	s13 =	sshll.u32 @!p0 s7, $0xA;
	s7 =	sshll.u32 @!p0 s7, $0x7  }
0x121: {  	s13 =	sand.u32 @!p0 $0xFFFFE000, s13;
	s7 =	sand.u32 @!p0 $0x380, s7  }
0x122: {  	s7 =	sor.u32 @!p0 s7, s13  }
0x123: {  	s14 =	sand.u32 @!p0 $0x6000, s12;
	s13 =	sand.u32 @!p0 $0x380, s12;
	s7 =	sadd.s32 @!p0 $0xFE0C0000, s7  }
0x124: {  	s13 =	sor.u32 @!p0 s13, s14;
	s7 =	sshrl.u32 @!p0 s7, $0x3  }
0x125: {  	s15 =	simm.s32 @!p0 $0x0;
	s14 =	sadd.s32 @!p0 $0x8280, s13;
	s7 =	sadd.s32 @!p0 s3, s7  }
0x126: {  	[tilespmem:s14], [sflag:$0x7] =	stream.linear.gather @!p0 [hbm4b:s7+s15], $0x80, $0x38;
	[tilespmem:$0x18280] =	vst v63  }
0x127: {  	s14 =	sadd.s32 @!p0 $0x8680, s13;
	s16 =	sadd.s32 @!p0 $0x80, s7  }
0x128: {  	[tilespmem:s14], [sflag:$0x7] =	stream.linear.gather @!p0 [hbm4b:s16+s15], $0x80, $0x38;
	[tilespmem:$0x18280] =	vst v63  }
0x129: {  	s14 =	sadd.s32 @!p0 $0x8A80, s13;
	s16 =	sadd.s32 @!p0 $0x100, s7  }
0x12a: {  	[tilespmem:s14], [sflag:$0x7] =	stream.linear.gather @!p0 [hbm4b:s16+s15], $0x80, $0x38;
	[tilespmem:$0x18280] =	vst v63  }
0x12b: {  	s14 =	sadd.s32 @!p0 $0x8E80, s13;
	s16 =	sadd.s32 @!p0 $0x180, s7  }
0x12c: {  	[tilespmem:s14], [sflag:$0x7] =	stream.linear.gather @!p0 [hbm4b:s16+s15], $0x80, $0x38;
	[tilespmem:$0x18280] =	vst v63  }
0x12d: {  	s14 =	sadd.s32 @!p0 $0x9280, s13;
	s16 =	sadd.s32 @!p0 $0x200, s7  }
0x12e: {  	[tilespmem:s14], [sflag:$0x7] =	stream.linear.gather @!p0 [hbm4b:s16+s15], $0x80, $0x38;
	[tilespmem:$0x18280] =	vst v63  }
0x12f: {  	s14 =	sadd.s32 @!p0 $0x280, s7;
	s16 =	sadd.s32 @!p0 $0x9680, s13  }
0x130: {  	[tilespmem:s16], [sflag:$0x7] =	stream.linear.gather @!p0 [hbm4b:s14+s15], $0x80, $0x38;
	[tilespmem:$0x18280] =	vst v63  }
0x131: {  	s14 =	sadd.s32 @!p0 $0x300, s7;
	s16 =	sadd.s32 @!p0 $0x9A80, s13  }
0x132: {  	[tilespmem:s16], [sflag:$0x7] =	stream.linear.gather @!p0 [hbm4b:s14+s15], $0x80, $0x38;
	[tilespmem:$0x18280] =	vst v63  }
0x133: {  	s7 =	sadd.s32 @!p0 $0x380, s7;
	s13 =	sadd.s32 @!p0 $0x9E80, s13  }
0x134: {  	[tilespmem:s13], [sflag:$0x7] =	stream.linear.gather @!p0 [hbm4b:s7+s15], $0x80, $0x38;
	[tilespmem:$0x18280] =	vst v63  }
0x135: {  	s15 =	simm.s32 @!p0 $0x7  }
0x136: {  	_ =	swait.ge @!p0 [sflag:s15], $0x400  }
0x137: {  	s14 =	simm.s32 $0x21;
	s13 =	simm.s32 $0x400;
	[sflag:s15] =	ssyncset.done @!p0 $0x0  }
.LBB2_4:
0x138: {  	[sflag:s15] =	ssyncadd.s32 @!p0 $0xFFFFFC00  }
0x139: {  	s12 =	sadd.s32 $0x80, s12;
	s7 =	smov.u32 s13;
	s13 =	sadd.s32 $0x400, s13  }
0x13a: {  	p1 =	sne.s32 s13, $0x8000  }
0x13b: {  	v3 =	vld [tilespmem:s14+$0x0];
	_ =	sdelay $0x4  }
0x13c: {  	(v2sf) =	vpush v3, $0x0;
	_ =	sdelay $0xe  }
0x13d: {  	s15 =	spop (v2sf)  }
0x13e: {  	p0 =	slt.s32 s15, $0x7D00  }
0x13f: {  	s16 =	sshll.u32 @!p0 s15, $0xA;
	s15 =	sshll.u32 @!p0 s15, $0x7;
	s17 =	sand.u32 @!p0 $0x380, s12  }
0x140: {  	s7 =	sand.u32 @!p0 $0x6000, s7;
	s16 =	sand.u32 @!p0 $0xFFFFE000, s16;
	s15 =	sand.u32 @!p0 $0x380, s15  }
0x141: {  	s7 =	sor.u32 @!p0 s17, s7;
	s15 =	sor.u32 @!p0 s15, s16  }
0x142: {  	s16 =	sadd.s32 @!p0 $0x8280, s7;
	s17 =	sadd.s32 @!p0 $0x8680, s7;
	s15 =	sadd.s32 @!p0 $0xFE0C0000, s15  }
0x143: {  	s18 =	sadd.s32 @!p0 $0x8A80, s7;
	s20 =	sadd.s32 @!p0 $0x8E80, s7;
	s15 =	sshrl.u32 @!p0 s15, $0x3  }
0x144: {  	s21 =	simm.s32 @!p0 $0x0;
	s22 =	sadd.s32 @!p0 $0x9280, s7;
	s15 =	sadd.s32 @!p0 s3, s15  }
0x145: {  	[tilespmem:s16], [sflag:$0x7] =	stream.linear.gather @!p0 [hbm4b:s15+s21], $0x80, $0x38;
	[tilespmem:$0x18280] =	vst v63  }
0x146: {  	s16 =	sadd.s32 @!p0 $0x80, s15;
	s23 =	sadd.s32 @!p0 $0x100, s15;
	s24 =	sadd.s32 @!p0 $0x180, s15  }
0x147: {  	[tilespmem:s17], [sflag:$0x7] =	stream.linear.gather @!p0 [hbm4b:s16+s21], $0x80, $0x38;
	[tilespmem:$0x18280] =	vst v63  }
0x148: {  	s25 =	sadd.s32 @!p0 $0x300, s15;
	s16 =	sadd.s32 @!p0 $0x200, s15;
	s17 =	sadd.s32 @!p0 $0x280, s15  }
0x149: {  	[tilespmem:s18], [sflag:$0x7] =	stream.linear.gather @!p0 [hbm4b:s23+s21], $0x80, $0x38;
	[tilespmem:$0x18280] =	vst v63  }
0x14a: {  	s26 =	sadd.s32 @!p0 $0x380, s15;
	s18 =	sadd.s32 @!p0 $0x9680, s7;
	s23 =	sadd.s32 @!p0 $0x9A80, s7  }
0x14b: {  	[tilespmem:s20], [sflag:$0x7] =	stream.linear.gather @!p0 [hbm4b:s24+s21], $0x80, $0x38;
	[tilespmem:$0x18280] =	vst v63  }
0x14c: {  	s7 =	sadd.s32 @!p0 $0x9E80, s7  }
0x14d: {  	[tilespmem:s22], [sflag:$0x7] =	stream.linear.gather @!p0 [hbm4b:s16+s21], $0x80, $0x38;
	[tilespmem:$0x18280] =	vst v63  }
0x14e: {  	_ = 	snop  }
0x14f: {  	[tilespmem:s18], [sflag:$0x7] =	stream.linear.gather @!p0 [hbm4b:s17+s21], $0x80, $0x38;
	[tilespmem:$0x18280] =	vst v63  }
0x150: {  	_ = 	snop  }
0x151: {  	[tilespmem:s23], [sflag:$0x7] =	stream.linear.gather @!p0 [hbm4b:s25+s21], $0x80, $0x38;
	[tilespmem:$0x18280] =	vst v63  }
.Ltmp1:
0x152: {  	_ = 	snop;
	(pc) =	sbr.rel @p1 .LBB2_4-.Ltmp1, $4  }
0x153: {  	s15 =	simm.s32 @!p0 $0x7  }
0x154: {  	[tilespmem:s7], [sflag:$0x7] =	stream.linear.gather @!p0 [hbm4b:s26+s21], $0x80, $0x38;
	[tilespmem:$0x18280] =	vst v63  }
0x155: {  	_ =	swait.ge @!p0 [sflag:s15], $0x400  }
0x156: {  	s14 =	sadd.s32 $0x1, s14;
	[sflag:s15] =	ssyncset.done @!p0 $0x0  }
0x157: {  	[sflag:s15] =	ssyncadd.s32 @!p0 $0xFFFFFC00;
	s12 =	simm.s32 $0x0;
	s7 =	rddreg [dreg:$0x7]  }
0x158: {  	[hbm4b:s7+s12] =	stream.linear.scatter [tilespmem:s11], [sflag:$0x5], $0x8000, $0x38;
	[tilespmem:$0x18280] =	vst v63  }
0x159: {  	_ =	swait.ge [sflag:s0], $0x8000  }
0x15a: {  	[sflag:s0] =	ssyncset.done $0x0  }
0x15b: {  	[sflag:s0] =	ssyncadd.s32 $0xFFFF8000  }
0x15c: {  	v3 =	vld [tilespmem:$0x200];
	_ =	sdelay $0x4  }
0x15d: {  	v4 =	vshll.u32 v3, $0x3  }
0x15e: {  	v3 =	vand.u32 $0x7, v3;
	v4 =	vand.u32 $0xFFFFFFC0, v4  }
0x15f: {  	v3 =	vor.u32 v3, v4  }
0x160: {  	v4 =	vperm.xlane v3, v0;
	_ =	sdelay $0x1  }
0x161: {  	v4 =	vadd.s32 v1, v4;
	_ =	sdelay $0x4  }
0x162: {  	[tilespmem:s11], [sflag:$0x2] =	stream.indirect_vreg.gather [hbm4b:s1+s12], $0x80, v4, vm0, $0xb8;
	[tilespmem:$0x18280] =	vst v63  }
0x163: {  	s24 =	simm.s32 $0x8A80;
	v3 =	vperm.xlane v3, v2  }
0x164: {  	[tilespmem:s24], [sflag:$0x2] =	stream.indirect_vreg.gather [hbm4b:s6+s12], $0x80, v4, vm0, $0xb8;
	[tilespmem:$0x18280] =	vst v63  }
0x165: {  	s25 =	simm.s32 $0x9280;
	v3 =	vadd.s32 v1, v3  }
0x166: {  	[tilespmem:s25], [sflag:$0x2] =	stream.indirect_vreg.gather [hbm4b:s8+s12], $0x80, v4, vm0, $0xb8;
	[tilespmem:$0x18280] =	vst v63  }
0x167: {  	s26 =	simm.s32 $0x9A80  }
0x168: {  	[tilespmem:s26], [sflag:$0x2] =	stream.indirect_vreg.gather [hbm4b:s9+s12], $0x80, v4, vm0, $0xb8;
	[tilespmem:$0x18280] =	vst v63  }
0x169: {  	s13 =	simm.s32 $0xA280  }
0x16a: {  	[tilespmem:s13], [sflag:$0x2] =	stream.indirect_vreg.gather [hbm4b:s1+s12], $0x80, v3, vm0, $0xb8;
	[tilespmem:$0x18280] =	vst v63  }
0x16b: {  	s14 =	simm.s32 $0xAA80  }
0x16c: {  	[tilespmem:s14], [sflag:$0x2] =	stream.indirect_vreg.gather [hbm4b:s6+s12], $0x80, v3, vm0, $0xb8;
	[tilespmem:$0x18280] =	vst v63  }
0x16d: {  	s15 =	simm.s32 $0xB280  }
0x16e: {  	[tilespmem:s15], [sflag:$0x2] =	stream.indirect_vreg.gather [hbm4b:s8+s12], $0x80, v3, vm0, $0xb8;
	[tilespmem:$0x18280] =	vst v63  }
0x16f: {  	s16 =	simm.s32 $0xBA80  }
0x170: {  	[tilespmem:s16], [sflag:$0x2] =	stream.indirect_vreg.gather [hbm4b:s9+s12], $0x80, v3, vm0, $0xb8;
	[tilespmem:$0x18280] =	vst v63  }
0x171: {  	v3 =	vld [tilespmem:$0x210];
	_ =	sdelay $0x4  }
0x172: {  	v63 =	vshll.u32 v3, $0x3  }
0x173: {  	v3 =	vand.u32 $0x7, v3;
	v4 =	vand.u32 $0xFFFFFFC0, v63  }
0x174: {  	v3 =	vor.u32 v3, v4  }
0x175: {  	v4 =	vperm.xlane v3, v0;
	_ =	sdelay $0x1  }
0x176: {  	v4 =	vadd.s32 v1, v4;
	_ =	sdelay $0x3  }
0x177: {  	s17 =	simm.s32 $0xC280  }
0x178: {  	[tilespmem:s17], [sflag:$0x2] =	stream.indirect_vreg.gather [hbm4b:s1+s12], $0x80, v4, vm0, $0xb8;
	[tilespmem:$0x18280] =	vst v63  }
0x179: {  	s18 =	simm.s32 $0xCA80;
	v3 =	vperm.xlane v3, v2  }
0x17a: {  	[tilespmem:s18], [sflag:$0x2] =	stream.indirect_vreg.gather [hbm4b:s6+s12], $0x80, v4, vm0, $0xb8;
	[tilespmem:$0x18280] =	vst v63  }
0x17b: {  	s20 =	simm.s32 $0xD280;
	v3 =	vadd.s32 v1, v3  }
0x17c: {  	[tilespmem:s20], [sflag:$0x2] =	stream.indirect_vreg.gather [hbm4b:s8+s12], $0x80, v4, vm0, $0xb8;
	[tilespmem:$0x18280] =	vst v63  }
0x17d: {  	s21 =	simm.s32 $0xDA80  }
0x17e: {  	[tilespmem:s21], [sflag:$0x2] =	stream.indirect_vreg.gather [hbm4b:s9+s12], $0x80, v4, vm0, $0xb8;
	[tilespmem:$0x18280] =	vst v63  }
0x17f: {  	s22 =	simm.s32 $0xE280  }
0x180: {  	[tilespmem:s22], [sflag:$0x2] =	stream.indirect_vreg.gather [hbm4b:s1+s12], $0x80, v3, vm0, $0xb8;
	[tilespmem:$0x18280] =	vst v63  }
0x181: {  	s23 =	simm.s32 $0xEA80  }
0x182: {  	[tilespmem:s23], [sflag:$0x2] =	stream.indirect_vreg.gather [hbm4b:s6+s12], $0x80, v3, vm0, $0xb8;
	[tilespmem:$0x18280] =	vst v63  }
0x183: {  	s24 =	simm.s32 $0xF280  }
0x184: {  	[tilespmem:s24], [sflag:$0x2] =	stream.indirect_vreg.gather [hbm4b:s8+s12], $0x80, v3, vm0, $0xb8;
	[tilespmem:$0x18280] =	vst v63  }
0x185: {  	s25 =	simm.s32 $0xFA80  }
0x186: {  	[tilespmem:s25], [sflag:$0x2] =	stream.indirect_vreg.gather [hbm4b:s9+s12], $0x80, v3, vm0, $0xb8;
	[tilespmem:$0x18280] =	vst v63  }
0x187: {  	_ =	swait.ge [sflag:s2], $0x8000  }
0x188: {  	[sflag:s2] =	ssyncset.done $0x0  }
0x189: {  	s26 =	simm.s32 $0x40;
	[sflag:s2] =	ssyncadd.s32 $0xFFFF8000  }
0x18a: {  	v3 =	vld [tilespmem:s26+$0x0];
	_ =	sdelay $0x4  }
0x18b: {  	(v2sf) =	vpush v3, $0x0;
	_ =	sdelay $0xe  }
0x18c: {  	s7 =	spop (v2sf)  }
0x18d: {  	p0 =	slt.s32 s7, $0x7D00  }
0x18e: {  	s13 =	sshll.u32 @!p0 s7, $0xA;
	s7 =	sshll.u32 @!p0 s7, $0x7  }
0x18f: {  	s13 =	sand.u32 @!p0 $0xFFFFE000, s13;
	s7 =	sand.u32 @!p0 $0x380, s7  }
0x190: {  	s7 =	sor.u32 @!p0 s7, s13  }
0x191: {  	s14 =	sand.u32 @!p0 $0x6000, s12;
	s13 =	sand.u32 @!p0 $0x380, s12;
	s7 =	sadd.s32 @!p0 $0xFE0C0000, s7  }
0x192: {  	s13 =	sor.u32 @!p0 s13, s14;
	s7 =	sshrl.u32 @!p0 s7, $0x3  }
0x193: {  	s14 =	simm.s32 @!p0 $0x0;
	s13 =	sadd.s32 @!p0 $0x10280, s13;
	s7 =	sadd.s32 @!p0 s3, s7  }
0x194: {  	[tilespmem:s13], [sflag:$0x7] =	stream.linear.gather @!p0 [hbm4b:s7+s14], $0x80, $0x38;
	[tilespmem:$0x18280] =	vst v63  }
0x195: {  	s15 =	sadd.s32 @!p0 $0x400, s13;
	s16 =	sadd.s32 @!p0 $0x80, s7  }
0x196: {  	[tilespmem:s15], [sflag:$0x7] =	stream.linear.gather @!p0 [hbm4b:s16+s14], $0x80, $0x38;
	[tilespmem:$0x18280] =	vst v63  }
0x197: {  	s15 =	sor.u32 @!p0 $0x800, s13;
	s16 =	sadd.s32 @!p0 $0x100, s7  }
0x198: {  	[tilespmem:s15], [sflag:$0x7] =	stream.linear.gather @!p0 [hbm4b:s16+s14], $0x80, $0x38;
	[tilespmem:$0x18280] =	vst v63  }
0x199: {  	s15 =	sadd.s32 @!p0 $0xC00, s13;
	s16 =	sadd.s32 @!p0 $0x180, s7  }
0x19a: {  	[tilespmem:s15], [sflag:$0x7] =	stream.linear.gather @!p0 [hbm4b:s16+s14], $0x80, $0x38;
	[tilespmem:$0x18280] =	vst v63  }
0x19b: {  	s15 =	sadd.s32 @!p0 $0x200, s7;
	s16 =	sor.u32 @!p0 $0x1000, s13  }
0x19c: {  	[tilespmem:s16], [sflag:$0x7] =	stream.linear.gather @!p0 [hbm4b:s15+s14], $0x80, $0x38;
	[tilespmem:$0x18280] =	vst v63  }
0x19d: {  	s15 =	sadd.s32 @!p0 $0x280, s7;
	s16 =	sadd.s32 @!p0 $0x1400, s13  }
0x19e: {  	[tilespmem:s16], [sflag:$0x7] =	stream.linear.gather @!p0 [hbm4b:s15+s14], $0x80, $0x38;
	[tilespmem:$0x18280] =	vst v63  }
0x19f: {  	s15 =	sadd.s32 @!p0 $0x300, s7;
	s16 =	sor.u32 @!p0 $0x1800, s13  }
0x1a0: {  	[tilespmem:s16], [sflag:$0x7] =	stream.linear.gather @!p0 [hbm4b:s15+s14], $0x80, $0x38;
	[tilespmem:$0x18280] =	vst v63  }
0x1a1: {  	s7 =	sadd.s32 @!p0 $0x380, s7;
	s13 =	sadd.s32 @!p0 $0x1C00, s13;
	s15 =	simm.s32 @!p0 $0x7  }
0x1a2: {  	[tilespmem:s13], [sflag:$0x7] =	stream.linear.gather @!p0 [hbm4b:s7+s14], $0x80, $0x38;
	[tilespmem:$0x18280] =	vst v63  }
0x1a3: {  	_ =	swait.ge @!p0 [sflag:s15], $0x400  }
0x1a4: {  	s13 =	simm.s32 $0x400;
	s14 =	simm.s32 $0x41;
	[sflag:s15] =	ssyncset.done @!p0 $0x0  }
.LBB2_6:
0x1a5: {  	[sflag:s15] =	ssyncadd.s32 @!p0 $0xFFFFFC00  }
0x1a6: {  	s12 =	sadd.s32 $0x80, s12;
	s7 =	smov.u32 s13;
	s13 =	sadd.s32 $0x400, s13  }
0x1a7: {  	p1 =	sne.s32 s13, $0x8000  }
0x1a8: {  	v3 =	vld [tilespmem:s14+$0x0];
	_ =	sdelay $0x4  }
0x1a9: {  	(v2sf) =	vpush v3, $0x0;
	_ =	sdelay $0xe  }
0x1aa: {  	s15 =	spop (v2sf)  }
0x1ab: {  	p0 =	slt.s32 s15, $0x7D00  }
0x1ac: {  	s16 =	sshll.u32 @!p0 s15, $0xA;
	s15 =	sshll.u32 @!p0 s15, $0x7;
	s17 =	sand.u32 @!p0 $0x380, s12  }
0x1ad: {  	s7 =	sand.u32 @!p0 $0x6000, s7;
	s16 =	sand.u32 @!p0 $0xFFFFE000, s16;
	s15 =	sand.u32 @!p0 $0x380, s15  }
0x1ae: {  	s7 =	sor.u32 @!p0 s17, s7;
	s15 =	sor.u32 @!p0 s15, s16  }
0x1af: {  	s7 =	sadd.s32 @!p0 $0x10280, s7;
	s15 =	sadd.s32 @!p0 $0xFE0C0000, s15  }
0x1b0: {  	s16 =	sadd.s32 @!p0 $0x400, s7;
	s17 =	sor.u32 @!p0 $0x800, s7;
	s15 =	sshrl.u32 @!p0 s15, $0x3  }
0x1b1: {  	s18 =	simm.s32 @!p0 $0x0;
	s20 =	sadd.s32 @!p0 $0xC00, s7;
	s15 =	sadd.s32 @!p0 s3, s15  }
0x1b2: {  	[tilespmem:s7], [sflag:$0x7] =	stream.linear.gather @!p0 [hbm4b:s15+s18], $0x80, $0x38;
	[tilespmem:$0x18280] =	vst v63  }
0x1b3: {  	s21 =	sadd.s32 @!p0 $0x80, s15;
	s22 =	sadd.s32 @!p0 $0x100, s15;
	s23 =	sadd.s32 @!p0 $0x180, s15  }
0x1b4: {  	[tilespmem:s16], [sflag:$0x7] =	stream.linear.gather @!p0 [hbm4b:s21+s18], $0x80, $0x38;
	[tilespmem:$0x18280] =	vst v63  }
0x1b5: {  	s24 =	sadd.s32 @!p0 $0x280, s15;
	s16 =	sadd.s32 @!p0 $0x200, s15;
	s21 =	sor.u32 @!p0 $0x1000, s7  }
0x1b6: {  	[tilespmem:s17], [sflag:$0x7] =	stream.linear.gather @!p0 [hbm4b:s22+s18], $0x80, $0x38;
	[tilespmem:$0x18280] =	vst v63  }
0x1b7: {  	s25 =	sor.u32 @!p0 $0x1800, s7;
	s17 =	sadd.s32 @!p0 $0x1400, s7;
	s22 =	sadd.s32 @!p0 $0x300, s15  }
0x1b8: {  	[tilespmem:s20], [sflag:$0x7] =	stream.linear.gather @!p0 [hbm4b:s23+s18], $0x80, $0x38;
	[tilespmem:$0x18280] =	vst v63  }
0x1b9: {  	s7 =	sadd.s32 @!p0 $0x1C00, s7;
	s20 =	sadd.s32 @!p0 $0x380, s15  }
0x1ba: {  	[tilespmem:s21], [sflag:$0x7] =	stream.linear.gather @!p0 [hbm4b:s16+s18], $0x80, $0x38;
	[tilespmem:$0x18280] =	vst v63  }
0x1bb: {  	_ = 	snop  }
0x1bc: {  	[tilespmem:s17], [sflag:$0x7] =	stream.linear.gather @!p0 [hbm4b:s24+s18], $0x80, $0x38;
	[tilespmem:$0x18280] =	vst v63  }
0x1bd: {  	_ = 	snop  }
0x1be: {  	[tilespmem:s25], [sflag:$0x7] =	stream.linear.gather @!p0 [hbm4b:s22+s18], $0x80, $0x38;
	[tilespmem:$0x18280] =	vst v63  }
.Ltmp2:
0x1bf: {  	_ = 	snop;
	(pc) =	sbr.rel @p1 .LBB2_6-.Ltmp2, $4  }
0x1c0: {  	s15 =	simm.s32 @!p0 $0x7  }
0x1c1: {  	[tilespmem:s7], [sflag:$0x7] =	stream.linear.gather @!p0 [hbm4b:s20+s18], $0x80, $0x38;
	[tilespmem:$0x18280] =	vst v63  }
0x1c2: {  	_ =	swait.ge @!p0 [sflag:s15], $0x400  }
0x1c3: {  	s14 =	sadd.s32 $0x1, s14;
	[sflag:s15] =	ssyncset.done @!p0 $0x0  }
0x1c4: {  	[sflag:s15] =	ssyncadd.s32 @!p0 $0xFFFFFC00;
	s12 =	simm.s32 $0x0;
	s7 =	rddreg [dreg:$0x8]  }
0x1c5: {  	[hbm4b:s7+s12] =	stream.linear.scatter [tilespmem:s28], [sflag:$0x6], $0x8000, $0x38;
	[tilespmem:$0x18280] =	vst v63  }
0x1c6: {  	_ =	swait.ge [sflag:s5], $0x8000  }
0x1c7: {  	[sflag:s5] =	ssyncset.done $0x0  }
0x1c8: {  	[sflag:s5] =	ssyncadd.s32 $0xFFFF8000  }
0x1c9: {  	v3 =	vld [tilespmem:$0x220];
	_ =	sdelay $0x4  }
0x1ca: {  	v4 =	vshll.u32 v3, $0x3  }
0x1cb: {  	v3 =	vand.u32 $0x7, v3;
	v4 =	vand.u32 $0xFFFFFFC0, v4  }
0x1cc: {  	v3 =	vor.u32 v3, v4  }
0x1cd: {  	v4 =	vperm.xlane v3, v0;
	_ =	sdelay $0x1  }
0x1ce: {  	v4 =	vadd.s32 v1, v4;
	_ =	sdelay $0x4  }
0x1cf: {  	[tilespmem:s28], [sflag:$0x3] =	stream.indirect_vreg.gather [hbm4b:s1+s12], $0x80, v4, vm0, $0xb8;
	[tilespmem:$0x18280] =	vst v63  }
0x1d0: {  	s24 =	simm.s32 $0x10A80;
	v3 =	vperm.xlane v3, v2  }
0x1d1: {  	[tilespmem:s24], [sflag:$0x3] =	stream.indirect_vreg.gather [hbm4b:s6+s12], $0x80, v4, vm0, $0xb8;
	[tilespmem:$0x18280] =	vst v63  }
0x1d2: {  	s25 =	simm.s32 $0x11280;
	v3 =	vadd.s32 v1, v3  }
0x1d3: {  	[tilespmem:s25], [sflag:$0x3] =	stream.indirect_vreg.gather [hbm4b:s8+s12], $0x80, v4, vm0, $0xb8;
	[tilespmem:$0x18280] =	vst v63  }
0x1d4: {  	s26 =	simm.s32 $0x11A80  }
0x1d5: {  	[tilespmem:s26], [sflag:$0x3] =	stream.indirect_vreg.gather [hbm4b:s9+s12], $0x80, v4, vm0, $0xb8;
	[tilespmem:$0x18280] =	vst v63  }
0x1d6: {  	s13 =	simm.s32 $0x12280  }
0x1d7: {  	[tilespmem:s13], [sflag:$0x3] =	stream.indirect_vreg.gather [hbm4b:s1+s12], $0x80, v3, vm0, $0xb8;
	[tilespmem:$0x18280] =	vst v63  }
0x1d8: {  	s14 =	simm.s32 $0x12A80  }
0x1d9: {  	[tilespmem:s14], [sflag:$0x3] =	stream.indirect_vreg.gather [hbm4b:s6+s12], $0x80, v3, vm0, $0xb8;
	[tilespmem:$0x18280] =	vst v63  }
0x1da: {  	s15 =	simm.s32 $0x13280  }
0x1db: {  	[tilespmem:s15], [sflag:$0x3] =	stream.indirect_vreg.gather [hbm4b:s8+s12], $0x80, v3, vm0, $0xb8;
	[tilespmem:$0x18280] =	vst v63  }
0x1dc: {  	s16 =	simm.s32 $0x13A80  }
0x1dd: {  	[tilespmem:s16], [sflag:$0x3] =	stream.indirect_vreg.gather [hbm4b:s9+s12], $0x80, v3, vm0, $0xb8;
	[tilespmem:$0x18280] =	vst v63  }
0x1de: {  	v3 =	vld [tilespmem:$0x230];
	_ =	sdelay $0x4  }
0x1df: {  	v63 =	vshll.u32 v3, $0x3  }
0x1e0: {  	v3 =	vand.u32 $0x7, v3;
	v4 =	vand.u32 $0xFFFFFFC0, v63  }
0x1e1: {  	v3 =	vor.u32 v3, v4  }
0x1e2: {  	v4 =	vperm.xlane v3, v0;
	_ =	sdelay $0x1  }
0x1e3: {  	v4 =	vadd.s32 v1, v4;
	_ =	sdelay $0x3  }
0x1e4: {  	s17 =	simm.s32 $0x14280  }
0x1e5: {  	[tilespmem:s17], [sflag:$0x3] =	stream.indirect_vreg.gather [hbm4b:s1+s12], $0x80, v4, vm0, $0xb8;
	[tilespmem:$0x18280] =	vst v63  }
0x1e6: {  	s18 =	simm.s32 $0x14A80;
	v3 =	vperm.xlane v3, v2  }
0x1e7: {  	[tilespmem:s18], [sflag:$0x3] =	stream.indirect_vreg.gather [hbm4b:s6+s12], $0x80, v4, vm0, $0xb8;
	[tilespmem:$0x18280] =	vst v63  }
0x1e8: {  	s20 =	simm.s32 $0x15280;
	v3 =	vadd.s32 v1, v3  }
0x1e9: {  	[tilespmem:s20], [sflag:$0x3] =	stream.indirect_vreg.gather [hbm4b:s8+s12], $0x80, v4, vm0, $0xb8;
	[tilespmem:$0x18280] =	vst v63  }
0x1ea: {  	s21 =	simm.s32 $0x15A80  }
0x1eb: {  	[tilespmem:s21], [sflag:$0x3] =	stream.indirect_vreg.gather [hbm4b:s9+s12], $0x80, v4, vm0, $0xb8;
	[tilespmem:$0x18280] =	vst v63  }
0x1ec: {  	s22 =	simm.s32 $0x16280  }
0x1ed: {  	[tilespmem:s22], [sflag:$0x3] =	stream.indirect_vreg.gather [hbm4b:s1+s12], $0x80, v3, vm0, $0xb8;
	[tilespmem:$0x18280] =	vst v63  }
0x1ee: {  	s23 =	simm.s32 $0x16A80  }
0x1ef: {  	[tilespmem:s23], [sflag:$0x3] =	stream.indirect_vreg.gather [hbm4b:s6+s12], $0x80, v3, vm0, $0xb8;
	[tilespmem:$0x18280] =	vst v63  }
0x1f0: {  	s24 =	simm.s32 $0x17280  }
0x1f1: {  	[tilespmem:s24], [sflag:$0x3] =	stream.indirect_vreg.gather [hbm4b:s8+s12], $0x80, v3, vm0, $0xb8;
	[tilespmem:$0x18280] =	vst v63  }
0x1f2: {  	s25 =	simm.s32 $0x17A80  }
0x1f3: {  	[tilespmem:s25], [sflag:$0x3] =	stream.indirect_vreg.gather [hbm4b:s9+s12], $0x80, v3, vm0, $0xb8;
	[tilespmem:$0x18280] =	vst v63  }
0x1f4: {  	_ =	swait.ge [sflag:s29], $0x8000  }
0x1f5: {  	[sflag:s29] =	ssyncset.done $0x0  }
0x1f6: {  	s26 =	simm.s32 $0x60;
	[sflag:s29] =	ssyncadd.s32 $0xFFFF8000  }
0x1f7: {  	v3 =	vld [tilespmem:s26+$0x0];
	_ =	sdelay $0x4  }
0x1f8: {  	(v2sf) =	vpush v3, $0x0;
	_ =	sdelay $0xe  }
0x1f9: {  	s7 =	spop (v2sf)  }
0x1fa: {  	p0 =	slt.s32 s7, $0x7D00  }
0x1fb: {  	s13 =	sshll.u32 @!p0 s7, $0xA;
	s7 =	sshll.u32 @!p0 s7, $0x7  }
0x1fc: {  	s13 =	sand.u32 @!p0 $0xFFFFE000, s13;
	s7 =	sand.u32 @!p0 $0x380, s7  }
0x1fd: {  	s7 =	sor.u32 @!p0 s7, s13  }
0x1fe: {  	s14 =	sand.u32 @!p0 $0x6000, s12;
	s13 =	sand.u32 @!p0 $0x380, s12;
	s7 =	sadd.s32 @!p0 $0xFE0C0000, s7  }
0x1ff: {  	s13 =	sor.u32 @!p0 s13, s14;
	s7 =	sshrl.u32 @!p0 s7, $0x3  }
0x200: {  	s15 =	simm.s32 @!p0 $0x0;
	s14 =	sadd.s32 @!p0 $0x280, s13;
	s7 =	sadd.s32 @!p0 s3, s7  }
0x201: {  	[tilespmem:s14], [sflag:$0x7] =	stream.linear.gather @!p0 [hbm4b:s7+s15], $0x80, $0x38;
	[tilespmem:$0x18280] =	vst v63  }
0x202: {  	s14 =	sadd.s32 @!p0 $0x680, s13;
	s16 =	sadd.s32 @!p0 $0x80, s7  }
0x203: {  	[tilespmem:s14], [sflag:$0x7] =	stream.linear.gather @!p0 [hbm4b:s16+s15], $0x80, $0x38;
	[tilespmem:$0x18280] =	vst v63  }
0x204: {  	s14 =	sadd.s32 @!p0 $0xA80, s13;
	s16 =	sadd.s32 @!p0 $0x100, s7  }
0x205: {  	[tilespmem:s14], [sflag:$0x7] =	stream.linear.gather @!p0 [hbm4b:s16+s15], $0x80, $0x38;
	[tilespmem:$0x18280] =	vst v63  }
0x206: {  	s14 =	sadd.s32 @!p0 $0xE80, s13;
	s16 =	sadd.s32 @!p0 $0x180, s7  }
0x207: {  	[tilespmem:s14], [sflag:$0x7] =	stream.linear.gather @!p0 [hbm4b:s16+s15], $0x80, $0x38;
	[tilespmem:$0x18280] =	vst v63  }
0x208: {  	s14 =	sadd.s32 @!p0 $0x1280, s13;
	s16 =	sadd.s32 @!p0 $0x200, s7  }
0x209: {  	[tilespmem:s14], [sflag:$0x7] =	stream.linear.gather @!p0 [hbm4b:s16+s15], $0x80, $0x38;
	[tilespmem:$0x18280] =	vst v63  }
0x20a: {  	s14 =	sadd.s32 @!p0 $0x280, s7;
	s16 =	sadd.s32 @!p0 $0x1680, s13  }
0x20b: {  	[tilespmem:s16], [sflag:$0x7] =	stream.linear.gather @!p0 [hbm4b:s14+s15], $0x80, $0x38;
	[tilespmem:$0x18280] =	vst v63  }
0x20c: {  	s14 =	sadd.s32 @!p0 $0x300, s7;
	s16 =	sadd.s32 @!p0 $0x1A80, s13  }
0x20d: {  	[tilespmem:s16], [sflag:$0x7] =	stream.linear.gather @!p0 [hbm4b:s14+s15], $0x80, $0x38;
	[tilespmem:$0x18280] =	vst v63  }
0x20e: {  	s7 =	sadd.s32 @!p0 $0x380, s7;
	s13 =	sadd.s32 @!p0 $0x1E80, s13  }
0x20f: {  	[tilespmem:s13], [sflag:$0x7] =	stream.linear.gather @!p0 [hbm4b:s7+s15], $0x80, $0x38;
	[tilespmem:$0x18280] =	vst v63  }
0x210: {  	s15 =	simm.s32 @!p0 $0x7  }
0x211: {  	_ =	swait.ge @!p0 [sflag:s15], $0x400  }
0x212: {  	s14 =	simm.s32 $0x61;
	s13 =	simm.s32 $0x400;
	[sflag:s15] =	ssyncset.done @!p0 $0x0  }
.LBB2_8:
0x213: {  	[sflag:s15] =	ssyncadd.s32 @!p0 $0xFFFFFC00  }
0x214: {  	s12 =	sadd.s32 $0x80, s12;
	s7 =	smov.u32 s13;
	s13 =	sadd.s32 $0x400, s13  }
0x215: {  	p1 =	sne.s32 s13, $0x8000  }
0x216: {  	v3 =	vld [tilespmem:s14+$0x0];
	_ =	sdelay $0x4  }
0x217: {  	(v2sf) =	vpush v3, $0x0;
	_ =	sdelay $0xe  }
0x218: {  	s15 =	spop (v2sf)  }
0x219: {  	p0 =	slt.s32 s15, $0x7D00  }
0x21a: {  	s16 =	sshll.u32 @!p0 s15, $0xA;
	s15 =	sshll.u32 @!p0 s15, $0x7;
	s17 =	sand.u32 @!p0 $0x380, s12  }
0x21b: {  	s7 =	sand.u32 @!p0 $0x6000, s7;
	s16 =	sand.u32 @!p0 $0xFFFFE000, s16;
	s15 =	sand.u32 @!p0 $0x380, s15  }
0x21c: {  	s7 =	sor.u32 @!p0 s17, s7;
	s15 =	sor.u32 @!p0 s15, s16  }
0x21d: {  	s16 =	sadd.s32 @!p0 $0x280, s7;
	s17 =	sadd.s32 @!p0 $0x680, s7;
	s15 =	sadd.s32 @!p0 $0xFE0C0000, s15  }
0x21e: {  	s18 =	sadd.s32 @!p0 $0xA80, s7;
	s20 =	sadd.s32 @!p0 $0xE80, s7;
	s15 =	sshrl.u32 @!p0 s15, $0x3  }
0x21f: {  	s21 =	simm.s32 @!p0 $0x0;
	s22 =	sadd.s32 @!p0 $0x1280, s7;
	s15 =	sadd.s32 @!p0 s3, s15  }
0x220: {  	[tilespmem:s16], [sflag:$0x7] =	stream.linear.gather @!p0 [hbm4b:s15+s21], $0x80, $0x38;
	[tilespmem:$0x18280] =	vst v63  }
0x221: {  	s16 =	sadd.s32 @!p0 $0x80, s15;
	s23 =	sadd.s32 @!p0 $0x100, s15;
	s24 =	sadd.s32 @!p0 $0x180, s15  }
0x222: {  	[tilespmem:s17], [sflag:$0x7] =	stream.linear.gather @!p0 [hbm4b:s16+s21], $0x80, $0x38;
	[tilespmem:$0x18280] =	vst v63  }
0x223: {  	s25 =	sadd.s32 @!p0 $0x300, s15;
	s16 =	sadd.s32 @!p0 $0x200, s15;
	s17 =	sadd.s32 @!p0 $0x280, s15  }
0x224: {  	[tilespmem:s18], [sflag:$0x7] =	stream.linear.gather @!p0 [hbm4b:s23+s21], $0x80, $0x38;
	[tilespmem:$0x18280] =	vst v63  }
0x225: {  	s26 =	sadd.s32 @!p0 $0x380, s15;
	s18 =	sadd.s32 @!p0 $0x1680, s7;
	s23 =	sadd.s32 @!p0 $0x1A80, s7  }
0x226: {  	[tilespmem:s20], [sflag:$0x7] =	stream.linear.gather @!p0 [hbm4b:s24+s21], $0x80, $0x38;
	[tilespmem:$0x18280] =	vst v63  }
0x227: {  	s7 =	sadd.s32 @!p0 $0x1E80, s7  }
0x228: {  	[tilespmem:s22], [sflag:$0x7] =	stream.linear.gather @!p0 [hbm4b:s16+s21], $0x80, $0x38;
	[tilespmem:$0x18280] =	vst v63  }
0x229: {  	_ = 	snop  }
0x22a: {  	[tilespmem:s18], [sflag:$0x7] =	stream.linear.gather @!p0 [hbm4b:s17+s21], $0x80, $0x38;
	[tilespmem:$0x18280] =	vst v63  }
0x22b: {  	_ = 	snop  }
0x22c: {  	[tilespmem:s23], [sflag:$0x7] =	stream.linear.gather @!p0 [hbm4b:s25+s21], $0x80, $0x38;
	[tilespmem:$0x18280] =	vst v63  }
.Ltmp3:
0x22d: {  	_ = 	snop;
	(pc) =	sbr.rel @p1 .LBB2_8-.Ltmp3, $4  }
0x22e: {  	s15 =	simm.s32 @!p0 $0x7  }
0x22f: {  	[tilespmem:s7], [sflag:$0x7] =	stream.linear.gather @!p0 [hbm4b:s26+s21], $0x80, $0x38;
	[tilespmem:$0x18280] =	vst v63  }
0x230: {  	_ =	swait.ge @!p0 [sflag:s15], $0x400  }
0x231: {  	s14 =	sadd.s32 $0x1, s14;
	[sflag:s15] =	ssyncset.done @!p0 $0x0  }
0x232: {  	[sflag:s15] =	ssyncadd.s32 @!p0 $0xFFFFFC00;
	s12 =	simm.s32 $0x0;
	s7 =	rddreg [dreg:$0x9]  }
0x233: {  	[hbm4b:s7+s12] =	stream.linear.scatter [tilespmem:s19], [sflag:$0x4], $0x8000, $0x38;
	[tilespmem:$0x18280] =	vst v63  }
0x234: {  	_ =	swait.ge [sflag:s30], $0x8000  }
0x235: {  	[sflag:s30] =	ssyncset.done $0x0  }
0x236: {  	[sflag:s30] =	ssyncadd.s32 $0xFFFF8000  }
0x237: {  	v3 =	vld [tilespmem:$0x240];
	_ =	sdelay $0x4  }
0x238: {  	v4 =	vshll.u32 v3, $0x3  }
0x239: {  	v3 =	vand.u32 $0x7, v3;
	v4 =	vand.u32 $0xFFFFFFC0, v4  }
0x23a: {  	v3 =	vor.u32 v3, v4  }
0x23b: {  	v4 =	vperm.xlane v3, v0;
	_ =	sdelay $0x1  }
0x23c: {  	v4 =	vadd.s32 v1, v4;
	_ =	sdelay $0x4  }
0x23d: {  	[tilespmem:s19], [sflag:$0x1] =	stream.indirect_vreg.gather [hbm4b:s1+s12], $0x80, v4, vm0, $0xb8;
	[tilespmem:$0x18280] =	vst v63  }
0x23e: {  	s24 =	simm.s32 $0xA80;
	v3 =	vperm.xlane v3, v2  }
0x23f: {  	[tilespmem:s24], [sflag:$0x1] =	stream.indirect_vreg.gather [hbm4b:s6+s12], $0x80, v4, vm0, $0xb8;
	[tilespmem:$0x18280] =	vst v63  }
0x240: {  	s25 =	simm.s32 $0x1280;
	v3 =	vadd.s32 v1, v3  }
0x241: {  	[tilespmem:s25], [sflag:$0x1] =	stream.indirect_vreg.gather [hbm4b:s8+s12], $0x80, v4, vm0, $0xb8;
	[tilespmem:$0x18280] =	vst v63  }
0x242: {  	s26 =	simm.s32 $0x1A80  }
0x243: {  	[tilespmem:s26], [sflag:$0x1] =	stream.indirect_vreg.gather [hbm4b:s9+s12], $0x80, v4, vm0, $0xb8;
	[tilespmem:$0x18280] =	vst v63  }
0x244: {  	s13 =	simm.s32 $0x2280  }
0x245: {  	[tilespmem:s13], [sflag:$0x1] =	stream.indirect_vreg.gather [hbm4b:s1+s12], $0x80, v3, vm0, $0xb8;
	[tilespmem:$0x18280] =	vst v63  }
0x246: {  	s14 =	simm.s32 $0x2A80  }
0x247: {  	[tilespmem:s14], [sflag:$0x1] =	stream.indirect_vreg.gather [hbm4b:s6+s12], $0x80, v3, vm0, $0xb8;
	[tilespmem:$0x18280] =	vst v63  }
0x248: {  	s15 =	simm.s32 $0x3280  }
0x249: {  	[tilespmem:s15], [sflag:$0x1] =	stream.indirect_vreg.gather [hbm4b:s8+s12], $0x80, v3, vm0, $0xb8;
	[tilespmem:$0x18280] =	vst v63  }
0x24a: {  	s16 =	simm.s32 $0x3A80  }
0x24b: {  	[tilespmem:s16], [sflag:$0x1] =	stream.indirect_vreg.gather [hbm4b:s9+s12], $0x80, v3, vm0, $0xb8;
	[tilespmem:$0x18280] =	vst v63  }
0x24c: {  	v3 =	vld [tilespmem:$0x250];
	_ =	sdelay $0x4  }
0x24d: {  	v63 =	vshll.u32 v3, $0x3  }
0x24e: {  	v3 =	vand.u32 $0x7, v3;
	v4 =	vand.u32 $0xFFFFFFC0, v63  }
0x24f: {  	v3 =	vor.u32 v3, v4  }
0x250: {  	v4 =	vperm.xlane v3, v0;
	_ =	sdelay $0x1  }
0x251: {  	v4 =	vadd.s32 v1, v4;
	_ =	sdelay $0x3  }
0x252: {  	s17 =	simm.s32 $0x4280  }
0x253: {  	[tilespmem:s17], [sflag:$0x1] =	stream.indirect_vreg.gather [hbm4b:s1+s12], $0x80, v4, vm0, $0xb8;
	[tilespmem:$0x18280] =	vst v63  }
0x254: {  	s18 =	simm.s32 $0x4A80;
	v3 =	vperm.xlane v3, v2  }
0x255: {  	[tilespmem:s18], [sflag:$0x1] =	stream.indirect_vreg.gather [hbm4b:s6+s12], $0x80, v4, vm0, $0xb8;
	[tilespmem:$0x18280] =	vst v63  }
0x256: {  	s20 =	simm.s32 $0x5280;
	v3 =	vadd.s32 v1, v3  }
0x257: {  	[tilespmem:s20], [sflag:$0x1] =	stream.indirect_vreg.gather [hbm4b:s8+s12], $0x80, v4, vm0, $0xb8;
	[tilespmem:$0x18280] =	vst v63  }
0x258: {  	s21 =	simm.s32 $0x5A80  }
0x259: {  	[tilespmem:s21], [sflag:$0x1] =	stream.indirect_vreg.gather [hbm4b:s9+s12], $0x80, v4, vm0, $0xb8;
	[tilespmem:$0x18280] =	vst v63  }
0x25a: {  	s22 =	simm.s32 $0x6280  }
0x25b: {  	[tilespmem:s22], [sflag:$0x1] =	stream.indirect_vreg.gather [hbm4b:s1+s12], $0x80, v3, vm0, $0xb8;
	[tilespmem:$0x18280] =	vst v63  }
0x25c: {  	s23 =	simm.s32 $0x6A80  }
0x25d: {  	[tilespmem:s23], [sflag:$0x1] =	stream.indirect_vreg.gather [hbm4b:s6+s12], $0x80, v3, vm0, $0xb8;
	[tilespmem:$0x18280] =	vst v63  }
0x25e: {  	s24 =	simm.s32 $0x7280  }
0x25f: {  	[tilespmem:s24], [sflag:$0x1] =	stream.indirect_vreg.gather [hbm4b:s8+s12], $0x80, v3, vm0, $0xb8;
	[tilespmem:$0x18280] =	vst v63  }
0x260: {  	s25 =	simm.s32 $0x7A80  }
0x261: {  	[tilespmem:s25], [sflag:$0x1] =	stream.indirect_vreg.gather [hbm4b:s9+s12], $0x80, v3, vm0, $0xb8;
	[tilespmem:$0x18280] =	vst v63  }
0x262: {  	_ =	swait.ge [sflag:s31], $0x8000  }
0x263: {  	[sflag:s31] =	ssyncset.done $0x0  }
0x264: {  	s26 =	simm.s32 $0x80;
	[sflag:s31] =	ssyncadd.s32 $0xFFFF8000  }
0x265: {  	v3 =	vld [tilespmem:s26+$0x0];
	_ =	sdelay $0x4  }
0x266: {  	(v2sf) =	vpush v3, $0x0;
	_ =	sdelay $0xe  }
0x267: {  	s7 =	spop (v2sf)  }
0x268: {  	p0 =	slt.s32 s7, $0x7D00  }
0x269: {  	s13 =	sshll.u32 @!p0 s7, $0xA;
	s7 =	sshll.u32 @!p0 s7, $0x7  }
0x26a: {  	s13 =	sand.u32 @!p0 $0xFFFFE000, s13;
	s7 =	sand.u32 @!p0 $0x380, s7  }
0x26b: {  	s7 =	sor.u32 @!p0 s7, s13  }
0x26c: {  	s14 =	sand.u32 @!p0 $0x6000, s12;
	s13 =	sand.u32 @!p0 $0x380, s12;
	s7 =	sadd.s32 @!p0 $0xFE0C0000, s7  }
0x26d: {  	s13 =	sor.u32 @!p0 s13, s14;
	s7 =	sshrl.u32 @!p0 s7, $0x3  }
0x26e: {  	s15 =	simm.s32 @!p0 $0x0;
	s14 =	sadd.s32 @!p0 $0x8280, s13;
	s7 =	sadd.s32 @!p0 s3, s7  }
0x26f: {  	[tilespmem:s14], [sflag:$0x7] =	stream.linear.gather @!p0 [hbm4b:s7+s15], $0x80, $0x38;
	[tilespmem:$0x18280] =	vst v63  }
0x270: {  	s14 =	sadd.s32 @!p0 $0x8680, s13;
	s16 =	sadd.s32 @!p0 $0x80, s7  }
0x271: {  	[tilespmem:s14], [sflag:$0x7] =	stream.linear.gather @!p0 [hbm4b:s16+s15], $0x80, $0x38;
	[tilespmem:$0x18280] =	vst v63  }
0x272: {  	s14 =	sadd.s32 @!p0 $0x8A80, s13;
	s16 =	sadd.s32 @!p0 $0x100, s7  }
0x273: {  	[tilespmem:s14], [sflag:$0x7] =	stream.linear.gather @!p0 [hbm4b:s16+s15], $0x80, $0x38;
	[tilespmem:$0x18280] =	vst v63  }
0x274: {  	s14 =	sadd.s32 @!p0 $0x8E80, s13;
	s16 =	sadd.s32 @!p0 $0x180, s7  }
0x275: {  	[tilespmem:s14], [sflag:$0x7] =	stream.linear.gather @!p0 [hbm4b:s16+s15], $0x80, $0x38;
	[tilespmem:$0x18280] =	vst v63  }
0x276: {  	s14 =	sadd.s32 @!p0 $0x9280, s13;
	s16 =	sadd.s32 @!p0 $0x200, s7  }
0x277: {  	[tilespmem:s14], [sflag:$0x7] =	stream.linear.gather @!p0 [hbm4b:s16+s15], $0x80, $0x38;
	[tilespmem:$0x18280] =	vst v63  }
0x278: {  	s14 =	sadd.s32 @!p0 $0x280, s7;
	s16 =	sadd.s32 @!p0 $0x9680, s13  }
0x279: {  	[tilespmem:s16], [sflag:$0x7] =	stream.linear.gather @!p0 [hbm4b:s14+s15], $0x80, $0x38;
	[tilespmem:$0x18280] =	vst v63  }
0x27a: {  	s14 =	sadd.s32 @!p0 $0x300, s7;
	s16 =	sadd.s32 @!p0 $0x9A80, s13  }
0x27b: {  	[tilespmem:s16], [sflag:$0x7] =	stream.linear.gather @!p0 [hbm4b:s14+s15], $0x80, $0x38;
	[tilespmem:$0x18280] =	vst v63  }
0x27c: {  	s7 =	sadd.s32 @!p0 $0x380, s7;
	s13 =	sadd.s32 @!p0 $0x9E80, s13  }
0x27d: {  	[tilespmem:s13], [sflag:$0x7] =	stream.linear.gather @!p0 [hbm4b:s7+s15], $0x80, $0x38;
	[tilespmem:$0x18280] =	vst v63  }
0x27e: {  	s15 =	simm.s32 @!p0 $0x7  }
0x27f: {  	_ =	swait.ge @!p0 [sflag:s15], $0x400  }
0x280: {  	s14 =	simm.s32 $0x81;
	s13 =	simm.s32 $0x400;
	[sflag:s15] =	ssyncset.done @!p0 $0x0  }
.LBB2_10:
0x281: {  	[sflag:s15] =	ssyncadd.s32 @!p0 $0xFFFFFC00  }
0x282: {  	s12 =	sadd.s32 $0x80, s12;
	s7 =	smov.u32 s13;
	s13 =	sadd.s32 $0x400, s13  }
0x283: {  	p1 =	sne.s32 s13, $0x8000  }
0x284: {  	v3 =	vld [tilespmem:s14+$0x0];
	_ =	sdelay $0x4  }
0x285: {  	(v2sf) =	vpush v3, $0x0;
	_ =	sdelay $0xe  }
0x286: {  	s15 =	spop (v2sf)  }
0x287: {  	p0 =	slt.s32 s15, $0x7D00  }
0x288: {  	s16 =	sshll.u32 @!p0 s15, $0xA;
	s15 =	sshll.u32 @!p0 s15, $0x7;
	s17 =	sand.u32 @!p0 $0x380, s12  }
0x289: {  	s7 =	sand.u32 @!p0 $0x6000, s7;
	s16 =	sand.u32 @!p0 $0xFFFFE000, s16;
	s15 =	sand.u32 @!p0 $0x380, s15  }
0x28a: {  	s7 =	sor.u32 @!p0 s17, s7;
	s15 =	sor.u32 @!p0 s15, s16  }
0x28b: {  	s16 =	sadd.s32 @!p0 $0x8280, s7;
	s17 =	sadd.s32 @!p0 $0x8680, s7;
	s15 =	sadd.s32 @!p0 $0xFE0C0000, s15  }
0x28c: {  	s18 =	sadd.s32 @!p0 $0x8A80, s7;
	s20 =	sadd.s32 @!p0 $0x8E80, s7;
	s15 =	sshrl.u32 @!p0 s15, $0x3  }
0x28d: {  	s21 =	simm.s32 @!p0 $0x0;
	s22 =	sadd.s32 @!p0 $0x9280, s7;
	s15 =	sadd.s32 @!p0 s3, s15  }
0x28e: {  	[tilespmem:s16], [sflag:$0x7] =	stream.linear.gather @!p0 [hbm4b:s15+s21], $0x80, $0x38;
	[tilespmem:$0x18280] =	vst v63  }
0x28f: {  	s16 =	sadd.s32 @!p0 $0x80, s15;
	s23 =	sadd.s32 @!p0 $0x100, s15;
	s24 =	sadd.s32 @!p0 $0x180, s15  }
0x290: {  	[tilespmem:s17], [sflag:$0x7] =	stream.linear.gather @!p0 [hbm4b:s16+s21], $0x80, $0x38;
	[tilespmem:$0x18280] =	vst v63  }
0x291: {  	s25 =	sadd.s32 @!p0 $0x300, s15;
	s16 =	sadd.s32 @!p0 $0x200, s15;
	s17 =	sadd.s32 @!p0 $0x280, s15  }
0x292: {  	[tilespmem:s18], [sflag:$0x7] =	stream.linear.gather @!p0 [hbm4b:s23+s21], $0x80, $0x38;
	[tilespmem:$0x18280] =	vst v63  }
0x293: {  	s26 =	sadd.s32 @!p0 $0x380, s15;
	s18 =	sadd.s32 @!p0 $0x9680, s7;
	s23 =	sadd.s32 @!p0 $0x9A80, s7  }
0x294: {  	[tilespmem:s20], [sflag:$0x7] =	stream.linear.gather @!p0 [hbm4b:s24+s21], $0x80, $0x38;
	[tilespmem:$0x18280] =	vst v63  }
0x295: {  	s7 =	sadd.s32 @!p0 $0x9E80, s7  }
0x296: {  	[tilespmem:s22], [sflag:$0x7] =	stream.linear.gather @!p0 [hbm4b:s16+s21], $0x80, $0x38;
	[tilespmem:$0x18280] =	vst v63  }
0x297: {  	_ = 	snop  }
0x298: {  	[tilespmem:s18], [sflag:$0x7] =	stream.linear.gather @!p0 [hbm4b:s17+s21], $0x80, $0x38;
	[tilespmem:$0x18280] =	vst v63  }
0x299: {  	_ = 	snop  }
0x29a: {  	[tilespmem:s23], [sflag:$0x7] =	stream.linear.gather @!p0 [hbm4b:s25+s21], $0x80, $0x38;
	[tilespmem:$0x18280] =	vst v63  }
.Ltmp4:
0x29b: {  	_ = 	snop;
	(pc) =	sbr.rel @p1 .LBB2_10-.Ltmp4, $4  }
0x29c: {  	s15 =	simm.s32 @!p0 $0x7  }
0x29d: {  	[tilespmem:s7], [sflag:$0x7] =	stream.linear.gather @!p0 [hbm4b:s26+s21], $0x80, $0x38;
	[tilespmem:$0x18280] =	vst v63  }
0x29e: {  	_ =	swait.ge @!p0 [sflag:s15], $0x400  }
0x29f: {  	s14 =	sadd.s32 $0x1, s14;
	[sflag:s15] =	ssyncset.done @!p0 $0x0  }
0x2a0: {  	[sflag:s15] =	ssyncadd.s32 @!p0 $0xFFFFFC00;
	s12 =	simm.s32 $0x0;
	s7 =	rddreg [dreg:$0xa]  }
0x2a1: {  	[hbm4b:s7+s12] =	stream.linear.scatter [tilespmem:s11], [sflag:$0x5], $0x8000, $0x38;
	[tilespmem:$0x18280] =	vst v63  }
0x2a2: {  	_ =	swait.ge [sflag:s0], $0x8000  }
0x2a3: {  	[sflag:s0] =	ssyncset.done $0x0  }
0x2a4: {  	[sflag:s0] =	ssyncadd.s32 $0xFFFF8000  }
0x2a5: {  	v3 =	vld [tilespmem:$0x260];
	_ =	sdelay $0x4  }
0x2a6: {  	v4 =	vshll.u32 v3, $0x3  }
0x2a7: {  	v3 =	vand.u32 $0x7, v3;
	v4 =	vand.u32 $0xFFFFFFC0, v4  }
0x2a8: {  	v3 =	vor.u32 v3, v4  }
0x2a9: {  	v4 =	vperm.xlane v3, v0;
	_ =	sdelay $0x1  }
0x2aa: {  	v4 =	vadd.s32 v1, v4;
	_ =	sdelay $0x4  }
0x2ab: {  	[tilespmem:s11], [sflag:$0x2] =	stream.indirect_vreg.gather [hbm4b:s1+s12], $0x80, v4, vm0, $0xb8;
	[tilespmem:$0x18280] =	vst v63  }
0x2ac: {  	s24 =	simm.s32 $0x8A80;
	v3 =	vperm.xlane v3, v2  }
0x2ad: {  	[tilespmem:s24], [sflag:$0x2] =	stream.indirect_vreg.gather [hbm4b:s6+s12], $0x80, v4, vm0, $0xb8;
	[tilespmem:$0x18280] =	vst v63  }
0x2ae: {  	s25 =	simm.s32 $0x9280;
	v3 =	vadd.s32 v1, v3  }
0x2af: {  	[tilespmem:s25], [sflag:$0x2] =	stream.indirect_vreg.gather [hbm4b:s8+s12], $0x80, v4, vm0, $0xb8;
	[tilespmem:$0x18280] =	vst v63  }
0x2b0: {  	s26 =	simm.s32 $0x9A80  }
0x2b1: {  	[tilespmem:s26], [sflag:$0x2] =	stream.indirect_vreg.gather [hbm4b:s9+s12], $0x80, v4, vm0, $0xb8;
	[tilespmem:$0x18280] =	vst v63  }
0x2b2: {  	s13 =	simm.s32 $0xA280  }
0x2b3: {  	[tilespmem:s13], [sflag:$0x2] =	stream.indirect_vreg.gather [hbm4b:s1+s12], $0x80, v3, vm0, $0xb8;
	[tilespmem:$0x18280] =	vst v63  }
0x2b4: {  	s14 =	simm.s32 $0xAA80  }
0x2b5: {  	[tilespmem:s14], [sflag:$0x2] =	stream.indirect_vreg.gather [hbm4b:s6+s12], $0x80, v3, vm0, $0xb8;
	[tilespmem:$0x18280] =	vst v63  }
0x2b6: {  	s15 =	simm.s32 $0xB280  }
0x2b7: {  	[tilespmem:s15], [sflag:$0x2] =	stream.indirect_vreg.gather [hbm4b:s8+s12], $0x80, v3, vm0, $0xb8;
	[tilespmem:$0x18280] =	vst v63  }
0x2b8: {  	s16 =	simm.s32 $0xBA80  }
0x2b9: {  	[tilespmem:s16], [sflag:$0x2] =	stream.indirect_vreg.gather [hbm4b:s9+s12], $0x80, v3, vm0, $0xb8;
	[tilespmem:$0x18280] =	vst v63  }
0x2ba: {  	v3 =	vld [tilespmem:$0x270];
	_ =	sdelay $0x4  }
0x2bb: {  	v63 =	vshll.u32 v3, $0x3  }
0x2bc: {  	v3 =	vand.u32 $0x7, v3;
	v4 =	vand.u32 $0xFFFFFFC0, v63  }
0x2bd: {  	v3 =	vor.u32 v3, v4  }
0x2be: {  	v4 =	vperm.xlane v3, v0;
	_ =	sdelay $0x1  }
0x2bf: {  	v4 =	vadd.s32 v1, v4;
	_ =	sdelay $0x3  }
0x2c0: {  	s17 =	simm.s32 $0xC280  }
0x2c1: {  	[tilespmem:s17], [sflag:$0x2] =	stream.indirect_vreg.gather [hbm4b:s1+s12], $0x80, v4, vm0, $0xb8;
	[tilespmem:$0x18280] =	vst v63  }
0x2c2: {  	s18 =	simm.s32 $0xCA80;
	v3 =	vperm.xlane v3, v2  }
0x2c3: {  	[tilespmem:s18], [sflag:$0x2] =	stream.indirect_vreg.gather [hbm4b:s6+s12], $0x80, v4, vm0, $0xb8;
	[tilespmem:$0x18280] =	vst v63  }
0x2c4: {  	s20 =	simm.s32 $0xD280;
	v3 =	vadd.s32 v1, v3  }
0x2c5: {  	[tilespmem:s20], [sflag:$0x2] =	stream.indirect_vreg.gather [hbm4b:s8+s12], $0x80, v4, vm0, $0xb8;
	[tilespmem:$0x18280] =	vst v63  }
0x2c6: {  	s21 =	simm.s32 $0xDA80  }
0x2c7: {  	[tilespmem:s21], [sflag:$0x2] =	stream.indirect_vreg.gather [hbm4b:s9+s12], $0x80, v4, vm0, $0xb8;
	[tilespmem:$0x18280] =	vst v63  }
0x2c8: {  	s22 =	simm.s32 $0xE280  }
0x2c9: {  	[tilespmem:s22], [sflag:$0x2] =	stream.indirect_vreg.gather [hbm4b:s1+s12], $0x80, v3, vm0, $0xb8;
	[tilespmem:$0x18280] =	vst v63  }
0x2ca: {  	s23 =	simm.s32 $0xEA80  }
0x2cb: {  	[tilespmem:s23], [sflag:$0x2] =	stream.indirect_vreg.gather [hbm4b:s6+s12], $0x80, v3, vm0, $0xb8;
	[tilespmem:$0x18280] =	vst v63  }
0x2cc: {  	s24 =	simm.s32 $0xF280  }
0x2cd: {  	[tilespmem:s24], [sflag:$0x2] =	stream.indirect_vreg.gather [hbm4b:s8+s12], $0x80, v3, vm0, $0xb8;
	[tilespmem:$0x18280] =	vst v63  }
0x2ce: {  	s25 =	simm.s32 $0xFA80  }
0x2cf: {  	[tilespmem:s25], [sflag:$0x2] =	stream.indirect_vreg.gather [hbm4b:s9+s12], $0x80, v3, vm0, $0xb8;
	[tilespmem:$0x18280] =	vst v63  }
0x2d0: {  	_ =	swait.ge [sflag:s2], $0x8000  }
0x2d1: {  	[sflag:s2] =	ssyncset.done $0x0  }
0x2d2: {  	s26 =	simm.s32 $0xA0;
	[sflag:s2] =	ssyncadd.s32 $0xFFFF8000  }
0x2d3: {  	v3 =	vld [tilespmem:s26+$0x0];
	_ =	sdelay $0x4  }
0x2d4: {  	(v2sf) =	vpush v3, $0x0;
	_ =	sdelay $0xe  }
0x2d5: {  	s7 =	spop (v2sf)  }
0x2d6: {  	p0 =	slt.s32 s7, $0x7D00  }
0x2d7: {  	s13 =	sshll.u32 @!p0 s7, $0xA;
	s7 =	sshll.u32 @!p0 s7, $0x7  }
0x2d8: {  	s13 =	sand.u32 @!p0 $0xFFFFE000, s13;
	s7 =	sand.u32 @!p0 $0x380, s7  }
0x2d9: {  	s7 =	sor.u32 @!p0 s7, s13  }
0x2da: {  	s14 =	sand.u32 @!p0 $0x6000, s12;
	s13 =	sand.u32 @!p0 $0x380, s12;
	s7 =	sadd.s32 @!p0 $0xFE0C0000, s7  }
0x2db: {  	s13 =	sor.u32 @!p0 s13, s14;
	s7 =	sshrl.u32 @!p0 s7, $0x3  }
0x2dc: {  	s14 =	simm.s32 @!p0 $0x0;
	s13 =	sadd.s32 @!p0 $0x10280, s13;
	s7 =	sadd.s32 @!p0 s3, s7  }
0x2dd: {  	[tilespmem:s13], [sflag:$0x7] =	stream.linear.gather @!p0 [hbm4b:s7+s14], $0x80, $0x38;
	[tilespmem:$0x18280] =	vst v63  }
0x2de: {  	s15 =	sadd.s32 @!p0 $0x400, s13;
	s16 =	sadd.s32 @!p0 $0x80, s7  }
0x2df: {  	[tilespmem:s15], [sflag:$0x7] =	stream.linear.gather @!p0 [hbm4b:s16+s14], $0x80, $0x38;
	[tilespmem:$0x18280] =	vst v63  }
0x2e0: {  	s15 =	sor.u32 @!p0 $0x800, s13;
	s16 =	sadd.s32 @!p0 $0x100, s7  }
0x2e1: {  	[tilespmem:s15], [sflag:$0x7] =	stream.linear.gather @!p0 [hbm4b:s16+s14], $0x80, $0x38;
	[tilespmem:$0x18280] =	vst v63  }
0x2e2: {  	s15 =	sadd.s32 @!p0 $0xC00, s13;
	s16 =	sadd.s32 @!p0 $0x180, s7  }
0x2e3: {  	[tilespmem:s15], [sflag:$0x7] =	stream.linear.gather @!p0 [hbm4b:s16+s14], $0x80, $0x38;
	[tilespmem:$0x18280] =	vst v63  }
0x2e4: {  	s15 =	sadd.s32 @!p0 $0x200, s7;
	s16 =	sor.u32 @!p0 $0x1000, s13  }
0x2e5: {  	[tilespmem:s16], [sflag:$0x7] =	stream.linear.gather @!p0 [hbm4b:s15+s14], $0x80, $0x38;
	[tilespmem:$0x18280] =	vst v63  }
0x2e6: {  	s15 =	sadd.s32 @!p0 $0x280, s7;
	s16 =	sadd.s32 @!p0 $0x1400, s13  }
0x2e7: {  	[tilespmem:s16], [sflag:$0x7] =	stream.linear.gather @!p0 [hbm4b:s15+s14], $0x80, $0x38;
	[tilespmem:$0x18280] =	vst v63  }
0x2e8: {  	s15 =	sadd.s32 @!p0 $0x300, s7;
	s16 =	sor.u32 @!p0 $0x1800, s13  }
0x2e9: {  	[tilespmem:s16], [sflag:$0x7] =	stream.linear.gather @!p0 [hbm4b:s15+s14], $0x80, $0x38;
	[tilespmem:$0x18280] =	vst v63  }
0x2ea: {  	s7 =	sadd.s32 @!p0 $0x380, s7;
	s13 =	sadd.s32 @!p0 $0x1C00, s13;
	s15 =	simm.s32 @!p0 $0x7  }
0x2eb: {  	[tilespmem:s13], [sflag:$0x7] =	stream.linear.gather @!p0 [hbm4b:s7+s14], $0x80, $0x38;
	[tilespmem:$0x18280] =	vst v63  }
0x2ec: {  	_ =	swait.ge @!p0 [sflag:s15], $0x400  }
0x2ed: {  	s13 =	simm.s32 $0x400;
	s14 =	simm.s32 $0xA1;
	[sflag:s15] =	ssyncset.done @!p0 $0x0  }
.LBB2_12:
0x2ee: {  	[sflag:s15] =	ssyncadd.s32 @!p0 $0xFFFFFC00  }
0x2ef: {  	s12 =	sadd.s32 $0x80, s12;
	s7 =	smov.u32 s13;
	s13 =	sadd.s32 $0x400, s13  }
0x2f0: {  	p1 =	sne.s32 s13, $0x8000  }
0x2f1: {  	v3 =	vld [tilespmem:s14+$0x0];
	_ =	sdelay $0x4  }
0x2f2: {  	(v2sf) =	vpush v3, $0x0;
	_ =	sdelay $0xe  }
0x2f3: {  	s15 =	spop (v2sf)  }
0x2f4: {  	p0 =	slt.s32 s15, $0x7D00  }
0x2f5: {  	s16 =	sshll.u32 @!p0 s15, $0xA;
	s15 =	sshll.u32 @!p0 s15, $0x7;
	s17 =	sand.u32 @!p0 $0x380, s12  }
0x2f6: {  	s7 =	sand.u32 @!p0 $0x6000, s7;
	s16 =	sand.u32 @!p0 $0xFFFFE000, s16;
	s15 =	sand.u32 @!p0 $0x380, s15  }
0x2f7: {  	s7 =	sor.u32 @!p0 s17, s7;
	s15 =	sor.u32 @!p0 s15, s16  }
0x2f8: {  	s7 =	sadd.s32 @!p0 $0x10280, s7;
	s15 =	sadd.s32 @!p0 $0xFE0C0000, s15  }
0x2f9: {  	s16 =	sadd.s32 @!p0 $0x400, s7;
	s17 =	sor.u32 @!p0 $0x800, s7;
	s15 =	sshrl.u32 @!p0 s15, $0x3  }
0x2fa: {  	s18 =	simm.s32 @!p0 $0x0;
	s20 =	sadd.s32 @!p0 $0xC00, s7;
	s15 =	sadd.s32 @!p0 s3, s15  }
0x2fb: {  	[tilespmem:s7], [sflag:$0x7] =	stream.linear.gather @!p0 [hbm4b:s15+s18], $0x80, $0x38;
	[tilespmem:$0x18280] =	vst v63  }
0x2fc: {  	s21 =	sadd.s32 @!p0 $0x80, s15;
	s22 =	sadd.s32 @!p0 $0x100, s15;
	s23 =	sadd.s32 @!p0 $0x180, s15  }
0x2fd: {  	[tilespmem:s16], [sflag:$0x7] =	stream.linear.gather @!p0 [hbm4b:s21+s18], $0x80, $0x38;
	[tilespmem:$0x18280] =	vst v63  }
0x2fe: {  	s24 =	sadd.s32 @!p0 $0x280, s15;
	s16 =	sadd.s32 @!p0 $0x200, s15;
	s21 =	sor.u32 @!p0 $0x1000, s7  }
0x2ff: {  	[tilespmem:s17], [sflag:$0x7] =	stream.linear.gather @!p0 [hbm4b:s22+s18], $0x80, $0x38;
	[tilespmem:$0x18280] =	vst v63  }
0x300: {  	s25 =	sor.u32 @!p0 $0x1800, s7;
	s17 =	sadd.s32 @!p0 $0x1400, s7;
	s22 =	sadd.s32 @!p0 $0x300, s15  }
0x301: {  	[tilespmem:s20], [sflag:$0x7] =	stream.linear.gather @!p0 [hbm4b:s23+s18], $0x80, $0x38;
	[tilespmem:$0x18280] =	vst v63  }
0x302: {  	s7 =	sadd.s32 @!p0 $0x1C00, s7;
	s20 =	sadd.s32 @!p0 $0x380, s15  }
0x303: {  	[tilespmem:s21], [sflag:$0x7] =	stream.linear.gather @!p0 [hbm4b:s16+s18], $0x80, $0x38;
	[tilespmem:$0x18280] =	vst v63  }
0x304: {  	_ = 	snop  }
0x305: {  	[tilespmem:s17], [sflag:$0x7] =	stream.linear.gather @!p0 [hbm4b:s24+s18], $0x80, $0x38;
	[tilespmem:$0x18280] =	vst v63  }
0x306: {  	_ = 	snop  }
0x307: {  	[tilespmem:s25], [sflag:$0x7] =	stream.linear.gather @!p0 [hbm4b:s22+s18], $0x80, $0x38;
	[tilespmem:$0x18280] =	vst v63  }
.Ltmp5:
0x308: {  	_ = 	snop;
	(pc) =	sbr.rel @p1 .LBB2_12-.Ltmp5, $4  }
0x309: {  	s15 =	simm.s32 @!p0 $0x7  }
0x30a: {  	[tilespmem:s7], [sflag:$0x7] =	stream.linear.gather @!p0 [hbm4b:s20+s18], $0x80, $0x38;
	[tilespmem:$0x18280] =	vst v63  }
0x30b: {  	_ =	swait.ge @!p0 [sflag:s15], $0x400  }
0x30c: {  	s14 =	sadd.s32 $0x1, s14;
	[sflag:s15] =	ssyncset.done @!p0 $0x0  }
0x30d: {  	[sflag:s15] =	ssyncadd.s32 @!p0 $0xFFFFFC00;
	s12 =	simm.s32 $0x0;
	s7 =	rddreg [dreg:$0xb]  }
0x30e: {  	[hbm4b:s7+s12] =	stream.linear.scatter [tilespmem:s28], [sflag:$0x6], $0x8000, $0x38;
	[tilespmem:$0x18280] =	vst v63  }
0x30f: {  	_ =	swait.ge [sflag:s29], $0x8000  }
0x310: {  	[sflag:s29] =	ssyncset.done $0x0  }
0x311: {  	s26 =	simm.s32 $0xC0;
	[sflag:s29] =	ssyncadd.s32 $0xFFFF8000  }
0x312: {  	v3 =	vld [tilespmem:s26+$0x0];
	_ =	sdelay $0x4  }
0x313: {  	(v2sf) =	vpush v3, $0x0;
	_ =	sdelay $0xe  }
0x314: {  	s7 =	spop (v2sf)  }
0x315: {  	p0 =	slt.s32 s7, $0x7D00  }
0x316: {  	s13 =	sshll.u32 @!p0 s7, $0xA;
	s7 =	sshll.u32 @!p0 s7, $0x7  }
0x317: {  	s13 =	sand.u32 @!p0 $0xFFFFE000, s13;
	s7 =	sand.u32 @!p0 $0x380, s7  }
0x318: {  	s7 =	sor.u32 @!p0 s7, s13  }
0x319: {  	s14 =	sand.u32 @!p0 $0x6000, s12;
	s13 =	sand.u32 @!p0 $0x380, s12;
	s7 =	sadd.s32 @!p0 $0xFE0C0000, s7  }
0x31a: {  	s13 =	sor.u32 @!p0 s13, s14;
	s7 =	sshrl.u32 @!p0 s7, $0x3  }
0x31b: {  	s16 =	simm.s32 @!p0 $0x0;
	s14 =	sadd.s32 @!p0 $0x280, s13;
	s7 =	sadd.s32 @!p0 s3, s7  }
0x31c: {  	[tilespmem:s14], [sflag:$0x7] =	stream.linear.gather @!p0 [hbm4b:s7+s16], $0x80, $0x38;
	[tilespmem:$0x18280] =	vst v63  }
0x31d: {  	s14 =	sadd.s32 @!p0 $0x680, s13;
	s15 =	sadd.s32 @!p0 $0x80, s7  }
0x31e: {  	[tilespmem:s14], [sflag:$0x7] =	stream.linear.gather @!p0 [hbm4b:s15+s16], $0x80, $0x38;
	[tilespmem:$0x18280] =	vst v63  }
0x31f: {  	s14 =	sadd.s32 @!p0 $0xA80, s13;
	s15 =	sadd.s32 @!p0 $0x100, s7  }
0x320: {  	[tilespmem:s14], [sflag:$0x7] =	stream.linear.gather @!p0 [hbm4b:s15+s16], $0x80, $0x38;
	[tilespmem:$0x18280] =	vst v63  }
0x321: {  	s14 =	sadd.s32 @!p0 $0xE80, s13;
	s15 =	sadd.s32 @!p0 $0x180, s7  }
0x322: {  	[tilespmem:s14], [sflag:$0x7] =	stream.linear.gather @!p0 [hbm4b:s15+s16], $0x80, $0x38;
	[tilespmem:$0x18280] =	vst v63  }
0x323: {  	s14 =	sadd.s32 @!p0 $0x1280, s13;
	s15 =	sadd.s32 @!p0 $0x200, s7  }
0x324: {  	[tilespmem:s14], [sflag:$0x7] =	stream.linear.gather @!p0 [hbm4b:s15+s16], $0x80, $0x38;
	[tilespmem:$0x18280] =	vst v63  }
0x325: {  	s14 =	sadd.s32 @!p0 $0x280, s7;
	s15 =	sadd.s32 @!p0 $0x1680, s13  }
0x326: {  	[tilespmem:s15], [sflag:$0x7] =	stream.linear.gather @!p0 [hbm4b:s14+s16], $0x80, $0x38;
	[tilespmem:$0x18280] =	vst v63  }
0x327: {  	s14 =	sadd.s32 @!p0 $0x300, s7;
	s15 =	sadd.s32 @!p0 $0x1A80, s13  }
0x328: {  	[tilespmem:s15], [sflag:$0x7] =	stream.linear.gather @!p0 [hbm4b:s14+s16], $0x80, $0x38;
	[tilespmem:$0x18280] =	vst v63  }
0x329: {  	s7 =	sadd.s32 @!p0 $0x380, s7;
	s13 =	sadd.s32 @!p0 $0x1E80, s13;
	s15 =	simm.s32 @!p0 $0x7  }
0x32a: {  	[tilespmem:s13], [sflag:$0x7] =	stream.linear.gather @!p0 [hbm4b:s7+s16], $0x80, $0x38;
	[tilespmem:$0x18280] =	vst v63  }
0x32b: {  	_ =	swait.ge @!p0 [sflag:s15], $0x400  }
0x32c: {  	s14 =	simm.s32 $0xC1;
	s13 =	simm.s32 $0x400;
	[sflag:s15] =	ssyncset.done @!p0 $0x0  }
.LBB2_14:
0x32d: {  	[sflag:s15] =	ssyncadd.s32 @!p0 $0xFFFFFC00  }
0x32e: {  	s12 =	sadd.s32 $0x80, s12;
	s7 =	smov.u32 s13;
	s13 =	sadd.s32 $0x400, s13  }
0x32f: {  	p1 =	sne.s32 s13, $0x8000  }
0x330: {  	v3 =	vld [tilespmem:s14+$0x0];
	_ =	sdelay $0x4  }
0x331: {  	(v2sf) =	vpush v3, $0x0;
	_ =	sdelay $0xe  }
0x332: {  	s15 =	spop (v2sf)  }
0x333: {  	p0 =	slt.s32 s15, $0x7D00  }
0x334: {  	s16 =	sshll.u32 @!p0 s15, $0xA;
	s15 =	sshll.u32 @!p0 s15, $0x7;
	s17 =	sand.u32 @!p0 $0x380, s12  }
0x335: {  	s7 =	sand.u32 @!p0 $0x6000, s7;
	s16 =	sand.u32 @!p0 $0xFFFFE000, s16;
	s15 =	sand.u32 @!p0 $0x380, s15  }
0x336: {  	s7 =	sor.u32 @!p0 s17, s7;
	s15 =	sor.u32 @!p0 s15, s16  }
0x337: {  	s16 =	sadd.s32 @!p0 $0x280, s7;
	s17 =	sadd.s32 @!p0 $0x680, s7;
	s15 =	sadd.s32 @!p0 $0xFE0C0000, s15  }
0x338: {  	s18 =	sadd.s32 @!p0 $0xA80, s7;
	s20 =	sadd.s32 @!p0 $0xE80, s7;
	s15 =	sshrl.u32 @!p0 s15, $0x3  }
0x339: {  	s21 =	simm.s32 @!p0 $0x0;
	s22 =	sadd.s32 @!p0 $0x1280, s7;
	s15 =	sadd.s32 @!p0 s3, s15  }
0x33a: {  	[tilespmem:s16], [sflag:$0x7] =	stream.linear.gather @!p0 [hbm4b:s15+s21], $0x80, $0x38;
	[tilespmem:$0x18280] =	vst v63  }
0x33b: {  	s16 =	sadd.s32 @!p0 $0x80, s15;
	s23 =	sadd.s32 @!p0 $0x100, s15;
	s24 =	sadd.s32 @!p0 $0x180, s15  }
0x33c: {  	[tilespmem:s17], [sflag:$0x7] =	stream.linear.gather @!p0 [hbm4b:s16+s21], $0x80, $0x38;
	[tilespmem:$0x18280] =	vst v63  }
0x33d: {  	s25 =	sadd.s32 @!p0 $0x300, s15;
	s16 =	sadd.s32 @!p0 $0x200, s15;
	s17 =	sadd.s32 @!p0 $0x280, s15  }
0x33e: {  	[tilespmem:s18], [sflag:$0x7] =	stream.linear.gather @!p0 [hbm4b:s23+s21], $0x80, $0x38;
	[tilespmem:$0x18280] =	vst v63  }
0x33f: {  	s26 =	sadd.s32 @!p0 $0x380, s15;
	s18 =	sadd.s32 @!p0 $0x1680, s7;
	s23 =	sadd.s32 @!p0 $0x1A80, s7  }
0x340: {  	[tilespmem:s20], [sflag:$0x7] =	stream.linear.gather @!p0 [hbm4b:s24+s21], $0x80, $0x38;
	[tilespmem:$0x18280] =	vst v63  }
0x341: {  	s7 =	sadd.s32 @!p0 $0x1E80, s7  }
0x342: {  	[tilespmem:s22], [sflag:$0x7] =	stream.linear.gather @!p0 [hbm4b:s16+s21], $0x80, $0x38;
	[tilespmem:$0x18280] =	vst v63  }
0x343: {  	_ = 	snop  }
0x344: {  	[tilespmem:s18], [sflag:$0x7] =	stream.linear.gather @!p0 [hbm4b:s17+s21], $0x80, $0x38;
	[tilespmem:$0x18280] =	vst v63  }
0x345: {  	_ = 	snop  }
0x346: {  	[tilespmem:s23], [sflag:$0x7] =	stream.linear.gather @!p0 [hbm4b:s25+s21], $0x80, $0x38;
	[tilespmem:$0x18280] =	vst v63  }
.Ltmp6:
0x347: {  	_ = 	snop;
	(pc) =	sbr.rel @p1 .LBB2_14-.Ltmp6, $4  }
0x348: {  	s15 =	simm.s32 @!p0 $0x7  }
0x349: {  	[tilespmem:s7], [sflag:$0x7] =	stream.linear.gather @!p0 [hbm4b:s26+s21], $0x80, $0x38;
	[tilespmem:$0x18280] =	vst v63  }
0x34a: {  	_ =	swait.ge @!p0 [sflag:s15], $0x400  }
0x34b: {  	s14 =	sadd.s32 $0x1, s14;
	[sflag:s15] =	ssyncset.done @!p0 $0x0  }
0x34c: {  	[sflag:s15] =	ssyncadd.s32 @!p0 $0xFFFFFC00;
	s12 =	simm.s32 $0x0;
	s7 =	rddreg [dreg:$0xc]  }
0x34d: {  	[hbm4b:s7+s12] =	stream.linear.scatter [tilespmem:s19], [sflag:$0x4], $0x8000, $0x38;
	[tilespmem:$0x18280] =	vst v63  }
0x34e: {  	_ =	swait.ge [sflag:s31], $0x8000  }
0x34f: {  	[sflag:s31] =	ssyncset.done $0x0  }
0x350: {  	s26 =	simm.s32 $0xE0;
	[sflag:s31] =	ssyncadd.s32 $0xFFFF8000  }
0x351: {  	v3 =	vld [tilespmem:s26+$0x0];
	_ =	sdelay $0x4  }
0x352: {  	(v2sf) =	vpush v3, $0x0;
	_ =	sdelay $0xe  }
0x353: {  	s7 =	spop (v2sf)  }
0x354: {  	p0 =	slt.s32 s7, $0x7D00  }
0x355: {  	s13 =	sshll.u32 @!p0 s7, $0xA;
	s7 =	sshll.u32 @!p0 s7, $0x7  }
0x356: {  	s13 =	sand.u32 @!p0 $0xFFFFE000, s13;
	s7 =	sand.u32 @!p0 $0x380, s7  }
0x357: {  	s7 =	sor.u32 @!p0 s7, s13  }
0x358: {  	s14 =	sand.u32 @!p0 $0x6000, s12;
	s13 =	sand.u32 @!p0 $0x380, s12;
	s7 =	sadd.s32 @!p0 $0xFE0C0000, s7  }
0x359: {  	s13 =	sor.u32 @!p0 s13, s14;
	s7 =	sshrl.u32 @!p0 s7, $0x3  }
0x35a: {  	s16 =	simm.s32 @!p0 $0x0;
	s14 =	sadd.s32 @!p0 $0x8280, s13;
	s7 =	sadd.s32 @!p0 s3, s7  }
0x35b: {  	[tilespmem:s14], [sflag:$0x7] =	stream.linear.gather @!p0 [hbm4b:s7+s16], $0x80, $0x38;
	[tilespmem:$0x18280] =	vst v63  }
0x35c: {  	s14 =	sadd.s32 @!p0 $0x8680, s13;
	s15 =	sadd.s32 @!p0 $0x80, s7  }
0x35d: {  	[tilespmem:s14], [sflag:$0x7] =	stream.linear.gather @!p0 [hbm4b:s15+s16], $0x80, $0x38;
	[tilespmem:$0x18280] =	vst v63  }
0x35e: {  	s14 =	sadd.s32 @!p0 $0x8A80, s13;
	s15 =	sadd.s32 @!p0 $0x100, s7  }
0x35f: {  	[tilespmem:s14], [sflag:$0x7] =	stream.linear.gather @!p0 [hbm4b:s15+s16], $0x80, $0x38;
	[tilespmem:$0x18280] =	vst v63  }
0x360: {  	s14 =	sadd.s32 @!p0 $0x8E80, s13;
	s15 =	sadd.s32 @!p0 $0x180, s7  }
0x361: {  	[tilespmem:s14], [sflag:$0x7] =	stream.linear.gather @!p0 [hbm4b:s15+s16], $0x80, $0x38;
	[tilespmem:$0x18280] =	vst v63  }
0x362: {  	s14 =	sadd.s32 @!p0 $0x9280, s13;
	s15 =	sadd.s32 @!p0 $0x200, s7  }
0x363: {  	[tilespmem:s14], [sflag:$0x7] =	stream.linear.gather @!p0 [hbm4b:s15+s16], $0x80, $0x38;
	[tilespmem:$0x18280] =	vst v63  }
0x364: {  	s14 =	sadd.s32 @!p0 $0x280, s7;
	s15 =	sadd.s32 @!p0 $0x9680, s13  }
0x365: {  	[tilespmem:s15], [sflag:$0x7] =	stream.linear.gather @!p0 [hbm4b:s14+s16], $0x80, $0x38;
	[tilespmem:$0x18280] =	vst v63  }
0x366: {  	s14 =	sadd.s32 @!p0 $0x300, s7;
	s15 =	sadd.s32 @!p0 $0x9A80, s13  }
0x367: {  	[tilespmem:s15], [sflag:$0x7] =	stream.linear.gather @!p0 [hbm4b:s14+s16], $0x80, $0x38;
	[tilespmem:$0x18280] =	vst v63  }
0x368: {  	s7 =	sadd.s32 @!p0 $0x380, s7;
	s13 =	sadd.s32 @!p0 $0x9E80, s13;
	s15 =	simm.s32 @!p0 $0x7  }
0x369: {  	[tilespmem:s13], [sflag:$0x7] =	stream.linear.gather @!p0 [hbm4b:s7+s16], $0x80, $0x38;
	[tilespmem:$0x18280] =	vst v63  }
0x36a: {  	_ =	swait.ge @!p0 [sflag:s15], $0x400  }
0x36b: {  	s14 =	simm.s32 $0xE1;
	s13 =	simm.s32 $0x400;
	[sflag:s15] =	ssyncset.done @!p0 $0x0  }
.LBB2_16:
0x36c: {  	[sflag:s15] =	ssyncadd.s32 @!p0 $0xFFFFFC00  }
0x36d: {  	s12 =	sadd.s32 $0x80, s12;
	s7 =	smov.u32 s13;
	s13 =	sadd.s32 $0x400, s13  }
0x36e: {  	p1 =	sne.s32 s13, $0x8000  }
0x36f: {  	v3 =	vld [tilespmem:s14+$0x0];
	_ =	sdelay $0x4  }
0x370: {  	(v2sf) =	vpush v3, $0x0;
	_ =	sdelay $0xe  }
0x371: {  	s15 =	spop (v2sf)  }
0x372: {  	p0 =	slt.s32 s15, $0x7D00  }
0x373: {  	s16 =	sshll.u32 @!p0 s15, $0xA;
	s15 =	sshll.u32 @!p0 s15, $0x7;
	s17 =	sand.u32 @!p0 $0x380, s12  }
0x374: {  	s7 =	sand.u32 @!p0 $0x6000, s7;
	s16 =	sand.u32 @!p0 $0xFFFFE000, s16;
	s15 =	sand.u32 @!p0 $0x380, s15  }
0x375: {  	s7 =	sor.u32 @!p0 s17, s7;
	s15 =	sor.u32 @!p0 s15, s16  }
0x376: {  	s16 =	sadd.s32 @!p0 $0x8280, s7;
	s17 =	sadd.s32 @!p0 $0x8680, s7;
	s15 =	sadd.s32 @!p0 $0xFE0C0000, s15  }
0x377: {  	s18 =	sadd.s32 @!p0 $0x8A80, s7;
	s20 =	sadd.s32 @!p0 $0x8E80, s7;
	s15 =	sshrl.u32 @!p0 s15, $0x3  }
0x378: {  	s21 =	simm.s32 @!p0 $0x0;
	s22 =	sadd.s32 @!p0 $0x9280, s7;
	s15 =	sadd.s32 @!p0 s3, s15  }
0x379: {  	[tilespmem:s16], [sflag:$0x7] =	stream.linear.gather @!p0 [hbm4b:s15+s21], $0x80, $0x38;
	[tilespmem:$0x18280] =	vst v63  }
0x37a: {  	s16 =	sadd.s32 @!p0 $0x80, s15;
	s23 =	sadd.s32 @!p0 $0x100, s15;
	s24 =	sadd.s32 @!p0 $0x180, s15  }
0x37b: {  	[tilespmem:s17], [sflag:$0x7] =	stream.linear.gather @!p0 [hbm4b:s16+s21], $0x80, $0x38;
	[tilespmem:$0x18280] =	vst v63  }
0x37c: {  	s25 =	sadd.s32 @!p0 $0x300, s15;
	s16 =	sadd.s32 @!p0 $0x200, s15;
	s17 =	sadd.s32 @!p0 $0x280, s15  }
0x37d: {  	[tilespmem:s18], [sflag:$0x7] =	stream.linear.gather @!p0 [hbm4b:s23+s21], $0x80, $0x38;
	[tilespmem:$0x18280] =	vst v63  }
0x37e: {  	s26 =	sadd.s32 @!p0 $0x380, s15;
	s18 =	sadd.s32 @!p0 $0x9680, s7;
	s23 =	sadd.s32 @!p0 $0x9A80, s7  }
0x37f: {  	[tilespmem:s20], [sflag:$0x7] =	stream.linear.gather @!p0 [hbm4b:s24+s21], $0x80, $0x38;
	[tilespmem:$0x18280] =	vst v63  }
0x380: {  	s7 =	sadd.s32 @!p0 $0x9E80, s7  }
0x381: {  	[tilespmem:s22], [sflag:$0x7] =	stream.linear.gather @!p0 [hbm4b:s16+s21], $0x80, $0x38;
	[tilespmem:$0x18280] =	vst v63  }
0x382: {  	_ = 	snop  }
0x383: {  	[tilespmem:s18], [sflag:$0x7] =	stream.linear.gather @!p0 [hbm4b:s17+s21], $0x80, $0x38;
	[tilespmem:$0x18280] =	vst v63  }
0x384: {  	_ = 	snop  }
0x385: {  	[tilespmem:s23], [sflag:$0x7] =	stream.linear.gather @!p0 [hbm4b:s25+s21], $0x80, $0x38;
	[tilespmem:$0x18280] =	vst v63  }
.Ltmp7:
0x386: {  	_ = 	snop;
	(pc) =	sbr.rel @p1 .LBB2_16-.Ltmp7, $4  }
0x387: {  	s15 =	simm.s32 @!p0 $0x7  }
0x388: {  	[tilespmem:s7], [sflag:$0x7] =	stream.linear.gather @!p0 [hbm4b:s26+s21], $0x80, $0x38;
	[tilespmem:$0x18280] =	vst v63  }
0x389: {  	_ =	swait.ge @!p0 [sflag:s15], $0x400  }
0x38a: {  	s14 =	sadd.s32 $0x1, s14;
	[sflag:s15] =	ssyncset.done @!p0 $0x0  }
0x38b: {  	[sflag:s15] =	ssyncadd.s32 @!p0 $0xFFFFFC00;
	s7 =	rddreg [dreg:$0xd]  }
0x38c: {  	[hbm4b:s7+s4] =	stream.linear.scatter [tilespmem:s11], [sflag:$0x5], $0x8000, $0x38;
	[tilespmem:$0x18280] =	vst v63  }
0x38d: {  	_ =	swait.ge [sflag:s5], $0x8000  }
0x38e: {  	[sflag:s5] =	ssyncset.done $0x0  }
0x38f: {  	[sflag:s5] =	ssyncadd.s32 $0xFFFF8000  }
0x390: {  	_ =	swait.ge [sflag:s30], $0x8000  }
0x391: {  	[sflag:s30] =	ssyncset.done $0x0  }
0x392: {  	[sflag:s30] =	ssyncadd.s32 $0xFFFF8000  }
0x393: {  	_ =	swait.ge [sflag:s0], $0x8000  }
0x394: {  	s10 =	sadd.s32 $0x1, s10;
	s26 =	rddreg [dreg:$0xe]  }
0x395: {  	p0 =	sne.s32 s10, s26  }
.Ltmp8:
0x396: {  	_ = 	snop;
	(pc) =	sbr.rel @p0 .LBB2_1-.Ltmp8, $3  }
0x397: {  	_ =	sdelay $0x1  }
0x398: {  	[sflag:s0] =	ssyncset.done $0x0  }
0x399: {  	[sflag:s0] =	ssyncadd.s32 $0xFFFF8000  }
0x39a: {  	_ =	sfence.sel $0x180000  }
0x39b: {  	[bflag:$0x0] =	sbarrier.arrive $0xFFFF  }
0x39c: {  	_ =	strace $0x90000047  }
0x39d: {  	s0 =	stileid.u32;
	[bflag:$0x2] =	sbarrier.arrive $0xFFFF  }
0x39e: {  	p0 =	sne.s32 s0, $0x0;
	s0 =	rddreg [dreg:$0x4]  }
0x39f: {  	s0 =	sadd.s32 @!p0 $0x100000, s0  }
0x3a0: {  	[sflag:s0] =	ssyncadd.tile.s32 @!p0 $0x1;
	_ =	shalt  }
.Lfunc_end2:
_tile_overlayer_lowered:
.L_overlay_start_2:
0x3a1: {  	(tag) =	ssettag $0x2  }
0x3a2: {  	s0 =	rddreg [dreg:$0x0];
	s2 =	stileid.u32  }
0x3a3: {  	s1 =	rddreg [dreg:$0x1];
	p0 =	sne.s32 s2, $0x0  }
0x3a4: {  	s3 =	rddreg [dreg:$0x2];
	[bflag:$0x3] =	sbarrier.arrive $0xFFFF;
	s2 =	simm.s32 @!p0 $0x1C07  }
0x3a5: {  	[timem:s3], [sflag:s2] =	dma.local @!p0 [hbm:s0], s1  }
0x3a6: {  	s0 =	simm.s32 @!p0 $0x7  }
0x3a7: {  	_ =	swait.ge @!p0 [sflag:s0], s1  }
0x3a8: {  	s1 =	ssub.s32 @!p0 $0x0, s1;
	[sflag:s0] =	ssyncset.done @!p0 $0x0  }
0x3a9: {  	[sflag:s0] =	ssyncadd.s32 @!p0 s1  }
0x3aa: {  	[bflag:$0x3] =	sbarrier.arrive $0xFFFF  }
0x3ab: {  	_ =	shalt  }

</sc_bundles>
